<compile_context>
chip_gen: v7x
topology: tpu7x:2x2x1
jax: 0.10.2.dev20260603
libtpu: 0.0.44.dev20260713+nightly
codegen_flags: <defaults>
</compile_context>

<pallas_src>
import functools

import jax
import jax.numpy as jnp
from jax import lax
from jax.experimental import pallas as pl
from jax.experimental.pallas import tpu as pltpu
from jax.experimental.pallas import tpu_sc as plsc

VOCAB_SIZE = 1000000
EMBED_DIM = 64
BATCH = 16384

_info = plsc.get_sparse_core_info()
_NC = _info.num_cores
_NS = _info.num_subcores
_NW = _NC * _NS
_B_PER_W = BATCH // _NW
_NBUF = 8
_NBLK = _B_PER_W // _NBUF

_mesh = plsc.VectorSubcoreMesh(core_axis_name="c", subcore_axis_name="s")


@functools.partial(
    pl.kernel,
    mesh=_mesh,
    out_type=jax.ShapeDtypeStruct((BATCH * EMBED_DIM,), jnp.float32),
    scratch_types=[
        pltpu.VMEM((_B_PER_W,), jnp.int32),
        pltpu.VMEM((_B_PER_W * 16,), jnp.int32),
        pltpu.VMEM((_NBUF, EMBED_DIM, 128), jnp.float32),
        pltpu.VMEM((_B_PER_W * EMBED_DIM,), jnp.float32),
    ]
    + [pltpu.SemaphoreType.DMA] * _NBUF,
    compiler_params=pltpu.CompilerParams(needs_layout_passes=False),
)
def _gather_cols(
    idx_hbm, table_t_hbm, out_hbm, idx_v, meta_v, ring_v, stage_v, *sems
):
    wid = lax.axis_index("s") * _NC + lax.axis_index("c")
    base = wid * _B_PER_W
    pltpu.sync_copy(idx_hbm.at[pl.ds(base, _B_PER_W)], idx_v)

    lanes = lax.iota(jnp.int32, 16)

    for g in range(_B_PER_W // 16):
        v = idx_v[pl.ds(g * 16, 16)]
        aligned = (v >> 7) << 7
        lane = v & 127
        pos = (lanes + g * 16) * 16
        plsc.store_scatter(meta_v, [pos], aligned)
        plsc.store_scatter(meta_v, [pos + 1], lane)

    def fetch(k, slot):
        m = meta_v[pl.ds(pl.multiple_of(k * 16, 16), 16)]
        aligned = pl.multiple_of(m[0], 128)
        pltpu.async_copy(
            table_t_hbm.at[:, pl.ds(aligned, 128)], ring_v.at[slot], sems[slot]
        )

    def extract(k, slot):
        m = meta_v[pl.ds(pl.multiple_of(k * 16, 16), 16)]
        col = lax.broadcast(m[1], (16,))
        for s in range(EMBED_DIM // 16):
            vals = plsc.load_gather(ring_v.at[slot], [lanes + 16 * s, col])
            stage_v[pl.ds(pl.multiple_of(k * EMBED_DIM + 16 * s, 16), 16)] = vals

    def wait_slot(slot):
        pltpu.make_async_copy(
            table_t_hbm.at[:, pl.ds(0, 128)], ring_v.at[slot], sems[slot]
        ).wait()

    for j in range(_NBUF):
        fetch(jnp.int32(j), j)

    def body(blk, _):
        for j in range(_NBUF):
            k = blk * _NBUF + j
            wait_slot(j)
            extract(k, j)
            fetch(k + _NBUF, j)
        return 0

    lax.fori_loop(0, _NBLK - 1, body, 0)
    for j in range(_NBUF):
        k = (_NBLK - 1) * _NBUF + j
        wait_slot(j)
        extract(jnp.int32(k), j)

    pltpu.sync_copy(
        stage_v, out_hbm.at[pl.ds(base * EMBED_DIM, _B_PER_W * EMBED_DIM)]
    )


def kernel(word_indices, word_embs):
    flat = _gather_cols(word_indices.astype(jnp.int32), word_embs.T)
    return flat.reshape(BATCH, EMBED_DIM)

# --- scband reference (transcript-rebuilt; emitter-appended) ---
"""Pipeline reference for scband-word2-vec-80324478370158 (READ-ONLY COPY).

The authoritative reference and input builder live on the scoring server;
editing this copy changes nothing except your own understanding.
"""

import jax, jax.numpy as jnp
import numpy as np

VOCAB_SIZE = 1000000
EMBED_DIM = 64
BATCH = 16384

def setup_inputs(seed: int = 0) -> dict:
    key = jax.random.key(seed)
    k_idx, k_emb = jax.random.split(key)
    word_indices = jax.random.randint(k_idx, (BATCH,), 0, VOCAB_SIZE, dtype=jnp.int64 if jax.config.jax_enable_x64 else jnp.int32)
    init_width = 0.5 / EMBED_DIM
    word_embs = jax.random.uniform(k_emb, (VOCAB_SIZE, EMBED_DIM), dtype=jnp.float32, minval=-init_width, maxval=init_width)
    return {"word_indices": word_indices, "word_embs": word_embs}

def reference(word_indices, word_embs):
    # Faithful translation of get_embeddings_: tf.nn.embedding_lookup(word_embs_, word_indices_)
    return jnp.take(word_embs, word_indices, axis=0)

if __name__ == "__main__":
    import jax
    _d = setup_inputs()
    print(jax.jit(kernel)(*tuple(_d.values())))

</pallas_src>

<mosaic_0001>
#map = affine_map<(d0, d1) -> (0)>
#map1 = affine_map<(d0, d1) -> (0, 0)>
module attributes {stable_mosaic.version = 14 : i64} {
  func.func @_gather_cols(%arg0: i32, %arg1: i32, %arg2: memref<16384xi32, #tpu.memory_space<hbm>>, %arg3: memref<64x1000000xf32, #tpu.memory_space<hbm>>, %arg4: memref<1048576xf32, #tpu.memory_space<hbm>>, %arg5: memref<512xi32, #tpu.memory_space<vmem>>, %arg6: memref<8192xi32, #tpu.memory_space<vmem>>, %arg7: memref<8x64x128xf32, #tpu.memory_space<vmem>>, %arg8: memref<32768xf32, #tpu.memory_space<vmem>>, %arg9: memref<!tpu.dma_semaphore, #tpu.memory_space<semaphore_mem>>, %arg10: memref<!tpu.dma_semaphore, #tpu.memory_space<semaphore_mem>>, %arg11: memref<!tpu.dma_semaphore, #tpu.memory_space<semaphore_mem>>, %arg12: memref<!tpu.dma_semaphore, #tpu.memory_space<semaphore_mem>>, %arg13: memref<!tpu.dma_semaphore, #tpu.memory_space<semaphore_mem>>, %arg14: memref<!tpu.dma_semaphore, #tpu.memory_space<semaphore_mem>>, %arg15: memref<!tpu.dma_semaphore, #tpu.memory_space<semaphore_mem>>, %arg16: memref<!tpu.dma_semaphore, #tpu.memory_space<semaphore_mem>>) attributes {dimension_semantics = [#tpu.dimension_semantics<core_parallel>, #tpu.dimension_semantics<subcore_parallel>], iteration_bounds = array<i64: 2, 16>, scalar_prefetch = 0 : i64, scratch_operands = 12 : i64, tpu.core_type = #tpu.core_type<sc_vector_subcore>, window_params = [{transform_indices = #map}, {transform_indices = #map1}, {transform_indices = #map}]} {
    %mul3A = arith.constant 2 : i32
    %mul3A_0 = arith.muli %arg1, %mul3A : i32
    %add3A = arith.addi %mul3A_0, %arg0 : i32
    %mul3A_1 = arith.constant 512 : i32
    %mul3A_2 = arith.muli %add3A, %mul3A_1 : i32
    "tpu.region"() ({
      %run_scoped3A = tpu.sem_alloc : memref<!tpu.dma_semaphore, #tpu.memory_space<semaphore_mem>>
      %dma_start3A_1551 = tpu.memref_slice %arg2[%mul3A_2] : memref<16384xi32, #tpu.memory_space<hbm>> -> memref<512xi32, #tpu.memory_space<hbm>>
      %dma_start3A_1552 = tpu.memref_slice %arg2[%mul3A_2] : memref<16384xi32, #tpu.memory_space<hbm>> -> memref<512xi32, #tpu.memory_space<hbm>>
      tpu.enqueue_dma source(%dma_start3A_1552 : memref<512xi32, #tpu.memory_space<hbm>>) target(%arg5 : memref<512xi32, #tpu.memory_space<vmem>>) target_semaphore(%run_scoped3A : memref<!tpu.dma_semaphore, #tpu.memory_space<semaphore_mem>>)
      %dma_wait3A_1553 = tpu.memref_slice %arg2[%mul3A_2] : memref<16384xi32, #tpu.memory_space<hbm>> -> memref<512xi32, #tpu.memory_space<hbm>>
      %dma_wait3A_1554 = tpu.memref_slice %arg2[%mul3A_2] : memref<16384xi32, #tpu.memory_space<hbm>> -> memref<512xi32, #tpu.memory_space<hbm>>
      tpu.wait_dma2 semaphore(%run_scoped3A : memref<!tpu.dma_semaphore, #tpu.memory_space<semaphore_mem>>) src(%dma_wait3A_1554 : memref<512xi32, #tpu.memory_space<hbm>>) dst(%arg5 : memref<512xi32, #tpu.memory_space<vmem>>)
      tpu.yield
    }) : () -> ()
    %iota3A = tpu.iota {dimensions = array<i32: 0>} : vector<16xi32>
    %get3A = arith.constant 0 : index
    %get3A_3 = tpu.vector_load %arg5[%get3A] {strides = array<i32>} : memref<512xi32, #tpu.memory_space<vmem>>, vector<16xi32>,
    %shift_right_arithmetic3A = arith.constant 7 : i32
    %shift_right_arithmetic3A_4 = vector.broadcast %shift_right_arithmetic3A : i32 to vector<16xi32>
    %shift_right_arithmetic3A_5 = arith.shrsi %get3A_3, %shift_right_arithmetic3A_4 : vector<16xi32>
    %shift_left3A = arith.constant 7 : i32
    %shift_left3A_6 = vector.broadcast %shift_left3A : i32 to vector<16xi32>
    %shift_left3A_7 = arith.shli %shift_right_arithmetic3A_5, %shift_left3A_6 : vector<16xi32>
    %and3A = arith.constant 127 : i32
    %and3A_8 = vector.broadcast %and3A : i32 to vector<16xi32>
    %and3A_9 = arith.andi %get3A_3, %and3A_8 : vector<16xi32>
    %add3A_10 = arith.constant 0 : i32
    %add3A_11 = vector.broadcast %add3A_10 : i32 to vector<16xi32>
    %add3A_12 = arith.addi %iota3A, %add3A_11 : vector<16xi32>
    %mul3A_13 = arith.constant 16 : i32
    %mul3A_14 = vector.broadcast %mul3A_13 : i32 to vector<16xi32>
    %mul3A_15 = arith.muli %add3A_12, %mul3A_14 : vector<16xi32>
    tpu.vector_store_idx %arg6[%mul3A_15], %shift_left3A_7 : memref<8192xi32, #tpu.memory_space<vmem>>[vector<16xi32>], vector<16xi32>,
    %add3A_16 = arith.constant 1 : i32
    %add3A_17 = vector.broadcast %add3A_16 : i32 to vector<16xi32>
    %add3A_18 = arith.addi %mul3A_15, %add3A_17 : vector<16xi32>
    tpu.vector_store_idx %arg6[%add3A_18], %and3A_9 : memref<8192xi32, #tpu.memory_space<vmem>>[vector<16xi32>], vector<16xi32>,
    %get3A_19 = arith.constant 16 : index
    %get3A_20 = tpu.vector_load %arg5[%get3A_19] {strides = array<i32>} : memref<512xi32, #tpu.memory_space<vmem>>, vector<16xi32>,
    %shift_right_arithmetic3A_21 = arith.constant 7 : i32
    %shift_right_arithmetic3A_22 = vector.broadcast %shift_right_arithmetic3A_21 : i32 to vector<16xi32>
    %shift_right_arithmetic3A_23 = arith.shrsi %get3A_20, %shift_right_arithmetic3A_22 : vector<16xi32>
    %shift_left3A_24 = arith.constant 7 : i32
    %shift_left3A_25 = vector.broadcast %shift_left3A_24 : i32 to vector<16xi32>
    %shift_left3A_26 = arith.shli %shift_right_arithmetic3A_23, %shift_left3A_25 : vector<16xi32>
    %and3A_27 = arith.constant 127 : i32
    %and3A_28 = vector.broadcast %and3A_27 : i32 to vector<16xi32>
    %and3A_29 = arith.andi %get3A_20, %and3A_28 : vector<16xi32>
    %add3A_30 = arith.constant 16 : i32
    %add3A_31 = vector.broadcast %add3A_30 : i32 to vector<16xi32>
    %add3A_32 = arith.addi %iota3A, %add3A_31 : vector<16xi32>
    %mul3A_33 = arith.constant 16 : i32
    %mul3A_34 = vector.broadcast %mul3A_33 : i32 to vector<16xi32>
    %mul3A_35 = arith.muli %add3A_32, %mul3A_34 : vector<16xi32>
    tpu.vector_store_idx %arg6[%mul3A_35], %shift_left3A_26 : memref<8192xi32, #tpu.memory_space<vmem>>[vector<16xi32>], vector<16xi32>,
    %add3A_36 = arith.constant 1 : i32
    %add3A_37 = vector.broadcast %add3A_36 : i32 to vector<16xi32>
    %add3A_38 = arith.addi %mul3A_35, %add3A_37 : vector<16xi32>
    tpu.vector_store_idx %arg6[%add3A_38], %and3A_29 : memref<8192xi32, #tpu.memory_space<vmem>>[vector<16xi32>], vector<16xi32>,
    %get3A_39 = arith.constant 32 : index
    %get3A_40 = tpu.vector_load %arg5[%get3A_39] {strides = array<i32>} : memref<512xi32, #tpu.memory_space<vmem>>, vector<16xi32>,
    %shift_right_arithmetic3A_41 = arith.constant 7 : i32
    %shift_right_arithmetic3A_42 = vector.broadcast %shift_right_arithmetic3A_41 : i32 to vector<16xi32>
    %shift_right_arithmetic3A_43 = arith.shrsi %get3A_40, %shift_right_arithmetic3A_42 : vector<16xi32>
    %shift_left3A_44 = arith.constant 7 : i32
    %shift_left3A_45 = vector.broadcast %shift_left3A_44 : i32 to vector<16xi32>
    %shift_left3A_46 = arith.shli %shift_right_arithmetic3A_43, %shift_left3A_45 : vector<16xi32>
    %and3A_47 = arith.constant 127 : i32
    %and3A_48 = vector.broadcast %and3A_47 : i32 to vector<16xi32>
    %and3A_49 = arith.andi %get3A_40, %and3A_48 : vector<16xi32>
    %add3A_50 = arith.constant 32 : i32
    %add3A_51 = vector.broadcast %add3A_50 : i32 to vector<16xi32>
    %add3A_52 = arith.addi %iota3A, %add3A_51 : vector<16xi32>
    %mul3A_53 = arith.constant 16 : i32
    %mul3A_54 = vector.broadcast %mul3A_53 : i32 to vector<16xi32>
    %mul3A_55 = arith.muli %add3A_52, %mul3A_54 : vector<16xi32>
    tpu.vector_store_idx %arg6[%mul3A_55], %shift_left3A_46 : memref<8192xi32, #tpu.memory_space<vmem>>[vector<16xi32>], vector<16xi32>,
    %add3A_56 = arith.constant 1 : i32
    %add3A_57 = vector.broadcast %add3A_56 : i32 to vector<16xi32>
    %add3A_58 = arith.addi %mul3A_55, %add3A_57 : vector<16xi32>
    tpu.vector_store_idx %arg6[%add3A_58], %and3A_49 : memref<8192xi32, #tpu.memory_space<vmem>>[vector<16xi32>], vector<16xi32>,
    %get3A_59 = arith.constant 48 : index
    %get3A_60 = tpu.vector_load %arg5[%get3A_59] {strides = array<i32>} : memref<512xi32, #tpu.memory_space<vmem>>, vector<16xi32>,
    %shift_right_arithmetic3A_61 = arith.constant 7 : i32
    %shift_right_arithmetic3A_62 = vector.broadcast %shift_right_arithmetic3A_61 : i32 to vector<16xi32>
    %shift_right_arithmetic3A_63 = arith.shrsi %get3A_60, %shift_right_arithmetic3A_62 : vector<16xi32>
    %shift_left3A_64 = arith.constant 7 : i32
    %shift_left3A_65 = vector.broadcast %shift_left3A_64 : i32 to vector<16xi32>
    %shift_left3A_66 = arith.shli %shift_right_arithmetic3A_63, %shift_left3A_65 : vector<16xi32>
    %and3A_67 = arith.constant 127 : i32
    %and3A_68 = vector.broadcast %and3A_67 : i32 to vector<16xi32>
    %and3A_69 = arith.andi %get3A_60, %and3A_68 : vector<16xi32>
    %add3A_70 = arith.constant 48 : i32
    %add3A_71 = vector.broadcast %add3A_70 : i32 to vector<16xi32>
    %add3A_72 = arith.addi %iota3A, %add3A_71 : vector<16xi32>
    %mul3A_73 = arith.constant 16 : i32
    %mul3A_74 = vector.broadcast %mul3A_73 : i32 to vector<16xi32>
    %mul3A_75 = arith.muli %add3A_72, %mul3A_74 : vector<16xi32>
    tpu.vector_store_idx %arg6[%mul3A_75], %shift_left3A_66 : memref<8192xi32, #tpu.memory_space<vmem>>[vector<16xi32>], vector<16xi32>,
    %add3A_76 = arith.constant 1 : i32
    %add3A_77 = vector.broadcast %add3A_76 : i32 to vector<16xi32>
    %add3A_78 = arith.addi %mul3A_75, %add3A_77 : vector<16xi32>
    tpu.vector_store_idx %arg6[%add3A_78], %and3A_69 : memref<8192xi32, #tpu.memory_space<vmem>>[vector<16xi32>], vector<16xi32>,
    %get3A_79 = arith.constant 64 : index
    %get3A_80 = tpu.vector_load %arg5[%get3A_79] {strides = array<i32>} : memref<512xi32, #tpu.memory_space<vmem>>, vector<16xi32>,
    %shift_right_arithmetic3A_81 = arith.constant 7 : i32
    %shift_right_arithmetic3A_82 = vector.broadcast %shift_right_arithmetic3A_81 : i32 to vector<16xi32>
    %shift_right_arithmetic3A_83 = arith.shrsi %get3A_80, %shift_right_arithmetic3A_82 : vector<16xi32>
    %shift_left3A_84 = arith.constant 7 : i32
    %shift_left3A_85 = vector.broadcast %shift_left3A_84 : i32 to vector<16xi32>
    %shift_left3A_86 = arith.shli %shift_right_arithmetic3A_83, %shift_left3A_85 : vector<16xi32>
    %and3A_87 = arith.constant 127 : i32
    %and3A_88 = vector.broadcast %and3A_87 : i32 to vector<16xi32>
    %and3A_89 = arith.andi %get3A_80, %and3A_88 : vector<16xi32>
    %add3A_90 = arith.constant 64 : i32
    %add3A_91 = vector.broadcast %add3A_90 : i32 to vector<16xi32>
    %add3A_92 = arith.addi %iota3A, %add3A_91 : vector<16xi32>
    %mul3A_93 = arith.constant 16 : i32
    %mul3A_94 = vector.broadcast %mul3A_93 : i32 to vector<16xi32>
    %mul3A_95 = arith.muli %add3A_92, %mul3A_94 : vector<16xi32>
    tpu.vector_store_idx %arg6[%mul3A_95], %shift_left3A_86 : memref<8192xi32, #tpu.memory_space<vmem>>[vector<16xi32>], vector<16xi32>,
    %add3A_96 = arith.constant 1 : i32
    %add3A_97 = vector.broadcast %add3A_96 : i32 to vector<16xi32>
    %add3A_98 = arith.addi %mul3A_95, %add3A_97 : vector<16xi32>
    tpu.vector_store_idx %arg6[%add3A_98], %and3A_89 : memref<8192xi32, #tpu.memory_space<vmem>>[vector<16xi32>], vector<16xi32>,
    %get3A_99 = arith.constant 80 : index
    %get3A_100 = tpu.vector_load %arg5[%get3A_99] {strides = array<i32>} : memref<512xi32, #tpu.memory_space<vmem>>, vector<16xi32>,
    %shift_right_arithmetic3A_101 = arith.constant 7 : i32
    %shift_right_arithmetic3A_102 = vector.broadcast %shift_right_arithmetic3A_101 : i32 to vector<16xi32>
    %shift_right_arithmetic3A_103 = arith.shrsi %get3A_100, %shift_right_arithmetic3A_102 : vector<16xi32>
    %shift_left3A_104 = arith.constant 7 : i32
    %shift_left3A_105 = vector.broadcast %shift_left3A_104 : i32 to vector<16xi32>
    %shift_left3A_106 = arith.shli %shift_right_arithmetic3A_103, %shift_left3A_105 : vector<16xi32>
    %and3A_107 = arith.constant 127 : i32
    %and3A_108 = vector.broadcast %and3A_107 : i32 to vector<16xi32>
    %and3A_109 = arith.andi %get3A_100, %and3A_108 : vector<16xi32>
    %add3A_110 = arith.constant 80 : i32
    %add3A_111 = vector.broadcast %add3A_110 : i32 to vector<16xi32>
    %add3A_112 = arith.addi %iota3A, %add3A_111 : vector<16xi32>
    %mul3A_113 = arith.constant 16 : i32
    %mul3A_114 = vector.broadcast %mul3A_113 : i32 to vector<16xi32>
    %mul3A_115 = arith.muli %add3A_112, %mul3A_114 : vector<16xi32>
    tpu.vector_store_idx %arg6[%mul3A_115], %shift_left3A_106 : memref<8192xi32, #tpu.memory_space<vmem>>[vector<16xi32>], vector<16xi32>,
    %add3A_116 = arith.constant 1 : i32
    %add3A_117 = vector.broadcast %add3A_116 : i32 to vector<16xi32>
    %add3A_118 = arith.addi %mul3A_115, %add3A_117 : vector<16xi32>
    tpu.vector_store_idx %arg6[%add3A_118], %and3A_109 : memref<8192xi32, #tpu.memory_space<vmem>>[vector<16xi32>], vector<16xi32>,
    %get3A_119 = arith.constant 96 : index
    %get3A_120 = tpu.vector_load %arg5[%get3A_119] {strides = array<i32>} : memref<512xi32, #tpu.memory_space<vmem>>, vector<16xi32>,
    %shift_right_arithmetic3A_121 = arith.constant 7 : i32
    %shift_right_arithmetic3A_122 = vector.broadcast %shift_right_arithmetic3A_121 : i32 to vector<16xi32>
    %shift_right_arithmetic3A_123 = arith.shrsi %get3A_120, %shift_right_arithmetic3A_122 : vector<16xi32>
    %shift_left3A_124 = arith.constant 7 : i32
    %shift_left3A_125 = vector.broadcast %shift_left3A_124 : i32 to vector<16xi32>
    %shift_left3A_126 = arith.shli %shift_right_arithmetic3A_123, %shift_left3A_125 : vector<16xi32>
    %and3A_127 = arith.constant 127 : i32
    %and3A_128 = vector.broadcast %and3A_127 : i32 to vector<16xi32>
    %and3A_129 = arith.andi %get3A_120, %and3A_128 : vector<16xi32>
    %add3A_130 = arith.constant 96 : i32
    %add3A_131 = vector.broadcast %add3A_130 : i32 to vector<16xi32>
    %add3A_132 = arith.addi %iota3A, %add3A_131 : vector<16xi32>
    %mul3A_133 = arith.constant 16 : i32
    %mul3A_134 = vector.broadcast %mul3A_133 : i32 to vector<16xi32>
    %mul3A_135 = arith.muli %add3A_132, %mul3A_134 : vector<16xi32>
    tpu.vector_store_idx %arg6[%mul3A_135], %shift_left3A_126 : memref<8192xi32, #tpu.memory_space<vmem>>[vector<16xi32>], vector<16xi32>,
    %add3A_136 = arith.constant 1 : i32
    %add3A_137 = vector.broadcast %add3A_136 : i32 to vector<16xi32>
    %add3A_138 = arith.addi %mul3A_135, %add3A_137 : vector<16xi32>
    tpu.vector_store_idx %arg6[%add3A_138], %and3A_129 : memref<8192xi32, #tpu.memory_space<vmem>>[vector<16xi32>], vector<16xi32>,
    %get3A_139 = arith.constant 112 : index
    %get3A_140 = tpu.vector_load %arg5[%get3A_139] {strides = array<i32>} : memref<512xi32, #tpu.memory_space<vmem>>, vector<16xi32>,
    %shift_right_arithmetic3A_141 = arith.constant 7 : i32
    %shift_right_arithmetic3A_142 = vector.broadcast %shift_right_arithmetic3A_141 : i32 to vector<16xi32>
    %shift_right_arithmetic3A_143 = arith.shrsi %get3A_140, %shift_right_arithmetic3A_142 : vector<16xi32>
    %shift_left3A_144 = arith.constant 7 : i32
    %shift_left3A_145 = vector.broadcast %shift_left3A_144 : i32 to vector<16xi32>
    %shift_left3A_146 = arith.shli %shift_right_arithmetic3A_143, %shift_left3A_145 : vector<16xi32>
    %and3A_147 = arith.constant 127 : i32
    %and3A_148 = vector.broadcast %and3A_147 : i32 to vector<16xi32>
    %and3A_149 = arith.andi %get3A_140, %and3A_148 : vector<16xi32>
    %add3A_150 = arith.constant 112 : i32
    %add3A_151 = vector.broadcast %add3A_150 : i32 to vector<16xi32>
    %add3A_152 = arith.addi %iota3A, %add3A_151 : vector<16xi32>
    %mul3A_153 = arith.constant 16 : i32
    %mul3A_154 = vector.broadcast %mul3A_153 : i32 to vector<16xi32>
    %mul3A_155 = arith.muli %add3A_152, %mul3A_154 : vector<16xi32>
    tpu.vector_store_idx %arg6[%mul3A_155], %shift_left3A_146 : memref<8192xi32, #tpu.memory_space<vmem>>[vector<16xi32>], vector<16xi32>,
    %add3A_156 = arith.constant 1 : i32
    %add3A_157 = vector.broadcast %add3A_156 : i32 to vector<16xi32>
    %add3A_158 = arith.addi %mul3A_155, %add3A_157 : vector<16xi32>
    tpu.vector_store_idx %arg6[%add3A_158], %and3A_149 : memref<8192xi32, #tpu.memory_space<vmem>>[vector<16xi32>], vector<16xi32>,
    %get3A_159 = arith.constant 128 : index
    %get3A_160 = tpu.vector_load %arg5[%get3A_159] {strides = array<i32>} : memref<512xi32, #tpu.memory_space<vmem>>, vector<16xi32>,
    %shift_right_arithmetic3A_161 = arith.constant 7 : i32
    %shift_right_arithmetic3A_162 = vector.broadcast %shift_right_arithmetic3A_161 : i32 to vector<16xi32>
    %shift_right_arithmetic3A_163 = arith.shrsi %get3A_160, %shift_right_arithmetic3A_162 : vector<16xi32>
    %shift_left3A_164 = arith.constant 7 : i32
    %shift_left3A_165 = vector.broadcast %shift_left3A_164 : i32 to vector<16xi32>
    %shift_left3A_166 = arith.shli %shift_right_arithmetic3A_163, %shift_left3A_165 : vector<16xi32>
    %and3A_167 = arith.constant 127 : i32
    %and3A_168 = vector.broadcast %and3A_167 : i32 to vector<16xi32>
    %and3A_169 = arith.andi %get3A_160, %and3A_168 : vector<16xi32>
    %add3A_170 = arith.constant 128 : i32
    %add3A_171 = vector.broadcast %add3A_170 : i32 to vector<16xi32>
    %add3A_172 = arith.addi %iota3A, %add3A_171 : vector<16xi32>
    %mul3A_173 = arith.constant 16 : i32
    %mul3A_174 = vector.broadcast %mul3A_173 : i32 to vector<16xi32>
    %mul3A_175 = arith.muli %add3A_172, %mul3A_174 : vector<16xi32>
    tpu.vector_store_idx %arg6[%mul3A_175], %shift_left3A_166 : memref<8192xi32, #tpu.memory_space<vmem>>[vector<16xi32>], vector<16xi32>,
    %add3A_176 = arith.constant 1 : i32
    %add3A_177 = vector.broadcast %add3A_176 : i32 to vector<16xi32>
    %add3A_178 = arith.addi %mul3A_175, %add3A_177 : vector<16xi32>
    tpu.vector_store_idx %arg6[%add3A_178], %and3A_169 : memref<8192xi32, #tpu.memory_space<vmem>>[vector<16xi32>], vector<16xi32>,
    %get3A_179 = arith.constant 144 : index
    %get3A_180 = tpu.vector_load %arg5[%get3A_179] {strides = array<i32>} : memref<512xi32, #tpu.memory_space<vmem>>, vector<16xi32>,
    %shift_right_arithmetic3A_181 = arith.constant 7 : i32
    %shift_right_arithmetic3A_182 = vector.broadcast %shift_right_arithmetic3A_181 : i32 to vector<16xi32>
    %shift_right_arithmetic3A_183 = arith.shrsi %get3A_180, %shift_right_arithmetic3A_182 : vector<16xi32>
    %shift_left3A_184 = arith.constant 7 : i32
    %shift_left3A_185 = vector.broadcast %shift_left3A_184 : i32 to vector<16xi32>
    %shift_left3A_186 = arith.shli %shift_right_arithmetic3A_183, %shift_left3A_185 : vector<16xi32>
    %and3A_187 = arith.constant 127 : i32
    %and3A_188 = vector.broadcast %and3A_187 : i32 to vector<16xi32>
    %and3A_189 = arith.andi %get3A_180, %and3A_188 : vector<16xi32>
    %add3A_190 = arith.constant 144 : i32
    %add3A_191 = vector.broadcast %add3A_190 : i32 to vector<16xi32>
    %add3A_192 = arith.addi %iota3A, %add3A_191 : vector<16xi32>
    %mul3A_193 = arith.constant 16 : i32
    %mul3A_194 = vector.broadcast %mul3A_193 : i32 to vector<16xi32>
    %mul3A_195 = arith.muli %add3A_192, %mul3A_194 : vector<16xi32>
    tpu.vector_store_idx %arg6[%mul3A_195], %shift_left3A_186 : memref<8192xi32, #tpu.memory_space<vmem>>[vector<16xi32>], vector<16xi32>,
    %add3A_196 = arith.constant 1 : i32
    %add3A_197 = vector.broadcast %add3A_196 : i32 to vector<16xi32>
    %add3A_198 = arith.addi %mul3A_195, %add3A_197 : vector<16xi32>
    tpu.vector_store_idx %arg6[%add3A_198], %and3A_189 : memref<8192xi32, #tpu.memory_space<vmem>>[vector<16xi32>], vector<16xi32>,
    %get3A_199 = arith.constant 160 : index
    %get3A_200 = tpu.vector_load %arg5[%get3A_199] {strides = array<i32>} : memref<512xi32, #tpu.memory_space<vmem>>, vector<16xi32>,
    %shift_right_arithmetic3A_201 = arith.constant 7 : i32
    %shift_right_arithmetic3A_202 = vector.broadcast %shift_right_arithmetic3A_201 : i32 to vector<16xi32>
    %shift_right_arithmetic3A_203 = arith.shrsi %get3A_200, %shift_right_arithmetic3A_202 : vector<16xi32>
    %shift_left3A_204 = arith.constant 7 : i32
    %shift_left3A_205 = vector.broadcast %shift_left3A_204 : i32 to vector<16xi32>
    %shift_left3A_206 = arith.shli %shift_right_arithmetic3A_203, %shift_left3A_205 : vector<16xi32>
    %and3A_207 = arith.constant 127 : i32
    %and3A_208 = vector.broadcast %and3A_207 : i32 to vector<16xi32>
    %and3A_209 = arith.andi %get3A_200, %and3A_208 : vector<16xi32>
    %add3A_210 = arith.constant 160 : i32
    %add3A_211 = vector.broadcast %add3A_210 : i32 to vector<16xi32>
    %add3A_212 = arith.addi %iota3A, %add3A_211 : vector<16xi32>
    %mul3A_213 = arith.constant 16 : i32
    %mul3A_214 = vector.broadcast %mul3A_213 : i32 to vector<16xi32>
    %mul3A_215 = arith.muli %add3A_212, %mul3A_214 : vector<16xi32>
    tpu.vector_store_idx %arg6[%mul3A_215], %shift_left3A_206 : memref<8192xi32, #tpu.memory_space<vmem>>[vector<16xi32>], vector<16xi32>,
    %add3A_216 = arith.constant 1 : i32
    %add3A_217 = vector.broadcast %add3A_216 : i32 to vector<16xi32>
    %add3A_218 = arith.addi %mul3A_215, %add3A_217 : vector<16xi32>
    tpu.vector_store_idx %arg6[%add3A_218], %and3A_209 : memref<8192xi32, #tpu.memory_space<vmem>>[vector<16xi32>], vector<16xi32>,
    %get3A_219 = arith.constant 176 : index
    %get3A_220 = tpu.vector_load %arg5[%get3A_219] {strides = array<i32>} : memref<512xi32, #tpu.memory_space<vmem>>, vector<16xi32>,
    %shift_right_arithmetic3A_221 = arith.constant 7 : i32
    %shift_right_arithmetic3A_222 = vector.broadcast %shift_right_arithmetic3A_221 : i32 to vector<16xi32>
    %shift_right_arithmetic3A_223 = arith.shrsi %get3A_220, %shift_right_arithmetic3A_222 : vector<16xi32>
    %shift_left3A_224 = arith.constant 7 : i32
    %shift_left3A_225 = vector.broadcast %shift_left3A_224 : i32 to vector<16xi32>
    %shift_left3A_226 = arith.shli %shift_right_arithmetic3A_223, %shift_left3A_225 : vector<16xi32>
    %and3A_227 = arith.constant 127 : i32
    %and3A_228 = vector.broadcast %and3A_227 : i32 to vector<16xi32>
    %and3A_229 = arith.andi %get3A_220, %and3A_228 : vector<16xi32>
    %add3A_230 = arith.constant 176 : i32
    %add3A_231 = vector.broadcast %add3A_230 : i32 to vector<16xi32>
    %add3A_232 = arith.addi %iota3A, %add3A_231 : vector<16xi32>
    %mul3A_233 = arith.constant 16 : i32
    %mul3A_234 = vector.broadcast %mul3A_233 : i32 to vector<16xi32>
    %mul3A_235 = arith.muli %add3A_232, %mul3A_234 : vector<16xi32>
    tpu.vector_store_idx %arg6[%mul3A_235], %shift_left3A_226 : memref<8192xi32, #tpu.memory_space<vmem>>[vector<16xi32>], vector<16xi32>,
    %add3A_236 = arith.constant 1 : i32
    %add3A_237 = vector.broadcast %add3A_236 : i32 to vector<16xi32>
    %add3A_238 = arith.addi %mul3A_235, %add3A_237 : vector<16xi32>
    tpu.vector_store_idx %arg6[%add3A_238], %and3A_229 : memref<8192xi32, #tpu.memory_space<vmem>>[vector<16xi32>], vector<16xi32>,
    %get3A_239 = arith.constant 192 : index
    %get3A_240 = tpu.vector_load %arg5[%get3A_239] {strides = array<i32>} : memref<512xi32, #tpu.memory_space<vmem>>, vector<16xi32>,
    %shift_right_arithmetic3A_241 = arith.constant 7 : i32
    %shift_right_arithmetic3A_242 = vector.broadcast %shift_right_arithmetic3A_241 : i32 to vector<16xi32>
    %shift_right_arithmetic3A_243 = arith.shrsi %get3A_240, %shift_right_arithmetic3A_242 : vector<16xi32>
    %shift_left3A_244 = arith.constant 7 : i32
    %shift_left3A_245 = vector.broadcast %shift_left3A_244 : i32 to vector<16xi32>
    %shift_left3A_246 = arith.shli %shift_right_arithmetic3A_243, %shift_left3A_245 : vector<16xi32>
    %and3A_247 = arith.constant 127 : i32
    %and3A_248 = vector.broadcast %and3A_247 : i32 to vector<16xi32>
    %and3A_249 = arith.andi %get3A_240, %and3A_248 : vector<16xi32>
    %add3A_250 = arith.constant 192 : i32
    %add3A_251 = vector.broadcast %add3A_250 : i32 to vector<16xi32>
    %add3A_252 = arith.addi %iota3A, %add3A_251 : vector<16xi32>
    %mul3A_253 = arith.constant 16 : i32
    %mul3A_254 = vector.broadcast %mul3A_253 : i32 to vector<16xi32>
    %mul3A_255 = arith.muli %add3A_252, %mul3A_254 : vector<16xi32>
    tpu.vector_store_idx %arg6[%mul3A_255], %shift_left3A_246 : memref<8192xi32, #tpu.memory_space<vmem>>[vector<16xi32>], vector<16xi32>,
    %add3A_256 = arith.constant 1 : i32
    %add3A_257 = vector.broadcast %add3A_256 : i32 to vector<16xi32>
    %add3A_258 = arith.addi %mul3A_255, %add3A_257 : vector<16xi32>
    tpu.vector_store_idx %arg6[%add3A_258], %and3A_249 : memref<8192xi32, #tpu.memory_space<vmem>>[vector<16xi32>], vector<16xi32>,
    %get3A_259 = arith.constant 208 : index
    %get3A_260 = tpu.vector_load %arg5[%get3A_259] {strides = array<i32>} : memref<512xi32, #tpu.memory_space<vmem>>, vector<16xi32>,
    %shift_right_arithmetic3A_261 = arith.constant 7 : i32
    %shift_right_arithmetic3A_262 = vector.broadcast %shift_right_arithmetic3A_261 : i32 to vector<16xi32>
    %shift_right_arithmetic3A_263 = arith.shrsi %get3A_260, %shift_right_arithmetic3A_262 : vector<16xi32>
    %shift_left3A_264 = arith.constant 7 : i32
    %shift_left3A_265 = vector.broadcast %shift_left3A_264 : i32 to vector<16xi32>
    %shift_left3A_266 = arith.shli %shift_right_arithmetic3A_263, %shift_left3A_265 : vector<16xi32>
    %and3A_267 = arith.constant 127 : i32
    %and3A_268 = vector.broadcast %and3A_267 : i32 to vector<16xi32>
    %and3A_269 = arith.andi %get3A_260, %and3A_268 : vector<16xi32>
    %add3A_270 = arith.constant 208 : i32
    %add3A_271 = vector.broadcast %add3A_270 : i32 to vector<16xi32>
    %add3A_272 = arith.addi %iota3A, %add3A_271 : vector<16xi32>
    %mul3A_273 = arith.constant 16 : i32
    %mul3A_274 = vector.broadcast %mul3A_273 : i32 to vector<16xi32>
    %mul3A_275 = arith.muli %add3A_272, %mul3A_274 : vector<16xi32>
    tpu.vector_store_idx %arg6[%mul3A_275], %shift_left3A_266 : memref<8192xi32, #tpu.memory_space<vmem>>[vector<16xi32>], vector<16xi32>,
    %add3A_276 = arith.constant 1 : i32
    %add3A_277 = vector.broadcast %add3A_276 : i32 to vector<16xi32>
    %add3A_278 = arith.addi %mul3A_275, %add3A_277 : vector<16xi32>
    tpu.vector_store_idx %arg6[%add3A_278], %and3A_269 : memref<8192xi32, #tpu.memory_space<vmem>>[vector<16xi32>], vector<16xi32>,
    %get3A_279 = arith.constant 224 : index
    %get3A_280 = tpu.vector_load %arg5[%get3A_279] {strides = array<i32>} : memref<512xi32, #tpu.memory_space<vmem>>, vector<16xi32>,
    %shift_right_arithmetic3A_281 = arith.constant 7 : i32
    %shift_right_arithmetic3A_282 = vector.broadcast %shift_right_arithmetic3A_281 : i32 to vector<16xi32>
    %shift_right_arithmetic3A_283 = arith.shrsi %get3A_280, %shift_right_arithmetic3A_282 : vector<16xi32>
    %shift_left3A_284 = arith.constant 7 : i32
    %shift_left3A_285 = vector.broadcast %shift_left3A_284 : i32 to vector<16xi32>
    %shift_left3A_286 = arith.shli %shift_right_arithmetic3A_283, %shift_left3A_285 : vector<16xi32>
    %and3A_287 = arith.constant 127 : i32
    %and3A_288 = vector.broadcast %and3A_287 : i32 to vector<16xi32>
    %and3A_289 = arith.andi %get3A_280, %and3A_288 : vector<16xi32>
    %add3A_290 = arith.constant 224 : i32
    %add3A_291 = vector.broadcast %add3A_290 : i32 to vector<16xi32>
    %add3A_292 = arith.addi %iota3A, %add3A_291 : vector<16xi32>
    %mul3A_293 = arith.constant 16 : i32
    %mul3A_294 = vector.broadcast %mul3A_293 : i32 to vector<16xi32>
    %mul3A_295 = arith.muli %add3A_292, %mul3A_294 : vector<16xi32>
    tpu.vector_store_idx %arg6[%mul3A_295], %shift_left3A_286 : memref<8192xi32, #tpu.memory_space<vmem>>[vector<16xi32>], vector<16xi32>,
    %add3A_296 = arith.constant 1 : i32
    %add3A_297 = vector.broadcast %add3A_296 : i32 to vector<16xi32>
    %add3A_298 = arith.addi %mul3A_295, %add3A_297 : vector<16xi32>
    tpu.vector_store_idx %arg6[%add3A_298], %and3A_289 : memref<8192xi32, #tpu.memory_space<vmem>>[vector<16xi32>], vector<16xi32>,
    %get3A_299 = arith.constant 240 : index
    %get3A_300 = tpu.vector_load %arg5[%get3A_299] {strides = array<i32>} : memref<512xi32, #tpu.memory_space<vmem>>, vector<16xi32>,
    %shift_right_arithmetic3A_301 = arith.constant 7 : i32
    %shift_right_arithmetic3A_302 = vector.broadcast %shift_right_arithmetic3A_301 : i32 to vector<16xi32>
    %shift_right_arithmetic3A_303 = arith.shrsi %get3A_300, %shift_right_arithmetic3A_302 : vector<16xi32>
    %shift_left3A_304 = arith.constant 7 : i32
    %shift_left3A_305 = vector.broadcast %shift_left3A_304 : i32 to vector<16xi32>
    %shift_left3A_306 = arith.shli %shift_right_arithmetic3A_303, %shift_left3A_305 : vector<16xi32>
    %and3A_307 = arith.constant 127 : i32
    %and3A_308 = vector.broadcast %and3A_307 : i32 to vector<16xi32>
    %and3A_309 = arith.andi %get3A_300, %and3A_308 : vector<16xi32>
    %add3A_310 = arith.constant 240 : i32
    %add3A_311 = vector.broadcast %add3A_310 : i32 to vector<16xi32>
    %add3A_312 = arith.addi %iota3A, %add3A_311 : vector<16xi32>
    %mul3A_313 = arith.constant 16 : i32
    %mul3A_314 = vector.broadcast %mul3A_313 : i32 to vector<16xi32>
    %mul3A_315 = arith.muli %add3A_312, %mul3A_314 : vector<16xi32>
    tpu.vector_store_idx %arg6[%mul3A_315], %shift_left3A_306 : memref<8192xi32, #tpu.memory_space<vmem>>[vector<16xi32>], vector<16xi32>,
    %add3A_316 = arith.constant 1 : i32
    %add3A_317 = vector.broadcast %add3A_316 : i32 to vector<16xi32>
    %add3A_318 = arith.addi %mul3A_315, %add3A_317 : vector<16xi32>
    tpu.vector_store_idx %arg6[%add3A_318], %and3A_309 : memref<8192xi32, #tpu.memory_space<vmem>>[vector<16xi32>], vector<16xi32>,
    %get3A_319 = arith.constant 256 : index
    %get3A_320 = tpu.vector_load %arg5[%get3A_319] {strides = array<i32>} : memref<512xi32, #tpu.memory_space<vmem>>, vector<16xi32>,
    %shift_right_arithmetic3A_321 = arith.constant 7 : i32
    %shift_right_arithmetic3A_322 = vector.broadcast %shift_right_arithmetic3A_321 : i32 to vector<16xi32>
    %shift_right_arithmetic3A_323 = arith.shrsi %get3A_320, %shift_right_arithmetic3A_322 : vector<16xi32>
    %shift_left3A_324 = arith.constant 7 : i32
    %shift_left3A_325 = vector.broadcast %shift_left3A_324 : i32 to vector<16xi32>
    %shift_left3A_326 = arith.shli %shift_right_arithmetic3A_323, %shift_left3A_325 : vector<16xi32>
    %and3A_327 = arith.constant 127 : i32
    %and3A_328 = vector.broadcast %and3A_327 : i32 to vector<16xi32>
    %and3A_329 = arith.andi %get3A_320, %and3A_328 : vector<16xi32>
    %add3A_330 = arith.constant 256 : i32
    %add3A_331 = vector.broadcast %add3A_330 : i32 to vector<16xi32>
    %add3A_332 = arith.addi %iota3A, %add3A_331 : vector<16xi32>
    %mul3A_333 = arith.constant 16 : i32
    %mul3A_334 = vector.broadcast %mul3A_333 : i32 to vector<16xi32>
    %mul3A_335 = arith.muli %add3A_332, %mul3A_334 : vector<16xi32>
    tpu.vector_store_idx %arg6[%mul3A_335], %shift_left3A_326 : memref<8192xi32, #tpu.memory_space<vmem>>[vector<16xi32>], vector<16xi32>,
    %add3A_336 = arith.constant 1 : i32
    %add3A_337 = vector.broadcast %add3A_336 : i32 to vector<16xi32>
    %add3A_338 = arith.addi %mul3A_335, %add3A_337 : vector<16xi32>
    tpu.vector_store_idx %arg6[%add3A_338], %and3A_329 : memref<8192xi32, #tpu.memory_space<vmem>>[vector<16xi32>], vector<16xi32>,
    %get3A_339 = arith.constant 272 : index
    %get3A_340 = tpu.vector_load %arg5[%get3A_339] {strides = array<i32>} : memref<512xi32, #tpu.memory_space<vmem>>, vector<16xi32>,
    %shift_right_arithmetic3A_341 = arith.constant 7 : i32
    %shift_right_arithmetic3A_342 = vector.broadcast %shift_right_arithmetic3A_341 : i32 to vector<16xi32>
    %shift_right_arithmetic3A_343 = arith.shrsi %get3A_340, %shift_right_arithmetic3A_342 : vector<16xi32>
    %shift_left3A_344 = arith.constant 7 : i32
    %shift_left3A_345 = vector.broadcast %shift_left3A_344 : i32 to vector<16xi32>
    %shift_left3A_346 = arith.shli %shift_right_arithmetic3A_343, %shift_left3A_345 : vector<16xi32>
    %and3A_347 = arith.constant 127 : i32
    %and3A_348 = vector.broadcast %and3A_347 : i32 to vector<16xi32>
    %and3A_349 = arith.andi %get3A_340, %and3A_348 : vector<16xi32>
    %add3A_350 = arith.constant 272 : i32
    %add3A_351 = vector.broadcast %add3A_350 : i32 to vector<16xi32>
    %add3A_352 = arith.addi %iota3A, %add3A_351 : vector<16xi32>
    %mul3A_353 = arith.constant 16 : i32
    %mul3A_354 = vector.broadcast %mul3A_353 : i32 to vector<16xi32>
    %mul3A_355 = arith.muli %add3A_352, %mul3A_354 : vector<16xi32>
    tpu.vector_store_idx %arg6[%mul3A_355], %shift_left3A_346 : memref<8192xi32, #tpu.memory_space<vmem>>[vector<16xi32>], vector<16xi32>,
    %add3A_356 = arith.constant 1 : i32
    %add3A_357 = vector.broadcast %add3A_356 : i32 to vector<16xi32>
    %add3A_358 = arith.addi %mul3A_355, %add3A_357 : vector<16xi32>
    tpu.vector_store_idx %arg6[%add3A_358], %and3A_349 : memref<8192xi32, #tpu.memory_space<vmem>>[vector<16xi32>], vector<16xi32>,
    %get3A_359 = arith.constant 288 : index
    %get3A_360 = tpu.vector_load %arg5[%get3A_359] {strides = array<i32>} : memref<512xi32, #tpu.memory_space<vmem>>, vector<16xi32>,
    %shift_right_arithmetic3A_361 = arith.constant 7 : i32
    %shift_right_arithmetic3A_362 = vector.broadcast %shift_right_arithmetic3A_361 : i32 to vector<16xi32>
    %shift_right_arithmetic3A_363 = arith.shrsi %get3A_360, %shift_right_arithmetic3A_362 : vector<16xi32>
    %shift_left3A_364 = arith.constant 7 : i32
    %shift_left3A_365 = vector.broadcast %shift_left3A_364 : i32 to vector<16xi32>
    %shift_left3A_366 = arith.shli %shift_right_arithmetic3A_363, %shift_left3A_365 : vector<16xi32>
    %and3A_367 = arith.constant 127 : i32
    %and3A_368 = vector.broadcast %and3A_367 : i32 to vector<16xi32>
    %and3A_369 = arith.andi %get3A_360, %and3A_368 : vector<16xi32>
    %add3A_370 = arith.constant 288 : i32
    %add3A_371 = vector.broadcast %add3A_370 : i32 to vector<16xi32>
    %add3A_372 = arith.addi %iota3A, %add3A_371 : vector<16xi32>
    %mul3A_373 = arith.constant 16 : i32
    %mul3A_374 = vector.broadcast %mul3A_373 : i32 to vector<16xi32>
    %mul3A_375 = arith.muli %add3A_372, %mul3A_374 : vector<16xi32>
    tpu.vector_store_idx %arg6[%mul3A_375], %shift_left3A_366 : memref<8192xi32, #tpu.memory_space<vmem>>[vector<16xi32>], vector<16xi32>,
    %add3A_376 = arith.constant 1 : i32
    %add3A_377 = vector.broadcast %add3A_376 : i32 to vector<16xi32>
    %add3A_378 = arith.addi %mul3A_375, %add3A_377 : vector<16xi32>
    tpu.vector_store_idx %arg6[%add3A_378], %and3A_369 : memref<8192xi32, #tpu.memory_space<vmem>>[vector<16xi32>], vector<16xi32>,
    %get3A_379 = arith.constant 304 : index
    %get3A_380 = tpu.vector_load %arg5[%get3A_379] {strides = array<i32>} : memref<512xi32, #tpu.memory_space<vmem>>, vector<16xi32>,
    %shift_right_arithmetic3A_381 = arith.constant 7 : i32
    %shift_right_arithmetic3A_382 = vector.broadcast %shift_right_arithmetic3A_381 : i32 to vector<16xi32>
    %shift_right_arithmetic3A_383 = arith.shrsi %get3A_380, %shift_right_arithmetic3A_382 : vector<16xi32>
    %shift_left3A_384 = arith.constant 7 : i32
    %shift_left3A_385 = vector.broadcast %shift_left3A_384 : i32 to vector<16xi32>
    %shift_left3A_386 = arith.shli %shift_right_arithmetic3A_383, %shift_left3A_385 : vector<16xi32>
    %and3A_387 = arith.constant 127 : i32
    %and3A_388 = vector.broadcast %and3A_387 : i32 to vector<16xi32>
    %and3A_389 = arith.andi %get3A_380, %and3A_388 : vector<16xi32>
    %add3A_390 = arith.constant 304 : i32
    %add3A_391 = vector.broadcast %add3A_390 : i32 to vector<16xi32>
    %add3A_392 = arith.addi %iota3A, %add3A_391 : vector<16xi32>
    %mul3A_393 = arith.constant 16 : i32
    %mul3A_394 = vector.broadcast %mul3A_393 : i32 to vector<16xi32>
    %mul3A_395 = arith.muli %add3A_392, %mul3A_394 : vector<16xi32>
    tpu.vector_store_idx %arg6[%mul3A_395], %shift_left3A_386 : memref<8192xi32, #tpu.memory_space<vmem>>[vector<16xi32>], vector<16xi32>,
    %add3A_396 = arith.constant 1 : i32
    %add3A_397 = vector.broadcast %add3A_396 : i32 to vector<16xi32>
    %add3A_398 = arith.addi %mul3A_395, %add3A_397 : vector<16xi32>
    tpu.vector_store_idx %arg6[%add3A_398], %and3A_389 : memref<8192xi32, #tpu.memory_space<vmem>>[vector<16xi32>], vector<16xi32>,
    %get3A_399 = arith.constant 320 : index
    %get3A_400 = tpu.vector_load %arg5[%get3A_399] {strides = array<i32>} : memref<512xi32, #tpu.memory_space<vmem>>, vector<16xi32>,
    %shift_right_arithmetic3A_401 = arith.constant 7 : i32
    %shift_right_arithmetic3A_402 = vector.broadcast %shift_right_arithmetic3A_401 : i32 to vector<16xi32>
    %shift_right_arithmetic3A_403 = arith.shrsi %get3A_400, %shift_right_arithmetic3A_402 : vector<16xi32>
    %shift_left3A_404 = arith.constant 7 : i32
    %shift_left3A_405 = vector.broadcast %shift_left3A_404 : i32 to vector<16xi32>
    %shift_left3A_406 = arith.shli %shift_right_arithmetic3A_403, %shift_left3A_405 : vector<16xi32>
    %and3A_407 = arith.constant 127 : i32
    %and3A_408 = vector.broadcast %and3A_407 : i32 to vector<16xi32>
    %and3A_409 = arith.andi %get3A_400, %and3A_408 : vector<16xi32>
    %add3A_410 = arith.constant 320 : i32
    %add3A_411 = vector.broadcast %add3A_410 : i32 to vector<16xi32>
    %add3A_412 = arith.addi %iota3A, %add3A_411 : vector<16xi32>
    %mul3A_413 = arith.constant 16 : i32
    %mul3A_414 = vector.broadcast %mul3A_413 : i32 to vector<16xi32>
    %mul3A_415 = arith.muli %add3A_412, %mul3A_414 : vector<16xi32>
    tpu.vector_store_idx %arg6[%mul3A_415], %shift_left3A_406 : memref<8192xi32, #tpu.memory_space<vmem>>[vector<16xi32>], vector<16xi32>,
    %add3A_416 = arith.constant 1 : i32
    %add3A_417 = vector.broadcast %add3A_416 : i32 to vector<16xi32>
    %add3A_418 = arith.addi %mul3A_415, %add3A_417 : vector<16xi32>
    tpu.vector_store_idx %arg6[%add3A_418], %and3A_409 : memref<8192xi32, #tpu.memory_space<vmem>>[vector<16xi32>], vector<16xi32>,
    %get3A_419 = arith.constant 336 : index
    %get3A_420 = tpu.vector_load %arg5[%get3A_419] {strides = array<i32>} : memref<512xi32, #tpu.memory_space<vmem>>, vector<16xi32>,
    %shift_right_arithmetic3A_421 = arith.constant 7 : i32
    %shift_right_arithmetic3A_422 = vector.broadcast %shift_right_arithmetic3A_421 : i32 to vector<16xi32>
    %shift_right_arithmetic3A_423 = arith.shrsi %get3A_420, %shift_right_arithmetic3A_422 : vector<16xi32>
    %shift_left3A_424 = arith.constant 7 : i32
    %shift_left3A_425 = vector.broadcast %shift_left3A_424 : i32 to vector<16xi32>
    %shift_left3A_426 = arith.shli %shift_right_arithmetic3A_423, %shift_left3A_425 : vector<16xi32>
    %and3A_427 = arith.constant 127 : i32
    %and3A_428 = vector.broadcast %and3A_427 : i32 to vector<16xi32>
    %and3A_429 = arith.andi %get3A_420, %and3A_428 : vector<16xi32>
    %add3A_430 = arith.constant 336 : i32
    %add3A_431 = vector.broadcast %add3A_430 : i32 to vector<16xi32>
    %add3A_432 = arith.addi %iota3A, %add3A_431 : vector<16xi32>
    %mul3A_433 = arith.constant 16 : i32
    %mul3A_434 = vector.broadcast %mul3A_433 : i32 to vector<16xi32>
    %mul3A_435 = arith.muli %add3A_432, %mul3A_434 : vector<16xi32>
    tpu.vector_store_idx %arg6[%mul3A_435], %shift_left3A_426 : memref<8192xi32, #tpu.memory_space<vmem>>[vector<16xi32>], vector<16xi32>,
    %add3A_436 = arith.constant 1 : i32
    %add3A_437 = vector.broadcast %add3A_436 : i32 to vector<16xi32>
    %add3A_438 = arith.addi %mul3A_435, %add3A_437 : vector<16xi32>
    tpu.vector_store_idx %arg6[%add3A_438], %and3A_429 : memref<8192xi32, #tpu.memory_space<vmem>>[vector<16xi32>], vector<16xi32>,
    %get3A_439 = arith.constant 352 : index
    %get3A_440 = tpu.vector_load %arg5[%get3A_439] {strides = array<i32>} : memref<512xi32, #tpu.memory_space<vmem>>, vector<16xi32>,
    %shift_right_arithmetic3A_441 = arith.constant 7 : i32
    %shift_right_arithmetic3A_442 = vector.broadcast %shift_right_arithmetic3A_441 : i32 to vector<16xi32>
    %shift_right_arithmetic3A_443 = arith.shrsi %get3A_440, %shift_right_arithmetic3A_442 : vector<16xi32>
    %shift_left3A_444 = arith.constant 7 : i32
    %shift_left3A_445 = vector.broadcast %shift_left3A_444 : i32 to vector<16xi32>
    %shift_left3A_446 = arith.shli %shift_right_arithmetic3A_443, %shift_left3A_445 : vector<16xi32>
    %and3A_447 = arith.constant 127 : i32
    %and3A_448 = vector.broadcast %and3A_447 : i32 to vector<16xi32>
    %and3A_449 = arith.andi %get3A_440, %and3A_448 : vector<16xi32>
    %add3A_450 = arith.constant 352 : i32
    %add3A_451 = vector.broadcast %add3A_450 : i32 to vector<16xi32>
    %add3A_452 = arith.addi %iota3A, %add3A_451 : vector<16xi32>
    %mul3A_453 = arith.constant 16 : i32
    %mul3A_454 = vector.broadcast %mul3A_453 : i32 to vector<16xi32>
    %mul3A_455 = arith.muli %add3A_452, %mul3A_454 : vector<16xi32>
    tpu.vector_store_idx %arg6[%mul3A_455], %shift_left3A_446 : memref<8192xi32, #tpu.memory_space<vmem>>[vector<16xi32>], vector<16xi32>,
    %add3A_456 = arith.constant 1 : i32
    %add3A_457 = vector.broadcast %add3A_456 : i32 to vector<16xi32>
    %add3A_458 = arith.addi %mul3A_455, %add3A_457 : vector<16xi32>
    tpu.vector_store_idx %arg6[%add3A_458], %and3A_449 : memref<8192xi32, #tpu.memory_space<vmem>>[vector<16xi32>], vector<16xi32>,
    %get3A_459 = arith.constant 368 : index
    %get3A_460 = tpu.vector_load %arg5[%get3A_459] {strides = array<i32>} : memref<512xi32, #tpu.memory_space<vmem>>, vector<16xi32>,
    %shift_right_arithmetic3A_461 = arith.constant 7 : i32
    %shift_right_arithmetic3A_462 = vector.broadcast %shift_right_arithmetic3A_461 : i32 to vector<16xi32>
    %shift_right_arithmetic3A_463 = arith.shrsi %get3A_460, %shift_right_arithmetic3A_462 : vector<16xi32>
    %shift_left3A_464 = arith.constant 7 : i32
    %shift_left3A_465 = vector.broadcast %shift_left3A_464 : i32 to vector<16xi32>
    %shift_left3A_466 = arith.shli %shift_right_arithmetic3A_463, %shift_left3A_465 : vector<16xi32>
    %and3A_467 = arith.constant 127 : i32
    %and3A_468 = vector.broadcast %and3A_467 : i32 to vector<16xi32>
    %and3A_469 = arith.andi %get3A_460, %and3A_468 : vector<16xi32>
    %add3A_470 = arith.constant 368 : i32
    %add3A_471 = vector.broadcast %add3A_470 : i32 to vector<16xi32>
    %add3A_472 = arith.addi %iota3A, %add3A_471 : vector<16xi32>
    %mul3A_473 = arith.constant 16 : i32
    %mul3A_474 = vector.broadcast %mul3A_473 : i32 to vector<16xi32>
    %mul3A_475 = arith.muli %add3A_472, %mul3A_474 : vector<16xi32>
    tpu.vector_store_idx %arg6[%mul3A_475], %shift_left3A_466 : memref<8192xi32, #tpu.memory_space<vmem>>[vector<16xi32>], vector<16xi32>,
    %add3A_476 = arith.constant 1 : i32
    %add3A_477 = vector.broadcast %add3A_476 : i32 to vector<16xi32>
    %add3A_478 = arith.addi %mul3A_475, %add3A_477 : vector<16xi32>
    tpu.vector_store_idx %arg6[%add3A_478], %and3A_469 : memref<8192xi32, #tpu.memory_space<vmem>>[vector<16xi32>], vector<16xi32>,
    %get3A_479 = arith.constant 384 : index
    %get3A_480 = tpu.vector_load %arg5[%get3A_479] {strides = array<i32>} : memref<512xi32, #tpu.memory_space<vmem>>, vector<16xi32>,
    %shift_right_arithmetic3A_481 = arith.constant 7 : i32
    %shift_right_arithmetic3A_482 = vector.broadcast %shift_right_arithmetic3A_481 : i32 to vector<16xi32>
    %shift_right_arithmetic3A_483 = arith.shrsi %get3A_480, %shift_right_arithmetic3A_482 : vector<16xi32>
    %shift_left3A_484 = arith.constant 7 : i32
    %shift_left3A_485 = vector.broadcast %shift_left3A_484 : i32 to vector<16xi32>
    %shift_left3A_486 = arith.shli %shift_right_arithmetic3A_483, %shift_left3A_485 : vector<16xi32>
    %and3A_487 = arith.constant 127 : i32
    %and3A_488 = vector.broadcast %and3A_487 : i32 to vector<16xi32>
    %and3A_489 = arith.andi %get3A_480, %and3A_488 : vector<16xi32>
    %add3A_490 = arith.constant 384 : i32
    %add3A_491 = vector.broadcast %add3A_490 : i32 to vector<16xi32>
    %add3A_492 = arith.addi %iota3A, %add3A_491 : vector<16xi32>
    %mul3A_493 = arith.constant 16 : i32
    %mul3A_494 = vector.broadcast %mul3A_493 : i32 to vector<16xi32>
    %mul3A_495 = arith.muli %add3A_492, %mul3A_494 : vector<16xi32>
    tpu.vector_store_idx %arg6[%mul3A_495], %shift_left3A_486 : memref<8192xi32, #tpu.memory_space<vmem>>[vector<16xi32>], vector<16xi32>,
    %add3A_496 = arith.constant 1 : i32
    %add3A_497 = vector.broadcast %add3A_496 : i32 to vector<16xi32>
    %add3A_498 = arith.addi %mul3A_495, %add3A_497 : vector<16xi32>
    tpu.vector_store_idx %arg6[%add3A_498], %and3A_489 : memref<8192xi32, #tpu.memory_space<vmem>>[vector<16xi32>], vector<16xi32>,
    %get3A_499 = arith.constant 400 : index
    %get3A_500 = tpu.vector_load %arg5[%get3A_499] {strides = array<i32>} : memref<512xi32, #tpu.memory_space<vmem>>, vector<16xi32>,
    %shift_right_arithmetic3A_501 = arith.constant 7 : i32
    %shift_right_arithmetic3A_502 = vector.broadcast %shift_right_arithmetic3A_501 : i32 to vector<16xi32>
    %shift_right_arithmetic3A_503 = arith.shrsi %get3A_500, %shift_right_arithmetic3A_502 : vector<16xi32>
    %shift_left3A_504 = arith.constant 7 : i32
    %shift_left3A_505 = vector.broadcast %shift_left3A_504 : i32 to vector<16xi32>
    %shift_left3A_506 = arith.shli %shift_right_arithmetic3A_503, %shift_left3A_505 : vector<16xi32>
    %and3A_507 = arith.constant 127 : i32
    %and3A_508 = vector.broadcast %and3A_507 : i32 to vector<16xi32>
    %and3A_509 = arith.andi %get3A_500, %and3A_508 : vector<16xi32>
    %add3A_510 = arith.constant 400 : i32
    %add3A_511 = vector.broadcast %add3A_510 : i32 to vector<16xi32>
    %add3A_512 = arith.addi %iota3A, %add3A_511 : vector<16xi32>
    %mul3A_513 = arith.constant 16 : i32
    %mul3A_514 = vector.broadcast %mul3A_513 : i32 to vector<16xi32>
    %mul3A_515 = arith.muli %add3A_512, %mul3A_514 : vector<16xi32>
    tpu.vector_store_idx %arg6[%mul3A_515], %shift_left3A_506 : memref<8192xi32, #tpu.memory_space<vmem>>[vector<16xi32>], vector<16xi32>,
    %add3A_516 = arith.constant 1 : i32
    %add3A_517 = vector.broadcast %add3A_516 : i32 to vector<16xi32>
    %add3A_518 = arith.addi %mul3A_515, %add3A_517 : vector<16xi32>
    tpu.vector_store_idx %arg6[%add3A_518], %and3A_509 : memref<8192xi32, #tpu.memory_space<vmem>>[vector<16xi32>], vector<16xi32>,
    %get3A_519 = arith.constant 416 : index
    %get3A_520 = tpu.vector_load %arg5[%get3A_519] {strides = array<i32>} : memref<512xi32, #tpu.memory_space<vmem>>, vector<16xi32>,
    %shift_right_arithmetic3A_521 = arith.constant 7 : i32
    %shift_right_arithmetic3A_522 = vector.broadcast %shift_right_arithmetic3A_521 : i32 to vector<16xi32>
    %shift_right_arithmetic3A_523 = arith.shrsi %get3A_520, %shift_right_arithmetic3A_522 : vector<16xi32>
    %shift_left3A_524 = arith.constant 7 : i32
    %shift_left3A_525 = vector.broadcast %shift_left3A_524 : i32 to vector<16xi32>
    %shift_left3A_526 = arith.shli %shift_right_arithmetic3A_523, %shift_left3A_525 : vector<16xi32>
    %and3A_527 = arith.constant 127 : i32
    %and3A_528 = vector.broadcast %and3A_527 : i32 to vector<16xi32>
    %and3A_529 = arith.andi %get3A_520, %and3A_528 : vector<16xi32>
    %add3A_530 = arith.constant 416 : i32
    %add3A_531 = vector.broadcast %add3A_530 : i32 to vector<16xi32>
    %add3A_532 = arith.addi %iota3A, %add3A_531 : vector<16xi32>
    %mul3A_533 = arith.constant 16 : i32
    %mul3A_534 = vector.broadcast %mul3A_533 : i32 to vector<16xi32>
    %mul3A_535 = arith.muli %add3A_532, %mul3A_534 : vector<16xi32>
    tpu.vector_store_idx %arg6[%mul3A_535], %shift_left3A_526 : memref<8192xi32, #tpu.memory_space<vmem>>[vector<16xi32>], vector<16xi32>,
    %add3A_536 = arith.constant 1 : i32
    %add3A_537 = vector.broadcast %add3A_536 : i32 to vector<16xi32>
    %add3A_538 = arith.addi %mul3A_535, %add3A_537 : vector<16xi32>
    tpu.vector_store_idx %arg6[%add3A_538], %and3A_529 : memref<8192xi32, #tpu.memory_space<vmem>>[vector<16xi32>], vector<16xi32>,
    %get3A_539 = arith.constant 432 : index
    %get3A_540 = tpu.vector_load %arg5[%get3A_539] {strides = array<i32>} : memref<512xi32, #tpu.memory_space<vmem>>, vector<16xi32>,
    %shift_right_arithmetic3A_541 = arith.constant 7 : i32
    %shift_right_arithmetic3A_542 = vector.broadcast %shift_right_arithmetic3A_541 : i32 to vector<16xi32>
    %shift_right_arithmetic3A_543 = arith.shrsi %get3A_540, %shift_right_arithmetic3A_542 : vector<16xi32>
    %shift_left3A_544 = arith.constant 7 : i32
    %shift_left3A_545 = vector.broadcast %shift_left3A_544 : i32 to vector<16xi32>
    %shift_left3A_546 = arith.shli %shift_right_arithmetic3A_543, %shift_left3A_545 : vector<16xi32>
    %and3A_547 = arith.constant 127 : i32
    %and3A_548 = vector.broadcast %and3A_547 : i32 to vector<16xi32>
    %and3A_549 = arith.andi %get3A_540, %and3A_548 : vector<16xi32>
    %add3A_550 = arith.constant 432 : i32
    %add3A_551 = vector.broadcast %add3A_550 : i32 to vector<16xi32>
    %add3A_552 = arith.addi %iota3A, %add3A_551 : vector<16xi32>
    %mul3A_553 = arith.constant 16 : i32
    %mul3A_554 = vector.broadcast %mul3A_553 : i32 to vector<16xi32>
    %mul3A_555 = arith.muli %add3A_552, %mul3A_554 : vector<16xi32>
    tpu.vector_store_idx %arg6[%mul3A_555], %shift_left3A_546 : memref<8192xi32, #tpu.memory_space<vmem>>[vector<16xi32>], vector<16xi32>,
    %add3A_556 = arith.constant 1 : i32
    %add3A_557 = vector.broadcast %add3A_556 : i32 to vector<16xi32>
    %add3A_558 = arith.addi %mul3A_555, %add3A_557 : vector<16xi32>
    tpu.vector_store_idx %arg6[%add3A_558], %and3A_549 : memref<8192xi32, #tpu.memory_space<vmem>>[vector<16xi32>], vector<16xi32>,
    %get3A_559 = arith.constant 448 : index
    %get3A_560 = tpu.vector_load %arg5[%get3A_559] {strides = array<i32>} : memref<512xi32, #tpu.memory_space<vmem>>, vector<16xi32>,
    %shift_right_arithmetic3A_561 = arith.constant 7 : i32
    %shift_right_arithmetic3A_562 = vector.broadcast %shift_right_arithmetic3A_561 : i32 to vector<16xi32>
    %shift_right_arithmetic3A_563 = arith.shrsi %get3A_560, %shift_right_arithmetic3A_562 : vector<16xi32>
    %shift_left3A_564 = arith.constant 7 : i32
    %shift_left3A_565 = vector.broadcast %shift_left3A_564 : i32 to vector<16xi32>
    %shift_left3A_566 = arith.shli %shift_right_arithmetic3A_563, %shift_left3A_565 : vector<16xi32>
    %and3A_567 = arith.constant 127 : i32
    %and3A_568 = vector.broadcast %and3A_567 : i32 to vector<16xi32>
    %and3A_569 = arith.andi %get3A_560, %and3A_568 : vector<16xi32>
    %add3A_570 = arith.constant 448 : i32
    %add3A_571 = vector.broadcast %add3A_570 : i32 to vector<16xi32>
    %add3A_572 = arith.addi %iota3A, %add3A_571 : vector<16xi32>
    %mul3A_573 = arith.constant 16 : i32
    %mul3A_574 = vector.broadcast %mul3A_573 : i32 to vector<16xi32>
    %mul3A_575 = arith.muli %add3A_572, %mul3A_574 : vector<16xi32>
    tpu.vector_store_idx %arg6[%mul3A_575], %shift_left3A_566 : memref<8192xi32, #tpu.memory_space<vmem>>[vector<16xi32>], vector<16xi32>,
    %add3A_576 = arith.constant 1 : i32
    %add3A_577 = vector.broadcast %add3A_576 : i32 to vector<16xi32>
    %add3A_578 = arith.addi %mul3A_575, %add3A_577 : vector<16xi32>
    tpu.vector_store_idx %arg6[%add3A_578], %and3A_569 : memref<8192xi32, #tpu.memory_space<vmem>>[vector<16xi32>], vector<16xi32>,
    %get3A_579 = arith.constant 464 : index
    %get3A_580 = tpu.vector_load %arg5[%get3A_579] {strides = array<i32>} : memref<512xi32, #tpu.memory_space<vmem>>, vector<16xi32>,
    %shift_right_arithmetic3A_581 = arith.constant 7 : i32
    %shift_right_arithmetic3A_582 = vector.broadcast %shift_right_arithmetic3A_581 : i32 to vector<16xi32>
    %shift_right_arithmetic3A_583 = arith.shrsi %get3A_580, %shift_right_arithmetic3A_582 : vector<16xi32>
    %shift_left3A_584 = arith.constant 7 : i32
    %shift_left3A_585 = vector.broadcast %shift_left3A_584 : i32 to vector<16xi32>
    %shift_left3A_586 = arith.shli %shift_right_arithmetic3A_583, %shift_left3A_585 : vector<16xi32>
    %and3A_587 = arith.constant 127 : i32
    %and3A_588 = vector.broadcast %and3A_587 : i32 to vector<16xi32>
    %and3A_589 = arith.andi %get3A_580, %and3A_588 : vector<16xi32>
    %add3A_590 = arith.constant 464 : i32
    %add3A_591 = vector.broadcast %add3A_590 : i32 to vector<16xi32>
    %add3A_592 = arith.addi %iota3A, %add3A_591 : vector<16xi32>
    %mul3A_593 = arith.constant 16 : i32
    %mul3A_594 = vector.broadcast %mul3A_593 : i32 to vector<16xi32>
    %mul3A_595 = arith.muli %add3A_592, %mul3A_594 : vector<16xi32>
    tpu.vector_store_idx %arg6[%mul3A_595], %shift_left3A_586 : memref<8192xi32, #tpu.memory_space<vmem>>[vector<16xi32>], vector<16xi32>,
    %add3A_596 = arith.constant 1 : i32
    %add3A_597 = vector.broadcast %add3A_596 : i32 to vector<16xi32>
    %add3A_598 = arith.addi %mul3A_595, %add3A_597 : vector<16xi32>
    tpu.vector_store_idx %arg6[%add3A_598], %and3A_589 : memref<8192xi32, #tpu.memory_space<vmem>>[vector<16xi32>], vector<16xi32>,
    %get3A_599 = arith.constant 480 : index
    %get3A_600 = tpu.vector_load %arg5[%get3A_599] {strides = array<i32>} : memref<512xi32, #tpu.memory_space<vmem>>, vector<16xi32>,
    %shift_right_arithmetic3A_601 = arith.constant 7 : i32
    %shift_right_arithmetic3A_602 = vector.broadcast %shift_right_arithmetic3A_601 : i32 to vector<16xi32>
    %shift_right_arithmetic3A_603 = arith.shrsi %get3A_600, %shift_right_arithmetic3A_602 : vector<16xi32>
    %shift_left3A_604 = arith.constant 7 : i32
    %shift_left3A_605 = vector.broadcast %shift_left3A_604 : i32 to vector<16xi32>
    %shift_left3A_606 = arith.shli %shift_right_arithmetic3A_603, %shift_left3A_605 : vector<16xi32>
    %and3A_607 = arith.constant 127 : i32
    %and3A_608 = vector.broadcast %and3A_607 : i32 to vector<16xi32>
    %and3A_609 = arith.andi %get3A_600, %and3A_608 : vector<16xi32>
    %add3A_610 = arith.constant 480 : i32
    %add3A_611 = vector.broadcast %add3A_610 : i32 to vector<16xi32>
    %add3A_612 = arith.addi %iota3A, %add3A_611 : vector<16xi32>
    %mul3A_613 = arith.constant 16 : i32
    %mul3A_614 = vector.broadcast %mul3A_613 : i32 to vector<16xi32>
    %mul3A_615 = arith.muli %add3A_612, %mul3A_614 : vector<16xi32>
    tpu.vector_store_idx %arg6[%mul3A_615], %shift_left3A_606 : memref<8192xi32, #tpu.memory_space<vmem>>[vector<16xi32>], vector<16xi32>,
    %add3A_616 = arith.constant 1 : i32
    %add3A_617 = vector.broadcast %add3A_616 : i32 to vector<16xi32>
    %add3A_618 = arith.addi %mul3A_615, %add3A_617 : vector<16xi32>
    tpu.vector_store_idx %arg6[%add3A_618], %and3A_609 : memref<8192xi32, #tpu.memory_space<vmem>>[vector<16xi32>], vector<16xi32>,
    %get3A_619 = arith.constant 496 : index
    %get3A_620 = tpu.vector_load %arg5[%get3A_619] {strides = array<i32>} : memref<512xi32, #tpu.memory_space<vmem>>, vector<16xi32>,
    %shift_right_arithmetic3A_621 = arith.constant 7 : i32
    %shift_right_arithmetic3A_622 = vector.broadcast %shift_right_arithmetic3A_621 : i32 to vector<16xi32>
    %shift_right_arithmetic3A_623 = arith.shrsi %get3A_620, %shift_right_arithmetic3A_622 : vector<16xi32>
    %shift_left3A_624 = arith.constant 7 : i32
    %shift_left3A_625 = vector.broadcast %shift_left3A_624 : i32 to vector<16xi32>
    %shift_left3A_626 = arith.shli %shift_right_arithmetic3A_623, %shift_left3A_625 : vector<16xi32>
    %and3A_627 = arith.constant 127 : i32
    %and3A_628 = vector.broadcast %and3A_627 : i32 to vector<16xi32>
    %and3A_629 = arith.andi %get3A_620, %and3A_628 : vector<16xi32>
    %add3A_630 = arith.constant 496 : i32
    %add3A_631 = vector.broadcast %add3A_630 : i32 to vector<16xi32>
    %add3A_632 = arith.addi %iota3A, %add3A_631 : vector<16xi32>
    %mul3A_633 = arith.constant 16 : i32
    %mul3A_634 = vector.broadcast %mul3A_633 : i32 to vector<16xi32>
    %mul3A_635 = arith.muli %add3A_632, %mul3A_634 : vector<16xi32>
    tpu.vector_store_idx %arg6[%mul3A_635], %shift_left3A_626 : memref<8192xi32, #tpu.memory_space<vmem>>[vector<16xi32>], vector<16xi32>,
    %add3A_636 = arith.constant 1 : i32
    %add3A_637 = vector.broadcast %add3A_636 : i32 to vector<16xi32>
    %add3A_638 = arith.addi %mul3A_635, %add3A_637 : vector<16xi32>
    tpu.vector_store_idx %arg6[%add3A_638], %and3A_629 : memref<8192xi32, #tpu.memory_space<vmem>>[vector<16xi32>], vector<16xi32>,
    %mul3A_639 = arith.constant 0 : i32
    %mul3A_640 = arith.constant 16 : i32
    %mul3A_641 = arith.muli %mul3A_639, %mul3A_640 : i32
    %multiple_of3A = tpu.assume_multiple %mul3A_641, 16 : i32
    %get3A_642 = arith.index_cast %multiple_of3A : i32 to index
    %get3A_643 = tpu.vector_load %arg6[%get3A_642] {strides = array<i32>} : memref<8192xi32, #tpu.memory_space<vmem>>, vector<16xi32>,
    %slice3A = vector.extract_strided_slice %get3A_643 {offsets = [0], sizes = [1], strides = [1]} : vector<16xi32> to vector<1xi32>
    %squeeze3A = vector.extract %slice3A[0] : i32 from vector<1xi32>
    %multiple_of3A_644 = tpu.assume_multiple %squeeze3A, 128 : i32
    %dma_start3A = arith.constant 0 : i32
    %dma_start3A_645 = arith.constant 0 : i32
    %dma_start3A_646 = arith.constant 0 : i32
    %dma_start3A_647 = tpu.memref_slice %arg7[%dma_start3A, %dma_start3A_645, %dma_start3A_646] : memref<8x64x128xf32, #tpu.memory_space<vmem>> -> memref<1x64x128xf32, #tpu.memory_space<vmem>>
    %dma_start3A_648 = tpu.memref_squeeze %dma_start3A_647 : memref<1x64x128xf32, #tpu.memory_space<vmem>> -> memref<64x128xf32, #tpu.memory_space<vmem>>
    %dma_start3A_649 = arith.constant 0 : i32
    %dma_start3A_650 = tpu.memref_slice %arg3[%dma_start3A_649, %multiple_of3A_644] : memref<64x1000000xf32, #tpu.memory_space<hbm>> -> memref<64x128xf32, #tpu.memory_space<hbm>>
    %dma_start3A_651 = arith.constant 0 : i32
    %dma_start3A_652 = arith.constant 0 : i32
    %dma_start3A_653 = tpu.memref_slice %arg7[%dma_start3A, %dma_start3A_651, %dma_start3A_652] : memref<8x64x128xf32, #tpu.memory_space<vmem>> -> memref<1x64x128xf32, #tpu.memory_space<vmem>>
    %dma_start3A_654 = tpu.memref_squeeze %dma_start3A_653 : memref<1x64x128xf32, #tpu.memory_space<vmem>> -> memref<64x128xf32, #tpu.memory_space<vmem>>
    %dma_start3A_655 = arith.constant 0 : i32
    %dma_start3A_656 = tpu.memref_slice %arg3[%dma_start3A_655, %multiple_of3A_644] : memref<64x1000000xf32, #tpu.memory_space<hbm>> -> memref<64x128xf32, #tpu.memory_space<hbm>>
    tpu.enqueue_dma source(%dma_start3A_656 : memref<64x128xf32, #tpu.memory_space<hbm>>) target(%dma_start3A_654 : memref<64x128xf32, #tpu.memory_space<vmem>>) target_semaphore(%arg9 : memref<!tpu.dma_semaphore, #tpu.memory_space<semaphore_mem>>)
    %mul3A_657 = arith.constant 1 : i32
    %mul3A_658 = arith.constant 16 : i32
    %mul3A_659 = arith.muli %mul3A_657, %mul3A_658 : i32
    %multiple_of3A_660 = tpu.assume_multiple %mul3A_659, 16 : i32
    %get3A_661 = arith.index_cast %multiple_of3A_660 : i32 to index
    %get3A_662 = tpu.vector_load %arg6[%get3A_661] {strides = array<i32>} : memref<8192xi32, #tpu.memory_space<vmem>>, vector<16xi32>,
    %slice3A_663 = vector.extract_strided_slice %get3A_662 {offsets = [0], sizes = [1], strides = [1]} : vector<16xi32> to vector<1xi32>
    %squeeze3A_664 = vector.extract %slice3A_663[0] : i32 from vector<1xi32>
    %multiple_of3A_665 = tpu.assume_multiple %squeeze3A_664, 128 : i32
    %dma_start3A_666 = arith.constant 1 : i32
    %dma_start3A_667 = arith.constant 0 : i32
    %dma_start3A_668 = arith.constant 0 : i32
    %dma_start3A_669 = tpu.memref_slice %arg7[%dma_start3A_666, %dma_start3A_667, %dma_start3A_668] : memref<8x64x128xf32, #tpu.memory_space<vmem>> -> memref<1x64x128xf32, #tpu.memory_space<vmem>>
    %dma_start3A_670 = tpu.memref_squeeze %dma_start3A_669 : memref<1x64x128xf32, #tpu.memory_space<vmem>> -> memref<64x128xf32, #tpu.memory_space<vmem>>
    %dma_start3A_671 = arith.constant 0 : i32
    %dma_start3A_672 = tpu.memref_slice %arg3[%dma_start3A_671, %multiple_of3A_665] : memref<64x1000000xf32, #tpu.memory_space<hbm>> -> memref<64x128xf32, #tpu.memory_space<hbm>>
    %dma_start3A_673 = arith.constant 0 : i32
    %dma_start3A_674 = arith.constant 0 : i32
    %dma_start3A_675 = tpu.memref_slice %arg7[%dma_start3A_666, %dma_start3A_673, %dma_start3A_674] : memref<8x64x128xf32, #tpu.memory_space<vmem>> -> memref<1x64x128xf32, #tpu.memory_space<vmem>>
    %dma_start3A_676 = tpu.memref_squeeze %dma_start3A_675 : memref<1x64x128xf32, #tpu.memory_space<vmem>> -> memref<64x128xf32, #tpu.memory_space<vmem>>
    %dma_start3A_677 = arith.constant 0 : i32
    %dma_start3A_678 = tpu.memref_slice %arg3[%dma_start3A_677, %multiple_of3A_665] : memref<64x1000000xf32, #tpu.memory_space<hbm>> -> memref<64x128xf32, #tpu.memory_space<hbm>>
    tpu.enqueue_dma source(%dma_start3A_678 : memref<64x128xf32, #tpu.memory_space<hbm>>) target(%dma_start3A_676 : memref<64x128xf32, #tpu.memory_space<vmem>>) target_semaphore(%arg10 : memref<!tpu.dma_semaphore, #tpu.memory_space<semaphore_mem>>)
    %mul3A_679 = arith.constant 2 : i32
    %mul3A_680 = arith.constant 16 : i32
    %mul3A_681 = arith.muli %mul3A_679, %mul3A_680 : i32
    %multiple_of3A_682 = tpu.assume_multiple %mul3A_681, 16 : i32
    %get3A_683 = arith.index_cast %multiple_of3A_682 : i32 to index
    %get3A_684 = tpu.vector_load %arg6[%get3A_683] {strides = array<i32>} : memref<8192xi32, #tpu.memory_space<vmem>>, vector<16xi32>,
    %slice3A_685 = vector.extract_strided_slice %get3A_684 {offsets = [0], sizes = [1], strides = [1]} : vector<16xi32> to vector<1xi32>
    %squeeze3A_686 = vector.extract %slice3A_685[0] : i32 from vector<1xi32>
    %multiple_of3A_687 = tpu.assume_multiple %squeeze3A_686, 128 : i32
    %dma_start3A_688 = arith.constant 2 : i32
    %dma_start3A_689 = arith.constant 0 : i32
    %dma_start3A_690 = arith.constant 0 : i32
    %dma_start3A_691 = tpu.memref_slice %arg7[%dma_start3A_688, %dma_start3A_689, %dma_start3A_690] : memref<8x64x128xf32, #tpu.memory_space<vmem>> -> memref<1x64x128xf32, #tpu.memory_space<vmem>>
    %dma_start3A_692 = tpu.memref_squeeze %dma_start3A_691 : memref<1x64x128xf32, #tpu.memory_space<vmem>> -> memref<64x128xf32, #tpu.memory_space<vmem>>
    %dma_start3A_693 = arith.constant 0 : i32
    %dma_start3A_694 = tpu.memref_slice %arg3[%dma_start3A_693, %multiple_of3A_687] : memref<64x1000000xf32, #tpu.memory_space<hbm>> -> memref<64x128xf32, #tpu.memory_space<hbm>>
    %dma_start3A_695 = arith.constant 0 : i32
    %dma_start3A_696 = arith.constant 0 : i32
    %dma_start3A_697 = tpu.memref_slice %arg7[%dma_start3A_688, %dma_start3A_695, %dma_start3A_696] : memref<8x64x128xf32, #tpu.memory_space<vmem>> -> memref<1x64x128xf32, #tpu.memory_space<vmem>>
    %dma_start3A_698 = tpu.memref_squeeze %dma_start3A_697 : memref<1x64x128xf32, #tpu.memory_space<vmem>> -> memref<64x128xf32, #tpu.memory_space<vmem>>
    %dma_start3A_699 = arith.constant 0 : i32
    %dma_start3A_700 = tpu.memref_slice %arg3[%dma_start3A_699, %multiple_of3A_687] : memref<64x1000000xf32, #tpu.memory_space<hbm>> -> memref<64x128xf32, #tpu.memory_space<hbm>>
    tpu.enqueue_dma source(%dma_start3A_700 : memref<64x128xf32, #tpu.memory_space<hbm>>) target(%dma_start3A_698 : memref<64x128xf32, #tpu.memory_space<vmem>>) target_semaphore(%arg11 : memref<!tpu.dma_semaphore, #tpu.memory_space<semaphore_mem>>)
    %mul3A_701 = arith.constant 3 : i32
    %mul3A_702 = arith.constant 16 : i32
    %mul3A_703 = arith.muli %mul3A_701, %mul3A_702 : i32
    %multiple_of3A_704 = tpu.assume_multiple %mul3A_703, 16 : i32
    %get3A_705 = arith.index_cast %multiple_of3A_704 : i32 to index
    %get3A_706 = tpu.vector_load %arg6[%get3A_705] {strides = array<i32>} : memref<8192xi32, #tpu.memory_space<vmem>>, vector<16xi32>,
    %slice3A_707 = vector.extract_strided_slice %get3A_706 {offsets = [0], sizes = [1], strides = [1]} : vector<16xi32> to vector<1xi32>
    %squeeze3A_708 = vector.extract %slice3A_707[0] : i32 from vector<1xi32>
    %multiple_of3A_709 = tpu.assume_multiple %squeeze3A_708, 128 : i32
    %dma_start3A_710 = arith.constant 3 : i32
    %dma_start3A_711 = arith.constant 0 : i32
    %dma_start3A_712 = arith.constant 0 : i32
    %dma_start3A_713 = tpu.memref_slice %arg7[%dma_start3A_710, %dma_start3A_711, %dma_start3A_712] : memref<8x64x128xf32, #tpu.memory_space<vmem>> -> memref<1x64x128xf32, #tpu.memory_space<vmem>>
    %dma_start3A_714 = tpu.memref_squeeze %dma_start3A_713 : memref<1x64x128xf32, #tpu.memory_space<vmem>> -> memref<64x128xf32, #tpu.memory_space<vmem>>
    %dma_start3A_715 = arith.constant 0 : i32
    %dma_start3A_716 = tpu.memref_slice %arg3[%dma_start3A_715, %multiple_of3A_709] : memref<64x1000000xf32, #tpu.memory_space<hbm>> -> memref<64x128xf32, #tpu.memory_space<hbm>>
    %dma_start3A_717 = arith.constant 0 : i32
    %dma_start3A_718 = arith.constant 0 : i32
    %dma_start3A_719 = tpu.memref_slice %arg7[%dma_start3A_710, %dma_start3A_717, %dma_start3A_718] : memref<8x64x128xf32, #tpu.memory_space<vmem>> -> memref<1x64x128xf32, #tpu.memory_space<vmem>>
    %dma_start3A_720 = tpu.memref_squeeze %dma_start3A_719 : memref<1x64x128xf32, #tpu.memory_space<vmem>> -> memref<64x128xf32, #tpu.memory_space<vmem>>
    %dma_start3A_721 = arith.constant 0 : i32
    %dma_start3A_722 = tpu.memref_slice %arg3[%dma_start3A_721, %multiple_of3A_709] : memref<64x1000000xf32, #tpu.memory_space<hbm>> -> memref<64x128xf32, #tpu.memory_space<hbm>>
    tpu.enqueue_dma source(%dma_start3A_722 : memref<64x128xf32, #tpu.memory_space<hbm>>) target(%dma_start3A_720 : memref<64x128xf32, #tpu.memory_space<vmem>>) target_semaphore(%arg12 : memref<!tpu.dma_semaphore, #tpu.memory_space<semaphore_mem>>)
    %mul3A_723 = arith.constant 4 : i32
    %mul3A_724 = arith.constant 16 : i32
    %mul3A_725 = arith.muli %mul3A_723, %mul3A_724 : i32
    %multiple_of3A_726 = tpu.assume_multiple %mul3A_725, 16 : i32
    %get3A_727 = arith.index_cast %multiple_of3A_726 : i32 to index
    %get3A_728 = tpu.vector_load %arg6[%get3A_727] {strides = array<i32>} : memref<8192xi32, #tpu.memory_space<vmem>>, vector<16xi32>,
    %slice3A_729 = vector.extract_strided_slice %get3A_728 {offsets = [0], sizes = [1], strides = [1]} : vector<16xi32> to vector<1xi32>
    %squeeze3A_730 = vector.extract %slice3A_729[0] : i32 from vector<1xi32>
    %multiple_of3A_731 = tpu.assume_multiple %squeeze3A_730, 128 : i32
    %dma_start3A_732 = arith.constant 4 : i32
    %dma_start3A_733 = arith.constant 0 : i32
    %dma_start3A_734 = arith.constant 0 : i32
    %dma_start3A_735 = tpu.memref_slice %arg7[%dma_start3A_732, %dma_start3A_733, %dma_start3A_734] : memref<8x64x128xf32, #tpu.memory_space<vmem>> -> memref<1x64x128xf32, #tpu.memory_space<vmem>>
    %dma_start3A_736 = tpu.memref_squeeze %dma_start3A_735 : memref<1x64x128xf32, #tpu.memory_space<vmem>> -> memref<64x128xf32, #tpu.memory_space<vmem>>
    %dma_start3A_737 = arith.constant 0 : i32
    %dma_start3A_738 = tpu.memref_slice %arg3[%dma_start3A_737, %multiple_of3A_731] : memref<64x1000000xf32, #tpu.memory_space<hbm>> -> memref<64x128xf32, #tpu.memory_space<hbm>>
    %dma_start3A_739 = arith.constant 0 : i32
    %dma_start3A_740 = arith.constant 0 : i32
    %dma_start3A_741 = tpu.memref_slice %arg7[%dma_start3A_732, %dma_start3A_739, %dma_start3A_740] : memref<8x64x128xf32, #tpu.memory_space<vmem>> -> memref<1x64x128xf32, #tpu.memory_space<vmem>>
    %dma_start3A_742 = tpu.memref_squeeze %dma_start3A_741 : memref<1x64x128xf32, #tpu.memory_space<vmem>> -> memref<64x128xf32, #tpu.memory_space<vmem>>
    %dma_start3A_743 = arith.constant 0 : i32
    %dma_start3A_744 = tpu.memref_slice %arg3[%dma_start3A_743, %multiple_of3A_731] : memref<64x1000000xf32, #tpu.memory_space<hbm>> -> memref<64x128xf32, #tpu.memory_space<hbm>>
    tpu.enqueue_dma source(%dma_start3A_744 : memref<64x128xf32, #tpu.memory_space<hbm>>) target(%dma_start3A_742 : memref<64x128xf32, #tpu.memory_space<vmem>>) target_semaphore(%arg13 : memref<!tpu.dma_semaphore, #tpu.memory_space<semaphore_mem>>)
    %mul3A_745 = arith.constant 5 : i32
    %mul3A_746 = arith.constant 16 : i32
    %mul3A_747 = arith.muli %mul3A_745, %mul3A_746 : i32
    %multiple_of3A_748 = tpu.assume_multiple %mul3A_747, 16 : i32
    %get3A_749 = arith.index_cast %multiple_of3A_748 : i32 to index
    %get3A_750 = tpu.vector_load %arg6[%get3A_749] {strides = array<i32>} : memref<8192xi32, #tpu.memory_space<vmem>>, vector<16xi32>,
    %slice3A_751 = vector.extract_strided_slice %get3A_750 {offsets = [0], sizes = [1], strides = [1]} : vector<16xi32> to vector<1xi32>
    %squeeze3A_752 = vector.extract %slice3A_751[0] : i32 from vector<1xi32>
    %multiple_of3A_753 = tpu.assume_multiple %squeeze3A_752, 128 : i32
    %dma_start3A_754 = arith.constant 5 : i32
    %dma_start3A_755 = arith.constant 0 : i32
    %dma_start3A_756 = arith.constant 0 : i32
    %dma_start3A_757 = tpu.memref_slice %arg7[%dma_start3A_754, %dma_start3A_755, %dma_start3A_756] : memref<8x64x128xf32, #tpu.memory_space<vmem>> -> memref<1x64x128xf32, #tpu.memory_space<vmem>>
    %dma_start3A_758 = tpu.memref_squeeze %dma_start3A_757 : memref<1x64x128xf32, #tpu.memory_space<vmem>> -> memref<64x128xf32, #tpu.memory_space<vmem>>
    %dma_start3A_759 = arith.constant 0 : i32
    %dma_start3A_760 = tpu.memref_slice %arg3[%dma_start3A_759, %multiple_of3A_753] : memref<64x1000000xf32, #tpu.memory_space<hbm>> -> memref<64x128xf32, #tpu.memory_space<hbm>>
    %dma_start3A_761 = arith.constant 0 : i32
    %dma_start3A_762 = arith.constant 0 : i32
    %dma_start3A_763 = tpu.memref_slice %arg7[%dma_start3A_754, %dma_start3A_761, %dma_start3A_762] : memref<8x64x128xf32, #tpu.memory_space<vmem>> -> memref<1x64x128xf32, #tpu.memory_space<vmem>>
    %dma_start3A_764 = tpu.memref_squeeze %dma_start3A_763 : memref<1x64x128xf32, #tpu.memory_space<vmem>> -> memref<64x128xf32, #tpu.memory_space<vmem>>
    %dma_start3A_765 = arith.constant 0 : i32
    %dma_start3A_766 = tpu.memref_slice %arg3[%dma_start3A_765, %multiple_of3A_753] : memref<64x1000000xf32, #tpu.memory_space<hbm>> -> memref<64x128xf32, #tpu.memory_space<hbm>>
    tpu.enqueue_dma source(%dma_start3A_766 : memref<64x128xf32, #tpu.memory_space<hbm>>) target(%dma_start3A_764 : memref<64x128xf32, #tpu.memory_space<vmem>>) target_semaphore(%arg14 : memref<!tpu.dma_semaphore, #tpu.memory_space<semaphore_mem>>)
    %mul3A_767 = arith.constant 6 : i32
    %mul3A_768 = arith.constant 16 : i32
    %mul3A_769 = arith.muli %mul3A_767, %mul3A_768 : i32
    %multiple_of3A_770 = tpu.assume_multiple %mul3A_769, 16 : i32
    %get3A_771 = arith.index_cast %multiple_of3A_770 : i32 to index
    %get3A_772 = tpu.vector_load %arg6[%get3A_771] {strides = array<i32>} : memref<8192xi32, #tpu.memory_space<vmem>>, vector<16xi32>,
    %slice3A_773 = vector.extract_strided_slice %get3A_772 {offsets = [0], sizes = [1], strides = [1]} : vector<16xi32> to vector<1xi32>
    %squeeze3A_774 = vector.extract %slice3A_773[0] : i32 from vector<1xi32>
    %multiple_of3A_775 = tpu.assume_multiple %squeeze3A_774, 128 : i32
    %dma_start3A_776 = arith.constant 6 : i32
    %dma_start3A_777 = arith.constant 0 : i32
    %dma_start3A_778 = arith.constant 0 : i32
    %dma_start3A_779 = tpu.memref_slice %arg7[%dma_start3A_776, %dma_start3A_777, %dma_start3A_778] : memref<8x64x128xf32, #tpu.memory_space<vmem>> -> memref<1x64x128xf32, #tpu.memory_space<vmem>>
    %dma_start3A_780 = tpu.memref_squeeze %dma_start3A_779 : memref<1x64x128xf32, #tpu.memory_space<vmem>> -> memref<64x128xf32, #tpu.memory_space<vmem>>
    %dma_start3A_781 = arith.constant 0 : i32
    %dma_start3A_782 = tpu.memref_slice %arg3[%dma_start3A_781, %multiple_of3A_775] : memref<64x1000000xf32, #tpu.memory_space<hbm>> -> memref<64x128xf32, #tpu.memory_space<hbm>>
    %dma_start3A_783 = arith.constant 0 : i32
    %dma_start3A_784 = arith.constant 0 : i32
    %dma_start3A_785 = tpu.memref_slice %arg7[%dma_start3A_776, %dma_start3A_783, %dma_start3A_784] : memref<8x64x128xf32, #tpu.memory_space<vmem>> -> memref<1x64x128xf32, #tpu.memory_space<vmem>>
    %dma_start3A_786 = tpu.memref_squeeze %dma_start3A_785 : memref<1x64x128xf32, #tpu.memory_space<vmem>> -> memref<64x128xf32, #tpu.memory_space<vmem>>
    %dma_start3A_787 = arith.constant 0 : i32
    %dma_start3A_788 = tpu.memref_slice %arg3[%dma_start3A_787, %multiple_of3A_775] : memref<64x1000000xf32, #tpu.memory_space<hbm>> -> memref<64x128xf32, #tpu.memory_space<hbm>>
    tpu.enqueue_dma source(%dma_start3A_788 : memref<64x128xf32, #tpu.memory_space<hbm>>) target(%dma_start3A_786 : memref<64x128xf32, #tpu.memory_space<vmem>>) target_semaphore(%arg15 : memref<!tpu.dma_semaphore, #tpu.memory_space<semaphore_mem>>)
    %mul3A_789 = arith.constant 7 : i32
    %mul3A_790 = arith.constant 16 : i32
    %mul3A_791 = arith.muli %mul3A_789, %mul3A_790 : i32
    %multiple_of3A_792 = tpu.assume_multiple %mul3A_791, 16 : i32
    %get3A_793 = arith.index_cast %multiple_of3A_792 : i32 to index
    %get3A_794 = tpu.vector_load %arg6[%get3A_793] {strides = array<i32>} : memref<8192xi32, #tpu.memory_space<vmem>>, vector<16xi32>,
    %slice3A_795 = vector.extract_strided_slice %get3A_794 {offsets = [0], sizes = [1], strides = [1]} : vector<16xi32> to vector<1xi32>
    %squeeze3A_796 = vector.extract %slice3A_795[0] : i32 from vector<1xi32>
    %multiple_of3A_797 = tpu.assume_multiple %squeeze3A_796, 128 : i32
    %dma_start3A_798 = arith.constant 7 : i32
    %dma_start3A_799 = arith.constant 0 : i32
    %dma_start3A_800 = arith.constant 0 : i32
    %dma_start3A_801 = tpu.memref_slice %arg7[%dma_start3A_798, %dma_start3A_799, %dma_start3A_800] : memref<8x64x128xf32, #tpu.memory_space<vmem>> -> memref<1x64x128xf32, #tpu.memory_space<vmem>>
    %dma_start3A_802 = tpu.memref_squeeze %dma_start3A_801 : memref<1x64x128xf32, #tpu.memory_space<vmem>> -> memref<64x128xf32, #tpu.memory_space<vmem>>
    %dma_start3A_803 = arith.constant 0 : i32
    %dma_start3A_804 = tpu.memref_slice %arg3[%dma_start3A_803, %multiple_of3A_797] : memref<64x1000000xf32, #tpu.memory_space<hbm>> -> memref<64x128xf32, #tpu.memory_space<hbm>>
    %dma_start3A_805 = arith.constant 0 : i32
    %dma_start3A_806 = arith.constant 0 : i32
    %dma_start3A_807 = tpu.memref_slice %arg7[%dma_start3A_798, %dma_start3A_805, %dma_start3A_806] : memref<8x64x128xf32, #tpu.memory_space<vmem>> -> memref<1x64x128xf32, #tpu.memory_space<vmem>>
    %dma_start3A_808 = tpu.memref_squeeze %dma_start3A_807 : memref<1x64x128xf32, #tpu.memory_space<vmem>> -> memref<64x128xf32, #tpu.memory_space<vmem>>
    %dma_start3A_809 = arith.constant 0 : i32
    %dma_start3A_810 = tpu.memref_slice %arg3[%dma_start3A_809, %multiple_of3A_797] : memref<64x1000000xf32, #tpu.memory_space<hbm>> -> memref<64x128xf32, #tpu.memory_space<hbm>>
    tpu.enqueue_dma source(%dma_start3A_810 : memref<64x128xf32, #tpu.memory_space<hbm>>) target(%dma_start3A_808 : memref<64x128xf32, #tpu.memory_space<vmem>>) target_semaphore(%arg16 : memref<!tpu.dma_semaphore, #tpu.memory_space<semaphore_mem>>)
    %scan3A = arith.constant 0 : i32
    %scan3A_811 = arith.constant 0 : i32
    %scan3A_812 = arith.constant 63 : i32
    %scan3A_813 = arith.addi %scan3A_811, %scan3A_812 : i32
    %scan3A_814 = arith.constant 1 : i32
    %scan3A_815 = scf.for %scan3A_1551 = %scan3A_811 to %scan3A_813 step %scan3A_814 iter_args(%scan3A_1552 = %scan3A) -> (i32)  : i32 {
      %mul3A_1553 = arith.constant 8 : i32
      %mul3A_1554 = arith.muli %scan3A_1551, %mul3A_1553 : i32
      %add3A_1555 = arith.constant 0 : i32
      %add3A_1556 = arith.addi %mul3A_1554, %add3A_1555 : i32
      %dma_wait3A_1557 = arith.constant 0 : i32
      %dma_wait3A_1558 = arith.constant 0 : i32
      %dma_wait3A_1559 = arith.constant 0 : i32
      %dma_wait3A_1560 = tpu.memref_slice %arg7[%dma_wait3A_1557, %dma_wait3A_1558, %dma_wait3A_1559] : memref<8x64x128xf32, #tpu.memory_space<vmem>> -> memref<1x64x128xf32, #tpu.memory_space<vmem>>
      %dma_wait3A_1561 = tpu.memref_squeeze %dma_wait3A_1560 : memref<1x64x128xf32, #tpu.memory_space<vmem>> -> memref<64x128xf32, #tpu.memory_space<vmem>>
      %dma_wait3A_1562 = arith.constant 0 : i32
      %dma_wait3A_1563 = arith.constant 0 : i32
      %dma_wait3A_1564 = tpu.memref_slice %arg3[%dma_wait3A_1562, %dma_wait3A_1563] : memref<64x1000000xf32, #tpu.memory_space<hbm>> -> memref<64x128xf32, #tpu.memory_space<hbm>>
      %dma_wait3A_1565 = arith.constant 0 : i32
      %dma_wait3A_1566 = arith.constant 0 : i32
      %dma_wait3A_1567 = tpu.memref_slice %arg7[%dma_wait3A_1557, %dma_wait3A_1565, %dma_wait3A_1566] : memref<8x64x128xf32, #tpu.memory_space<vmem>> -> memref<1x64x128xf32, #tpu.memory_space<vmem>>
      %dma_wait3A_1568 = tpu.memref_squeeze %dma_wait3A_1567 : memref<1x64x128xf32, #tpu.memory_space<vmem>> -> memref<64x128xf32, #tpu.memory_space<vmem>>
      %dma_wait3A_1569 = arith.constant 0 : i32
      %dma_wait3A_1570 = arith.constant 0 : i32
      %dma_wait3A_1571 = tpu.memref_slice %arg3[%dma_wait3A_1569, %dma_wait3A_1570] : memref<64x1000000xf32, #tpu.memory_space<hbm>> -> memref<64x128xf32, #tpu.memory_space<hbm>>
      tpu.wait_dma2 semaphore(%arg9 : memref<!tpu.dma_semaphore, #tpu.memory_space<semaphore_mem>>) src(%dma_wait3A_1571 : memref<64x128xf32, #tpu.memory_space<hbm>>) dst(%dma_wait3A_1568 : memref<64x128xf32, #tpu.memory_space<vmem>>)
      %mul3A_1572 = arith.constant 16 : i32
      %mul3A_1573 = arith.muli %add3A_1556, %mul3A_1572 : i32
      %multiple_of3A_1574 = tpu.assume_multiple %mul3A_1573, 16 : i32
      %get3A_1575 = arith.index_cast %multiple_of3A_1574 : i32 to index
      %get3A_1576 = tpu.vector_load %arg6[%get3A_1575] {strides = array<i32>} : memref<8192xi32, #tpu.memory_space<vmem>>, vector<16xi32>,
      %slice3A_1577 = vector.extract_strided_slice %get3A_1576 {offsets = [1], sizes = [1], strides = [1]} : vector<16xi32> to vector<1xi32>
      %squeeze3A_1578 = vector.extract %slice3A_1577[0] : i32 from vector<1xi32>
      %broadcast_in_dim3A_1579 = vector.broadcast %squeeze3A_1578 : i32 to vector<16xi32>
      %add3A_1580 = arith.constant 0 : i32
      %add3A_1581 = vector.broadcast %add3A_1580 : i32 to vector<16xi32>
      %add3A_1582 = arith.addi %iota3A, %add3A_1581 : vector<16xi32>
      %gather3A_1583 = arith.constant 0 : i32
      %gather3A_1584 = arith.constant 0 : i32
      %gather3A_1585 = arith.constant 0 : i32
      %gather3A_1586 = tpu.memref_slice %arg7[%gather3A_1583, %gather3A_1584, %gather3A_1585] : memref<8x64x128xf32, #tpu.memory_space<vmem>> -> memref<1x64x128xf32, #tpu.memory_space<vmem>>
      %gather3A_1587 = tpu.memref_squeeze %gather3A_1586 : memref<1x64x128xf32, #tpu.memory_space<vmem>> -> memref<64x128xf32, #tpu.memory_space<vmem>>
      %gather3A_1588 = tpu.vector_load_idx %gather3A_1587[%add3A_1582, %broadcast_in_dim3A_1579] : memref<64x128xf32, #tpu.memory_space<vmem>>[vector<16xi32>, vector<16xi32>], vector<16xf32>,
      %mul3A_1589 = arith.constant 64 : i32
      %mul3A_1590 = arith.muli %add3A_1556, %mul3A_1589 : i32
      %add3A_1591 = arith.constant 0 : i32
      %add3A_1592 = arith.addi %mul3A_1590, %add3A_1591 : i32
      %multiple_of3A_1593 = tpu.assume_multiple %add3A_1592, 16 : i32
      %swap3A_1594 = arith.index_cast %multiple_of3A_1593 : i32 to index
      %swap3A_1595 = tpu.vector_load %arg8[%swap3A_1594] {strides = array<i32>} : memref<32768xf32, #tpu.memory_space<vmem>>, vector<16xf32>,
      tpu.vector_store %arg8[%swap3A_1594], %gather3A_1588 {strides = array<i32>} : memref<32768xf32, #tpu.memory_space<vmem>>, vector<16xf32>,
      %add3A_1596 = arith.constant 16 : i32
      %add3A_1597 = vector.broadcast %add3A_1596 : i32 to vector<16xi32>
      %add3A_1598 = arith.addi %iota3A, %add3A_1597 : vector<16xi32>
      %gather3A_1599 = arith.constant 0 : i32
      %gather3A_1600 = arith.constant 0 : i32
      %gather3A_1601 = arith.constant 0 : i32
      %gather3A_1602 = tpu.memref_slice %arg7[%gather3A_1599, %gather3A_1600, %gather3A_1601] : memref<8x64x128xf32, #tpu.memory_space<vmem>> -> memref<1x64x128xf32, #tpu.memory_space<vmem>>
      %gather3A_1603 = tpu.memref_squeeze %gather3A_1602 : memref<1x64x128xf32, #tpu.memory_space<vmem>> -> memref<64x128xf32, #tpu.memory_space<vmem>>
      %gather3A_1604 = tpu.vector_load_idx %gather3A_1603[%add3A_1598, %broadcast_in_dim3A_1579] : memref<64x128xf32, #tpu.memory_space<vmem>>[vector<16xi32>, vector<16xi32>], vector<16xf32>,
      %mul3A_1605 = arith.constant 64 : i32
      %mul3A_1606 = arith.muli %add3A_1556, %mul3A_1605 : i32
      %add3A_1607 = arith.constant 16 : i32
      %add3A_1608 = arith.addi %mul3A_1606, %add3A_1607 : i32
      %multiple_of3A_1609 = tpu.assume_multiple %add3A_1608, 16 : i32
      %swap3A_1610 = arith.index_cast %multiple_of3A_1609 : i32 to index
      %swap3A_1611 = tpu.vector_load %arg8[%swap3A_1610] {strides = array<i32>} : memref<32768xf32, #tpu.memory_space<vmem>>, vector<16xf32>,
      tpu.vector_store %arg8[%swap3A_1610], %gather3A_1604 {strides = array<i32>} : memref<32768xf32, #tpu.memory_space<vmem>>, vector<16xf32>,
      %add3A_1612 = arith.constant 32 : i32
      %add3A_1613 = vector.broadcast %add3A_1612 : i32 to vector<16xi32>
      %add3A_1614 = arith.addi %iota3A, %add3A_1613 : vector<16xi32>
      %gather3A_1615 = arith.constant 0 : i32
      %gather3A_1616 = arith.constant 0 : i32
      %gather3A_1617 = arith.constant 0 : i32
      %gather3A_1618 = tpu.memref_slice %arg7[%gather3A_1615, %gather3A_1616, %gather3A_1617] : memref<8x64x128xf32, #tpu.memory_space<vmem>> -> memref<1x64x128xf32, #tpu.memory_space<vmem>>
      %gather3A_1619 = tpu.memref_squeeze %gather3A_1618 : memref<1x64x128xf32, #tpu.memory_space<vmem>> -> memref<64x128xf32, #tpu.memory_space<vmem>>
      %gather3A_1620 = tpu.vector_load_idx %gather3A_1619[%add3A_1614, %broadcast_in_dim3A_1579] : memref<64x128xf32, #tpu.memory_space<vmem>>[vector<16xi32>, vector<16xi32>], vector<16xf32>,
      %mul3A_1621 = arith.constant 64 : i32
      %mul3A_1622 = arith.muli %add3A_1556, %mul3A_1621 : i32
      %add3A_1623 = arith.constant 32 : i32
      %add3A_1624 = arith.addi %mul3A_1622, %add3A_1623 : i32
      %multiple_of3A_1625 = tpu.assume_multiple %add3A_1624, 16 : i32
      %swap3A_1626 = arith.index_cast %multiple_of3A_1625 : i32 to index
      %swap3A_1627 = tpu.vector_load %arg8[%swap3A_1626] {strides = array<i32>} : memref<32768xf32, #tpu.memory_space<vmem>>, vector<16xf32>,
      tpu.vector_store %arg8[%swap3A_1626], %gather3A_1620 {strides = array<i32>} : memref<32768xf32, #tpu.memory_space<vmem>>, vector<16xf32>,
      %add3A_1628 = arith.constant 48 : i32
      %add3A_1629 = vector.broadcast %add3A_1628 : i32 to vector<16xi32>
      %add3A_1630 = arith.addi %iota3A, %add3A_1629 : vector<16xi32>
      %gather3A_1631 = arith.constant 0 : i32
      %gather3A_1632 = arith.constant 0 : i32
      %gather3A_1633 = arith.constant 0 : i32
      %gather3A_1634 = tpu.memref_slice %arg7[%gather3A_1631, %gather3A_1632, %gather3A_1633] : memref<8x64x128xf32, #tpu.memory_space<vmem>> -> memref<1x64x128xf32, #tpu.memory_space<vmem>>
      %gather3A_1635 = tpu.memref_squeeze %gather3A_1634 : memref<1x64x128xf32, #tpu.memory_space<vmem>> -> memref<64x128xf32, #tpu.memory_space<vmem>>
      %gather3A_1636 = tpu.vector_load_idx %gather3A_1635[%add3A_1630, %broadcast_in_dim3A_1579] : memref<64x128xf32, #tpu.memory_space<vmem>>[vector<16xi32>, vector<16xi32>], vector<16xf32>,
      %mul3A_1637 = arith.constant 64 : i32
      %mul3A_1638 = arith.muli %add3A_1556, %mul3A_1637 : i32
      %add3A_1639 = arith.constant 48 : i32
      %add3A_1640 = arith.addi %mul3A_1638, %add3A_1639 : i32
      %multiple_of3A_1641 = tpu.assume_multiple %add3A_1640, 16 : i32
      %swap3A_1642 = arith.index_cast %multiple_of3A_1641 : i32 to index
      %swap3A_1643 = tpu.vector_load %arg8[%swap3A_1642] {strides = array<i32>} : memref<32768xf32, #tpu.memory_space<vmem>>, vector<16xf32>,
      tpu.vector_store %arg8[%swap3A_1642], %gather3A_1636 {strides = array<i32>} : memref<32768xf32, #tpu.memory_space<vmem>>, vector<16xf32>,
      %add3A_1644 = arith.constant 8 : i32
      %add3A_1645 = arith.addi %add3A_1556, %add3A_1644 : i32
      %mul3A_1646 = arith.constant 16 : i32
      %mul3A_1647 = arith.muli %add3A_1645, %mul3A_1646 : i32
      %multiple_of3A_1648 = tpu.assume_multiple %mul3A_1647, 16 : i32
      %get3A_1649 = arith.index_cast %multiple_of3A_1648 : i32 to index
      %get3A_1650 = tpu.vector_load %arg6[%get3A_1649] {strides = array<i32>} : memref<8192xi32, #tpu.memory_space<vmem>>, vector<16xi32>,
      %slice3A_1651 = vector.extract_strided_slice %get3A_1650 {offsets = [0], sizes = [1], strides = [1]} : vector<16xi32> to vector<1xi32>
      %squeeze3A_1652 = vector.extract %slice3A_1651[0] : i32 from vector<1xi32>
      %multiple_of3A_1653 = tpu.assume_multiple %squeeze3A_1652, 128 : i32
      %dma_start3A_1654 = arith.constant 0 : i32
      %dma_start3A_1655 = arith.constant 0 : i32
      %dma_start3A_1656 = arith.constant 0 : i32
      %dma_start3A_1657 = tpu.memref_slice %arg7[%dma_start3A_1654, %dma_start3A_1655, %dma_start3A_1656] : memref<8x64x128xf32, #tpu.memory_space<vmem>> -> memref<1x64x128xf32, #tpu.memory_space<vmem>>
      %dma_start3A_1658 = tpu.memref_squeeze %dma_start3A_1657 : memref<1x64x128xf32, #tpu.memory_space<vmem>> -> memref<64x128xf32, #tpu.memory_space<vmem>>
      %dma_start3A_1659 = arith.constant 0 : i32
      %dma_start3A_1660 = tpu.memref_slice %arg3[%dma_start3A_1659, %multiple_of3A_1653] : memref<64x1000000xf32, #tpu.memory_space<hbm>> -> memref<64x128xf32, #tpu.memory_space<hbm>>
      %dma_start3A_1661 = arith.constant 0 : i32
      %dma_start3A_1662 = arith.constant 0 : i32
      %dma_start3A_1663 = tpu.memref_slice %arg7[%dma_start3A_1654, %dma_start3A_1661, %dma_start3A_1662] : memref<8x64x128xf32, #tpu.memory_space<vmem>> -> memref<1x64x128xf32, #tpu.memory_space<vmem>>
      %dma_start3A_1664 = tpu.memref_squeeze %dma_start3A_1663 : memref<1x64x128xf32, #tpu.memory_space<vmem>> -> memref<64x128xf32, #tpu.memory_space<vmem>>
      %dma_start3A_1665 = arith.constant 0 : i32
      %dma_start3A_1666 = tpu.memref_slice %arg3[%dma_start3A_1665, %multiple_of3A_1653] : memref<64x1000000xf32, #tpu.memory_space<hbm>> -> memref<64x128xf32, #tpu.memory_space<hbm>>
      tpu.enqueue_dma source(%dma_start3A_1666 : memref<64x128xf32, #tpu.memory_space<hbm>>) target(%dma_start3A_1664 : memref<64x128xf32, #tpu.memory_space<vmem>>) target_semaphore(%arg9 : memref<!tpu.dma_semaphore, #tpu.memory_space<semaphore_mem>>)
      %mul3A_1667 = arith.constant 8 : i32
      %mul3A_1668 = arith.muli %scan3A_1551, %mul3A_1667 : i32
      %add3A_1669 = arith.constant 1 : i32
      %add3A_1670 = arith.addi %mul3A_1668, %add3A_1669 : i32
      %dma_wait3A_1671 = arith.constant 1 : i32
      %dma_wait3A_1672 = arith.constant 0 : i32
      %dma_wait3A_1673 = arith.constant 0 : i32
      %dma_wait3A_1674 = tpu.memref_slice %arg7[%dma_wait3A_1671, %dma_wait3A_1672, %dma_wait3A_1673] : memref<8x64x128xf32, #tpu.memory_space<vmem>> -> memref<1x64x128xf32, #tpu.memory_space<vmem>>
      %dma_wait3A_1675 = tpu.memref_squeeze %dma_wait3A_1674 : memref<1x64x128xf32, #tpu.memory_space<vmem>> -> memref<64x128xf32, #tpu.memory_space<vmem>>
      %dma_wait3A_1676 = arith.constant 0 : i32
      %dma_wait3A_1677 = arith.constant 0 : i32
      %dma_wait3A_1678 = tpu.memref_slice %arg3[%dma_wait3A_1676, %dma_wait3A_1677] : memref<64x1000000xf32, #tpu.memory_space<hbm>> -> memref<64x128xf32, #tpu.memory_space<hbm>>
      %dma_wait3A_1679 = arith.constant 0 : i32
      %dma_wait3A_1680 = arith.constant 0 : i32
      %dma_wait3A_1681 = tpu.memref_slice %arg7[%dma_wait3A_1671, %dma_wait3A_1679, %dma_wait3A_1680] : memref<8x64x128xf32, #tpu.memory_space<vmem>> -> memref<1x64x128xf32, #tpu.memory_space<vmem>>
      %dma_wait3A_1682 = tpu.memref_squeeze %dma_wait3A_1681 : memref<1x64x128xf32, #tpu.memory_space<vmem>> -> memref<64x128xf32, #tpu.memory_space<vmem>>
      %dma_wait3A_1683 = arith.constant 0 : i32
      %dma_wait3A_1684 = arith.constant 0 : i32
      %dma_wait3A_1685 = tpu.memref_slice %arg3[%dma_wait3A_1683, %dma_wait3A_1684] : memref<64x1000000xf32, #tpu.memory_space<hbm>> -> memref<64x128xf32, #tpu.memory_space<hbm>>
      tpu.wait_dma2 semaphore(%arg10 : memref<!tpu.dma_semaphore, #tpu.memory_space<semaphore_mem>>) src(%dma_wait3A_1685 : memref<64x128xf32, #tpu.memory_space<hbm>>) dst(%dma_wait3A_1682 : memref<64x128xf32, #tpu.memory_space<vmem>>)
      %mul3A_1686 = arith.constant 16 : i32
      %mul3A_1687 = arith.muli %add3A_1670, %mul3A_1686 : i32
      %multiple_of3A_1688 = tpu.assume_multiple %mul3A_1687, 16 : i32
      %get3A_1689 = arith.index_cast %multiple_of3A_1688 : i32 to index
      %get3A_1690 = tpu.vector_load %arg6[%get3A_1689] {strides = array<i32>} : memref<8192xi32, #tpu.memory_space<vmem>>, vector<16xi32>,
      %slice3A_1691 = vector.extract_strided_slice %get3A_1690 {offsets = [1], sizes = [1], strides = [1]} : vector<16xi32> to vector<1xi32>
      %squeeze3A_1692 = vector.extract %slice3A_1691[0] : i32 from vector<1xi32>
      %broadcast_in_dim3A_1693 = vector.broadcast %squeeze3A_1692 : i32 to vector<16xi32>
      %add3A_1694 = arith.constant 0 : i32
      %add3A_1695 = vector.broadcast %add3A_1694 : i32 to vector<16xi32>
      %add3A_1696 = arith.addi %iota3A, %add3A_1695 : vector<16xi32>
      %gather3A_1697 = arith.constant 1 : i32
      %gather3A_1698 = arith.constant 0 : i32
      %gather3A_1699 = arith.constant 0 : i32
      %gather3A_1700 = tpu.memref_slice %arg7[%gather3A_1697, %gather3A_1698, %gather3A_1699] : memref<8x64x128xf32, #tpu.memory_space<vmem>> -> memref<1x64x128xf32, #tpu.memory_space<vmem>>
      %gather3A_1701 = tpu.memref_squeeze %gather3A_1700 : memref<1x64x128xf32, #tpu.memory_space<vmem>> -> memref<64x128xf32, #tpu.memory_space<vmem>>
      %gather3A_1702 = tpu.vector_load_idx %gather3A_1701[%add3A_1696, %broadcast_in_dim3A_1693] : memref<64x128xf32, #tpu.memory_space<vmem>>[vector<16xi32>, vector<16xi32>], vector<16xf32>,
      %mul3A_1703 = arith.constant 64 : i32
      %mul3A_1704 = arith.muli %add3A_1670, %mul3A_1703 : i32
      %add3A_1705 = arith.constant 0 : i32
      %add3A_1706 = arith.addi %mul3A_1704, %add3A_1705 : i32
      %multiple_of3A_1707 = tpu.assume_multiple %add3A_1706, 16 : i32
      %swap3A_1708 = arith.index_cast %multiple_of3A_1707 : i32 to index
      %swap3A_1709 = tpu.vector_load %arg8[%swap3A_1708] {strides = array<i32>} : memref<32768xf32, #tpu.memory_space<vmem>>, vector<16xf32>,
      tpu.vector_store %arg8[%swap3A_1708], %gather3A_1702 {strides = array<i32>} : memref<32768xf32, #tpu.memory_space<vmem>>, vector<16xf32>,
      %add3A_1710 = arith.constant 16 : i32
      %add3A_1711 = vector.broadcast %add3A_1710 : i32 to vector<16xi32>
      %add3A_1712 = arith.addi %iota3A, %add3A_1711 : vector<16xi32>
      %gather3A_1713 = arith.constant 1 : i32
      %gather3A_1714 = arith.constant 0 : i32
      %gather3A_1715 = arith.constant 0 : i32
      %gather3A_1716 = tpu.memref_slice %arg7[%gather3A_1713, %gather3A_1714, %gather3A_1715] : memref<8x64x128xf32, #tpu.memory_space<vmem>> -> memref<1x64x128xf32, #tpu.memory_space<vmem>>
      %gather3A_1717 = tpu.memref_squeeze %gather3A_1716 : memref<1x64x128xf32, #tpu.memory_space<vmem>> -> memref<64x128xf32, #tpu.memory_space<vmem>>
      %gather3A_1718 = tpu.vector_load_idx %gather3A_1717[%add3A_1712, %broadcast_in_dim3A_1693] : memref<64x128xf32, #tpu.memory_space<vmem>>[vector<16xi32>, vector<16xi32>], vector<16xf32>,
      %mul3A_1719 = arith.constant 64 : i32
      %mul3A_1720 = arith.muli %add3A_1670, %mul3A_1719 : i32
      %add3A_1721 = arith.constant 16 : i32
      %add3A_1722 = arith.addi %mul3A_1720, %add3A_1721 : i32
      %multiple_of3A_1723 = tpu.assume_multiple %add3A_1722, 16 : i32
      %swap3A_1724 = arith.index_cast %multiple_of3A_1723 : i32 to index
      %swap3A_1725 = tpu.vector_load %arg8[%swap3A_1724] {strides = array<i32>} : memref<32768xf32, #tpu.memory_space<vmem>>, vector<16xf32>,
      tpu.vector_store %arg8[%swap3A_1724], %gather3A_1718 {strides = array<i32>} : memref<32768xf32, #tpu.memory_space<vmem>>, vector<16xf32>,
      %add3A_1726 = arith.constant 32 : i32
      %add3A_1727 = vector.broadcast %add3A_1726 : i32 to vector<16xi32>
      %add3A_1728 = arith.addi %iota3A, %add3A_1727 : vector<16xi32>
      %gather3A_1729 = arith.constant 1 : i32
      %gather3A_1730 = arith.constant 0 : i32
      %gather3A_1731 = arith.constant 0 : i32
      %gather3A_1732 = tpu.memref_slice %arg7[%gather3A_1729, %gather3A_1730, %gather3A_1731] : memref<8x64x128xf32, #tpu.memory_space<vmem>> -> memref<1x64x128xf32, #tpu.memory_space<vmem>>
      %gather3A_1733 = tpu.memref_squeeze %gather3A_1732 : memref<1x64x128xf32, #tpu.memory_space<vmem>> -> memref<64x128xf32, #tpu.memory_space<vmem>>
      %gather3A_1734 = tpu.vector_load_idx %gather3A_1733[%add3A_1728, %broadcast_in_dim3A_1693] : memref<64x128xf32, #tpu.memory_space<vmem>>[vector<16xi32>, vector<16xi32>], vector<16xf32>,
      %mul3A_1735 = arith.constant 64 : i32
      %mul3A_1736 = arith.muli %add3A_1670, %mul3A_1735 : i32
      %add3A_1737 = arith.constant 32 : i32
      %add3A_1738 = arith.addi %mul3A_1736, %add3A_1737 : i32
      %multiple_of3A_1739 = tpu.assume_multiple %add3A_1738, 16 : i32
      %swap3A_1740 = arith.index_cast %multiple_of3A_1739 : i32 to index
      %swap3A_1741 = tpu.vector_load %arg8[%swap3A_1740] {strides = array<i32>} : memref<32768xf32, #tpu.memory_space<vmem>>, vector<16xf32>,
      tpu.vector_store %arg8[%swap3A_1740], %gather3A_1734 {strides = array<i32>} : memref<32768xf32, #tpu.memory_space<vmem>>, vector<16xf32>,
      %add3A_1742 = arith.constant 48 : i32
      %add3A_1743 = vector.broadcast %add3A_1742 : i32 to vector<16xi32>
      %add3A_1744 = arith.addi %iota3A, %add3A_1743 : vector<16xi32>
      %gather3A_1745 = arith.constant 1 : i32
      %gather3A_1746 = arith.constant 0 : i32
      %gather3A_1747 = arith.constant 0 : i32
      %gather3A_1748 = tpu.memref_slice %arg7[%gather3A_1745, %gather3A_1746, %gather3A_1747] : memref<8x64x128xf32, #tpu.memory_space<vmem>> -> memref<1x64x128xf32, #tpu.memory_space<vmem>>
      %gather3A_1749 = tpu.memref_squeeze %gather3A_1748 : memref<1x64x128xf32, #tpu.memory_space<vmem>> -> memref<64x128xf32, #tpu.memory_space<vmem>>
      %gather3A_1750 = tpu.vector_load_idx %gather3A_1749[%add3A_1744, %broadcast_in_dim3A_1693] : memref<64x128xf32, #tpu.memory_space<vmem>>[vector<16xi32>, vector<16xi32>], vector<16xf32>,
      %mul3A_1751 = arith.constant 64 : i32
      %mul3A_1752 = arith.muli %add3A_1670, %mul3A_1751 : i32
      %add3A_1753 = arith.constant 48 : i32
      %add3A_1754 = arith.addi %mul3A_1752, %add3A_1753 : i32
      %multiple_of3A_1755 = tpu.assume_multiple %add3A_1754, 16 : i32
      %swap3A_1756 = arith.index_cast %multiple_of3A_1755 : i32 to index
      %swap3A_1757 = tpu.vector_load %arg8[%swap3A_1756] {strides = array<i32>} : memref<32768xf32, #tpu.memory_space<vmem>>, vector<16xf32>,
      tpu.vector_store %arg8[%swap3A_1756], %gather3A_1750 {strides = array<i32>} : memref<32768xf32, #tpu.memory_space<vmem>>, vector<16xf32>,
      %add3A_1758 = arith.constant 8 : i32
      %add3A_1759 = arith.addi %add3A_1670, %add3A_1758 : i32
      %mul3A_1760 = arith.constant 16 : i32
      %mul3A_1761 = arith.muli %add3A_1759, %mul3A_1760 : i32
      %multiple_of3A_1762 = tpu.assume_multiple %mul3A_1761, 16 : i32
      %get3A_1763 = arith.index_cast %multiple_of3A_1762 : i32 to index
      %get3A_1764 = tpu.vector_load %arg6[%get3A_1763] {strides = array<i32>} : memref<8192xi32, #tpu.memory_space<vmem>>, vector<16xi32>,
      %slice3A_1765 = vector.extract_strided_slice %get3A_1764 {offsets = [0], sizes = [1], strides = [1]} : vector<16xi32> to vector<1xi32>
      %squeeze3A_1766 = vector.extract %slice3A_1765[0] : i32 from vector<1xi32>
      %multiple_of3A_1767 = tpu.assume_multiple %squeeze3A_1766, 128 : i32
      %dma_start3A_1768 = arith.constant 1 : i32
      %dma_start3A_1769 = arith.constant 0 : i32
      %dma_start3A_1770 = arith.constant 0 : i32
      %dma_start3A_1771 = tpu.memref_slice %arg7[%dma_start3A_1768, %dma_start3A_1769, %dma_start3A_1770] : memref<8x64x128xf32, #tpu.memory_space<vmem>> -> memref<1x64x128xf32, #tpu.memory_space<vmem>>
      %dma_start3A_1772 = tpu.memref_squeeze %dma_start3A_1771 : memref<1x64x128xf32, #tpu.memory_space<vmem>> -> memref<64x128xf32, #tpu.memory_space<vmem>>
      %dma_start3A_1773 = arith.constant 0 : i32
      %dma_start3A_1774 = tpu.memref_slice %arg3[%dma_start3A_1773, %multiple_of3A_1767] : memref<64x1000000xf32, #tpu.memory_space<hbm>> -> memref<64x128xf32, #tpu.memory_space<hbm>>
      %dma_start3A_1775 = arith.constant 0 : i32
      %dma_start3A_1776 = arith.constant 0 : i32
      %dma_start3A_1777 = tpu.memref_slice %arg7[%dma_start3A_1768, %dma_start3A_1775, %dma_start3A_1776] : memref<8x64x128xf32, #tpu.memory_space<vmem>> -> memref<1x64x128xf32, #tpu.memory_space<vmem>>
      %dma_start3A_1778 = tpu.memref_squeeze %dma_start3A_1777 : memref<1x64x128xf32, #tpu.memory_space<vmem>> -> memref<64x128xf32, #tpu.memory_space<vmem>>
      %dma_start3A_1779 = arith.constant 0 : i32
      %dma_start3A_1780 = tpu.memref_slice %arg3[%dma_start3A_1779, %multiple_of3A_1767] : memref<64x1000000xf32, #tpu.memory_space<hbm>> -> memref<64x128xf32, #tpu.memory_space<hbm>>
      tpu.enqueue_dma source(%dma_start3A_1780 : memref<64x128xf32, #tpu.memory_space<hbm>>) target(%dma_start3A_1778 : memref<64x128xf32, #tpu.memory_space<vmem>>) target_semaphore(%arg10 : memref<!tpu.dma_semaphore, #tpu.memory_space<semaphore_mem>>)
      %mul3A_1781 = arith.constant 8 : i32
      %mul3A_1782 = arith.muli %scan3A_1551, %mul3A_1781 : i32
      %add3A_1783 = arith.constant 2 : i32
      %add3A_1784 = arith.addi %mul3A_1782, %add3A_1783 : i32
      %dma_wait3A_1785 = arith.constant 2 : i32
      %dma_wait3A_1786 = arith.constant 0 : i32
      %dma_wait3A_1787 = arith.constant 0 : i32
      %dma_wait3A_1788 = tpu.memref_slice %arg7[%dma_wait3A_1785, %dma_wait3A_1786, %dma_wait3A_1787] : memref<8x64x128xf32, #tpu.memory_space<vmem>> -> memref<1x64x128xf32, #tpu.memory_space<vmem>>
      %dma_wait3A_1789 = tpu.memref_squeeze %dma_wait3A_1788 : memref<1x64x128xf32, #tpu.memory_space<vmem>> -> memref<64x128xf32, #tpu.memory_space<vmem>>
      %dma_wait3A_1790 = arith.constant 0 : i32
      %dma_wait3A_1791 = arith.constant 0 : i32
      %dma_wait3A_1792 = tpu.memref_slice %arg3[%dma_wait3A_1790, %dma_wait3A_1791] : memref<64x1000000xf32, #tpu.memory_space<hbm>> -> memref<64x128xf32, #tpu.memory_space<hbm>>
      %dma_wait3A_1793 = arith.constant 0 : i32
      %dma_wait3A_1794 = arith.constant 0 : i32
      %dma_wait3A_1795 = tpu.memref_slice %arg7[%dma_wait3A_1785, %dma_wait3A_1793, %dma_wait3A_1794] : memref<8x64x128xf32, #tpu.memory_space<vmem>> -> memref<1x64x128xf32, #tpu.memory_space<vmem>>
      %dma_wait3A_1796 = tpu.memref_squeeze %dma_wait3A_1795 : memref<1x64x128xf32, #tpu.memory_space<vmem>> -> memref<64x128xf32, #tpu.memory_space<vmem>>
      %dma_wait3A_1797 = arith.constant 0 : i32
      %dma_wait3A_1798 = arith.constant 0 : i32
      %dma_wait3A_1799 = tpu.memref_slice %arg3[%dma_wait3A_1797, %dma_wait3A_1798] : memref<64x1000000xf32, #tpu.memory_space<hbm>> -> memref<64x128xf32, #tpu.memory_space<hbm>>
      tpu.wait_dma2 semaphore(%arg11 : memref<!tpu.dma_semaphore, #tpu.memory_space<semaphore_mem>>) src(%dma_wait3A_1799 : memref<64x128xf32, #tpu.memory_space<hbm>>) dst(%dma_wait3A_1796 : memref<64x128xf32, #tpu.memory_space<vmem>>)
      %mul3A_1800 = arith.constant 16 : i32
      %mul3A_1801 = arith.muli %add3A_1784, %mul3A_1800 : i32
      %multiple_of3A_1802 = tpu.assume_multiple %mul3A_1801, 16 : i32
      %get3A_1803 = arith.index_cast %multiple_of3A_1802 : i32 to index
      %get3A_1804 = tpu.vector_load %arg6[%get3A_1803] {strides = array<i32>} : memref<8192xi32, #tpu.memory_space<vmem>>, vector<16xi32>,
      %slice3A_1805 = vector.extract_strided_slice %get3A_1804 {offsets = [1], sizes = [1], strides = [1]} : vector<16xi32> to vector<1xi32>
      %squeeze3A_1806 = vector.extract %slice3A_1805[0] : i32 from vector<1xi32>
      %broadcast_in_dim3A_1807 = vector.broadcast %squeeze3A_1806 : i32 to vector<16xi32>
      %add3A_1808 = arith.constant 0 : i32
      %add3A_1809 = vector.broadcast %add3A_1808 : i32 to vector<16xi32>
      %add3A_1810 = arith.addi %iota3A, %add3A_1809 : vector<16xi32>
      %gather3A_1811 = arith.constant 2 : i32
      %gather3A_1812 = arith.constant 0 : i32
      %gather3A_1813 = arith.constant 0 : i32
      %gather3A_1814 = tpu.memref_slice %arg7[%gather3A_1811, %gather3A_1812, %gather3A_1813] : memref<8x64x128xf32, #tpu.memory_space<vmem>> -> memref<1x64x128xf32, #tpu.memory_space<vmem>>
      %gather3A_1815 = tpu.memref_squeeze %gather3A_1814 : memref<1x64x128xf32, #tpu.memory_space<vmem>> -> memref<64x128xf32, #tpu.memory_space<vmem>>
      %gather3A_1816 = tpu.vector_load_idx %gather3A_1815[%add3A_1810, %broadcast_in_dim3A_1807] : memref<64x128xf32, #tpu.memory_space<vmem>>[vector<16xi32>, vector<16xi32>], vector<16xf32>,
      %mul3A_1817 = arith.constant 64 : i32
      %mul3A_1818 = arith.muli %add3A_1784, %mul3A_1817 : i32
      %add3A_1819 = arith.constant 0 : i32
      %add3A_1820 = arith.addi %mul3A_1818, %add3A_1819 : i32
      %multiple_of3A_1821 = tpu.assume_multiple %add3A_1820, 16 : i32
      %swap3A_1822 = arith.index_cast %multiple_of3A_1821 : i32 to index
      %swap3A_1823 = tpu.vector_load %arg8[%swap3A_1822] {strides = array<i32>} : memref<32768xf32, #tpu.memory_space<vmem>>, vector<16xf32>,
      tpu.vector_store %arg8[%swap3A_1822], %gather3A_1816 {strides = array<i32>} : memref<32768xf32, #tpu.memory_space<vmem>>, vector<16xf32>,
      %add3A_1824 = arith.constant 16 : i32
      %add3A_1825 = vector.broadcast %add3A_1824 : i32 to vector<16xi32>
      %add3A_1826 = arith.addi %iota3A, %add3A_1825 : vector<16xi32>
      %gather3A_1827 = arith.constant 2 : i32
      %gather3A_1828 = arith.constant 0 : i32
      %gather3A_1829 = arith.constant 0 : i32
      %gather3A_1830 = tpu.memref_slice %arg7[%gather3A_1827, %gather3A_1828, %gather3A_1829] : memref<8x64x128xf32, #tpu.memory_space<vmem>> -> memref<1x64x128xf32, #tpu.memory_space<vmem>>
      %gather3A_1831 = tpu.memref_squeeze %gather3A_1830 : memref<1x64x128xf32, #tpu.memory_space<vmem>> -> memref<64x128xf32, #tpu.memory_space<vmem>>
      %gather3A_1832 = tpu.vector_load_idx %gather3A_1831[%add3A_1826, %broadcast_in_dim3A_1807] : memref<64x128xf32, #tpu.memory_space<vmem>>[vector<16xi32>, vector<16xi32>], vector<16xf32>,
      %mul3A_1833 = arith.constant 64 : i32
      %mul3A_1834 = arith.muli %add3A_1784, %mul3A_1833 : i32
      %add3A_1835 = arith.constant 16 : i32
      %add3A_1836 = arith.addi %mul3A_1834, %add3A_1835 : i32
      %multiple_of3A_1837 = tpu.assume_multiple %add3A_1836, 16 : i32
      %swap3A_1838 = arith.index_cast %multiple_of3A_1837 : i32 to index
      %swap3A_1839 = tpu.vector_load %arg8[%swap3A_1838] {strides = array<i32>} : memref<32768xf32, #tpu.memory_space<vmem>>, vector<16xf32>,
      tpu.vector_store %arg8[%swap3A_1838], %gather3A_1832 {strides = array<i32>} : memref<32768xf32, #tpu.memory_space<vmem>>, vector<16xf32>,
      %add3A_1840 = arith.constant 32 : i32
      %add3A_1841 = vector.broadcast %add3A_1840 : i32 to vector<16xi32>
      %add3A_1842 = arith.addi %iota3A, %add3A_1841 : vector<16xi32>
      %gather3A_1843 = arith.constant 2 : i32
      %gather3A_1844 = arith.constant 0 : i32
      %gather3A_1845 = arith.constant 0 : i32
      %gather3A_1846 = tpu.memref_slice %arg7[%gather3A_1843, %gather3A_1844, %gather3A_1845] : memref<8x64x128xf32, #tpu.memory_space<vmem>> -> memref<1x64x128xf32, #tpu.memory_space<vmem>>
      %gather3A_1847 = tpu.memref_squeeze %gather3A_1846 : memref<1x64x128xf32, #tpu.memory_space<vmem>> -> memref<64x128xf32, #tpu.memory_space<vmem>>
      %gather3A_1848 = tpu.vector_load_idx %gather3A_1847[%add3A_1842, %broadcast_in_dim3A_1807] : memref<64x128xf32, #tpu.memory_space<vmem>>[vector<16xi32>, vector<16xi32>], vector<16xf32>,
      %mul3A_1849 = arith.constant 64 : i32
      %mul3A_1850 = arith.muli %add3A_1784, %mul3A_1849 : i32
      %add3A_1851 = arith.constant 32 : i32
      %add3A_1852 = arith.addi %mul3A_1850, %add3A_1851 : i32
      %multiple_of3A_1853 = tpu.assume_multiple %add3A_1852, 16 : i32
      %swap3A_1854 = arith.index_cast %multiple_of3A_1853 : i32 to index
      %swap3A_1855 = tpu.vector_load %arg8[%swap3A_1854] {strides = array<i32>} : memref<32768xf32, #tpu.memory_space<vmem>>, vector<16xf32>,
      tpu.vector_store %arg8[%swap3A_1854], %gather3A_1848 {strides = array<i32>} : memref<32768xf32, #tpu.memory_space<vmem>>, vector<16xf32>,
      %add3A_1856 = arith.constant 48 : i32
      %add3A_1857 = vector.broadcast %add3A_1856 : i32 to vector<16xi32>
      %add3A_1858 = arith.addi %iota3A, %add3A_1857 : vector<16xi32>
      %gather3A_1859 = arith.constant 2 : i32
      %gather3A_1860 = arith.constant 0 : i32
      %gather3A_1861 = arith.constant 0 : i32
      %gather3A_1862 = tpu.memref_slice %arg7[%gather3A_1859, %gather3A_1860, %gather3A_1861] : memref<8x64x128xf32, #tpu.memory_space<vmem>> -> memref<1x64x128xf32, #tpu.memory_space<vmem>>
      %gather3A_1863 = tpu.memref_squeeze %gather3A_1862 : memref<1x64x128xf32, #tpu.memory_space<vmem>> -> memref<64x128xf32, #tpu.memory_space<vmem>>
      %gather3A_1864 = tpu.vector_load_idx %gather3A_1863[%add3A_1858, %broadcast_in_dim3A_1807] : memref<64x128xf32, #tpu.memory_space<vmem>>[vector<16xi32>, vector<16xi32>], vector<16xf32>,
      %mul3A_1865 = arith.constant 64 : i32
      %mul3A_1866 = arith.muli %add3A_1784, %mul3A_1865 : i32
      %add3A_1867 = arith.constant 48 : i32
      %add3A_1868 = arith.addi %mul3A_1866, %add3A_1867 : i32
      %multiple_of3A_1869 = tpu.assume_multiple %add3A_1868, 16 : i32
      %swap3A_1870 = arith.index_cast %multiple_of3A_1869 : i32 to index
      %swap3A_1871 = tpu.vector_load %arg8[%swap3A_1870] {strides = array<i32>} : memref<32768xf32, #tpu.memory_space<vmem>>, vector<16xf32>,
      tpu.vector_store %arg8[%swap3A_1870], %gather3A_1864 {strides = array<i32>} : memref<32768xf32, #tpu.memory_space<vmem>>, vector<16xf32>,
      %add3A_1872 = arith.constant 8 : i32
      %add3A_1873 = arith.addi %add3A_1784, %add3A_1872 : i32
      %mul3A_1874 = arith.constant 16 : i32
      %mul3A_1875 = arith.muli %add3A_1873, %mul3A_1874 : i32
      %multiple_of3A_1876 = tpu.assume_multiple %mul3A_1875, 16 : i32
      %get3A_1877 = arith.index_cast %multiple_of3A_1876 : i32 to index
      %get3A_1878 = tpu.vector_load %arg6[%get3A_1877] {strides = array<i32>} : memref<8192xi32, #tpu.memory_space<vmem>>, vector<16xi32>,
      %slice3A_1879 = vector.extract_strided_slice %get3A_1878 {offsets = [0], sizes = [1], strides = [1]} : vector<16xi32> to vector<1xi32>
      %squeeze3A_1880 = vector.extract %slice3A_1879[0] : i32 from vector<1xi32>
      %multiple_of3A_1881 = tpu.assume_multiple %squeeze3A_1880, 128 : i32
      %dma_start3A_1882 = arith.constant 2 : i32
      %dma_start3A_1883 = arith.constant 0 : i32
      %dma_start3A_1884 = arith.constant 0 : i32
      %dma_start3A_1885 = tpu.memref_slice %arg7[%dma_start3A_1882, %dma_start3A_1883, %dma_start3A_1884] : memref<8x64x128xf32, #tpu.memory_space<vmem>> -> memref<1x64x128xf32, #tpu.memory_space<vmem>>
      %dma_start3A_1886 = tpu.memref_squeeze %dma_start3A_1885 : memref<1x64x128xf32, #tpu.memory_space<vmem>> -> memref<64x128xf32, #tpu.memory_space<vmem>>
      %dma_start3A_1887 = arith.constant 0 : i32
      %dma_start3A_1888 = tpu.memref_slice %arg3[%dma_start3A_1887, %multiple_of3A_1881] : memref<64x1000000xf32, #tpu.memory_space<hbm>> -> memref<64x128xf32, #tpu.memory_space<hbm>>
      %dma_start3A_1889 = arith.constant 0 : i32
      %dma_start3A_1890 = arith.constant 0 : i32
      %dma_start3A_1891 = tpu.memref_slice %arg7[%dma_start3A_1882, %dma_start3A_1889, %dma_start3A_1890] : memref<8x64x128xf32, #tpu.memory_space<vmem>> -> memref<1x64x128xf32, #tpu.memory_space<vmem>>
      %dma_start3A_1892 = tpu.memref_squeeze %dma_start3A_1891 : memref<1x64x128xf32, #tpu.memory_space<vmem>> -> memref<64x128xf32, #tpu.memory_space<vmem>>
      %dma_start3A_1893 = arith.constant 0 : i32
      %dma_start3A_1894 = tpu.memref_slice %arg3[%dma_start3A_1893, %multiple_of3A_1881] : memref<64x1000000xf32, #tpu.memory_space<hbm>> -> memref<64x128xf32, #tpu.memory_space<hbm>>
      tpu.enqueue_dma source(%dma_start3A_1894 : memref<64x128xf32, #tpu.memory_space<hbm>>) target(%dma_start3A_1892 : memref<64x128xf32, #tpu.memory_space<vmem>>) target_semaphore(%arg11 : memref<!tpu.dma_semaphore, #tpu.memory_space<semaphore_mem>>)
      %mul3A_1895 = arith.constant 8 : i32
      %mul3A_1896 = arith.muli %scan3A_1551, %mul3A_1895 : i32
      %add3A_1897 = arith.constant 3 : i32
      %add3A_1898 = arith.addi %mul3A_1896, %add3A_1897 : i32
      %dma_wait3A_1899 = arith.constant 3 : i32
      %dma_wait3A_1900 = arith.constant 0 : i32
      %dma_wait3A_1901 = arith.constant 0 : i32
      %dma_wait3A_1902 = tpu.memref_slice %arg7[%dma_wait3A_1899, %dma_wait3A_1900, %dma_wait3A_1901] : memref<8x64x128xf32, #tpu.memory_space<vmem>> -> memref<1x64x128xf32, #tpu.memory_space<vmem>>
      %dma_wait3A_1903 = tpu.memref_squeeze %dma_wait3A_1902 : memref<1x64x128xf32, #tpu.memory_space<vmem>> -> memref<64x128xf32, #tpu.memory_space<vmem>>
      %dma_wait3A_1904 = arith.constant 0 : i32
      %dma_wait3A_1905 = arith.constant 0 : i32
      %dma_wait3A_1906 = tpu.memref_slice %arg3[%dma_wait3A_1904, %dma_wait3A_1905] : memref<64x1000000xf32, #tpu.memory_space<hbm>> -> memref<64x128xf32, #tpu.memory_space<hbm>>
      %dma_wait3A_1907 = arith.constant 0 : i32
      %dma_wait3A_1908 = arith.constant 0 : i32
      %dma_wait3A_1909 = tpu.memref_slice %arg7[%dma_wait3A_1899, %dma_wait3A_1907, %dma_wait3A_1908] : memref<8x64x128xf32, #tpu.memory_space<vmem>> -> memref<1x64x128xf32, #tpu.memory_space<vmem>>
      %dma_wait3A_1910 = tpu.memref_squeeze %dma_wait3A_1909 : memref<1x64x128xf32, #tpu.memory_space<vmem>> -> memref<64x128xf32, #tpu.memory_space<vmem>>
      %dma_wait3A_1911 = arith.constant 0 : i32
      %dma_wait3A_1912 = arith.constant 0 : i32
      %dma_wait3A_1913 = tpu.memref_slice %arg3[%dma_wait3A_1911, %dma_wait3A_1912] : memref<64x1000000xf32, #tpu.memory_space<hbm>> -> memref<64x128xf32, #tpu.memory_space<hbm>>
      tpu.wait_dma2 semaphore(%arg12 : memref<!tpu.dma_semaphore, #tpu.memory_space<semaphore_mem>>) src(%dma_wait3A_1913 : memref<64x128xf32, #tpu.memory_space<hbm>>) dst(%dma_wait3A_1910 : memref<64x128xf32, #tpu.memory_space<vmem>>)
      %mul3A_1914 = arith.constant 16 : i32
      %mul3A_1915 = arith.muli %add3A_1898, %mul3A_1914 : i32
      %multiple_of3A_1916 = tpu.assume_multiple %mul3A_1915, 16 : i32
      %get3A_1917 = arith.index_cast %multiple_of3A_1916 : i32 to index
      %get3A_1918 = tpu.vector_load %arg6[%get3A_1917] {strides = array<i32>} : memref<8192xi32, #tpu.memory_space<vmem>>, vector<16xi32>,
      %slice3A_1919 = vector.extract_strided_slice %get3A_1918 {offsets = [1], sizes = [1], strides = [1]} : vector<16xi32> to vector<1xi32>
      %squeeze3A_1920 = vector.extract %slice3A_1919[0] : i32 from vector<1xi32>
      %broadcast_in_dim3A_1921 = vector.broadcast %squeeze3A_1920 : i32 to vector<16xi32>
      %add3A_1922 = arith.constant 0 : i32
      %add3A_1923 = vector.broadcast %add3A_1922 : i32 to vector<16xi32>
      %add3A_1924 = arith.addi %iota3A, %add3A_1923 : vector<16xi32>
      %gather3A_1925 = arith.constant 3 : i32
      %gather3A_1926 = arith.constant 0 : i32
      %gather3A_1927 = arith.constant 0 : i32
      %gather3A_1928 = tpu.memref_slice %arg7[%gather3A_1925, %gather3A_1926, %gather3A_1927] : memref<8x64x128xf32, #tpu.memory_space<vmem>> -> memref<1x64x128xf32, #tpu.memory_space<vmem>>
      %gather3A_1929 = tpu.memref_squeeze %gather3A_1928 : memref<1x64x128xf32, #tpu.memory_space<vmem>> -> memref<64x128xf32, #tpu.memory_space<vmem>>
      %gather3A_1930 = tpu.vector_load_idx %gather3A_1929[%add3A_1924, %broadcast_in_dim3A_1921] : memref<64x128xf32, #tpu.memory_space<vmem>>[vector<16xi32>, vector<16xi32>], vector<16xf32>,
      %mul3A_1931 = arith.constant 64 : i32
      %mul3A_1932 = arith.muli %add3A_1898, %mul3A_1931 : i32
      %add3A_1933 = arith.constant 0 : i32
      %add3A_1934 = arith.addi %mul3A_1932, %add3A_1933 : i32
      %multiple_of3A_1935 = tpu.assume_multiple %add3A_1934, 16 : i32
      %swap3A_1936 = arith.index_cast %multiple_of3A_1935 : i32 to index
      %swap3A_1937 = tpu.vector_load %arg8[%swap3A_1936] {strides = array<i32>} : memref<32768xf32, #tpu.memory_space<vmem>>, vector<16xf32>,
      tpu.vector_store %arg8[%swap3A_1936], %gather3A_1930 {strides = array<i32>} : memref<32768xf32, #tpu.memory_space<vmem>>, vector<16xf32>,
      %add3A_1938 = arith.constant 16 : i32
      %add3A_1939 = vector.broadcast %add3A_1938 : i32 to vector<16xi32>
      %add3A_1940 = arith.addi %iota3A, %add3A_1939 : vector<16xi32>
      %gather3A_1941 = arith.constant 3 : i32
      %gather3A_1942 = arith.constant 0 : i32
      %gather3A_1943 = arith.constant 0 : i32
      %gather3A_1944 = tpu.memref_slice %arg7[%gather3A_1941, %gather3A_1942, %gather3A_1943] : memref<8x64x128xf32, #tpu.memory_space<vmem>> -> memref<1x64x128xf32, #tpu.memory_space<vmem>>
      %gather3A_1945 = tpu.memref_squeeze %gather3A_1944 : memref<1x64x128xf32, #tpu.memory_space<vmem>> -> memref<64x128xf32, #tpu.memory_space<vmem>>
      %gather3A_1946 = tpu.vector_load_idx %gather3A_1945[%add3A_1940, %broadcast_in_dim3A_1921] : memref<64x128xf32, #tpu.memory_space<vmem>>[vector<16xi32>, vector<16xi32>], vector<16xf32>,
      %mul3A_1947 = arith.constant 64 : i32
      %mul3A_1948 = arith.muli %add3A_1898, %mul3A_1947 : i32
      %add3A_1949 = arith.constant 16 : i32
      %add3A_1950 = arith.addi %mul3A_1948, %add3A_1949 : i32
      %multiple_of3A_1951 = tpu.assume_multiple %add3A_1950, 16 : i32
      %swap3A_1952 = arith.index_cast %multiple_of3A_1951 : i32 to index
      %swap3A_1953 = tpu.vector_load %arg8[%swap3A_1952] {strides = array<i32>} : memref<32768xf32, #tpu.memory_space<vmem>>, vector<16xf32>,
      tpu.vector_store %arg8[%swap3A_1952], %gather3A_1946 {strides = array<i32>} : memref<32768xf32, #tpu.memory_space<vmem>>, vector<16xf32>,
      %add3A_1954 = arith.constant 32 : i32
      %add3A_1955 = vector.broadcast %add3A_1954 : i32 to vector<16xi32>
      %add3A_1956 = arith.addi %iota3A, %add3A_1955 : vector<16xi32>
      %gather3A_1957 = arith.constant 3 : i32
      %gather3A_1958 = arith.constant 0 : i32
      %gather3A_1959 = arith.constant 0 : i32
      %gather3A_1960 = tpu.memref_slice %arg7[%gather3A_1957, %gather3A_1958, %gather3A_1959] : memref<8x64x128xf32, #tpu.memory_space<vmem>> -> memref<1x64x128xf32, #tpu.memory_space<vmem>>
      %gather3A_1961 = tpu.memref_squeeze %gather3A_1960 : memref<1x64x128xf32, #tpu.memory_space<vmem>> -> memref<64x128xf32, #tpu.memory_space<vmem>>
      %gather3A_1962 = tpu.vector_load_idx %gather3A_1961[%add3A_1956, %broadcast_in_dim3A_1921] : memref<64x128xf32, #tpu.memory_space<vmem>>[vector<16xi32>, vector<16xi32>], vector<16xf32>,
      %mul3A_1963 = arith.constant 64 : i32
      %mul3A_1964 = arith.muli %add3A_1898, %mul3A_1963 : i32
      %add3A_1965 = arith.constant 32 : i32
      %add3A_1966 = arith.addi %mul3A_1964, %add3A_1965 : i32
      %multiple_of3A_1967 = tpu.assume_multiple %add3A_1966, 16 : i32
      %swap3A_1968 = arith.index_cast %multiple_of3A_1967 : i32 to index
      %swap3A_1969 = tpu.vector_load %arg8[%swap3A_1968] {strides = array<i32>} : memref<32768xf32, #tpu.memory_space<vmem>>, vector<16xf32>,
      tpu.vector_store %arg8[%swap3A_1968], %gather3A_1962 {strides = array<i32>} : memref<32768xf32, #tpu.memory_space<vmem>>, vector<16xf32>,
      %add3A_1970 = arith.constant 48 : i32
      %add3A_1971 = vector.broadcast %add3A_1970 : i32 to vector<16xi32>
      %add3A_1972 = arith.addi %iota3A, %add3A_1971 : vector<16xi32>
      %gather3A_1973 = arith.constant 3 : i32
      %gather3A_1974 = arith.constant 0 : i32
      %gather3A_1975 = arith.constant 0 : i32
      %gather3A_1976 = tpu.memref_slice %arg7[%gather3A_1973, %gather3A_1974, %gather3A_1975] : memref<8x64x128xf32, #tpu.memory_space<vmem>> -> memref<1x64x128xf32, #tpu.memory_space<vmem>>
      %gather3A_1977 = tpu.memref_squeeze %gather3A_1976 : memref<1x64x128xf32, #tpu.memory_space<vmem>> -> memref<64x128xf32, #tpu.memory_space<vmem>>
      %gather3A_1978 = tpu.vector_load_idx %gather3A_1977[%add3A_1972, %broadcast_in_dim3A_1921] : memref<64x128xf32, #tpu.memory_space<vmem>>[vector<16xi32>, vector<16xi32>], vector<16xf32>,
      %mul3A_1979 = arith.constant 64 : i32
      %mul3A_1980 = arith.muli %add3A_1898, %mul3A_1979 : i32
      %add3A_1981 = arith.constant 48 : i32
      %add3A_1982 = arith.addi %mul3A_1980, %add3A_1981 : i32
      %multiple_of3A_1983 = tpu.assume_multiple %add3A_1982, 16 : i32
      %swap3A_1984 = arith.index_cast %multiple_of3A_1983 : i32 to index
      %swap3A_1985 = tpu.vector_load %arg8[%swap3A_1984] {strides = array<i32>} : memref<32768xf32, #tpu.memory_space<vmem>>, vector<16xf32>,
      tpu.vector_store %arg8[%swap3A_1984], %gather3A_1978 {strides = array<i32>} : memref<32768xf32, #tpu.memory_space<vmem>>, vector<16xf32>,
      %add3A_1986 = arith.constant 8 : i32
      %add3A_1987 = arith.addi %add3A_1898, %add3A_1986 : i32
      %mul3A_1988 = arith.constant 16 : i32
      %mul3A_1989 = arith.muli %add3A_1987, %mul3A_1988 : i32
      %multiple_of3A_1990 = tpu.assume_multiple %mul3A_1989, 16 : i32
      %get3A_1991 = arith.index_cast %multiple_of3A_1990 : i32 to index
      %get3A_1992 = tpu.vector_load %arg6[%get3A_1991] {strides = array<i32>} : memref<8192xi32, #tpu.memory_space<vmem>>, vector<16xi32>,
      %slice3A_1993 = vector.extract_strided_slice %get3A_1992 {offsets = [0], sizes = [1], strides = [1]} : vector<16xi32> to vector<1xi32>
      %squeeze3A_1994 = vector.extract %slice3A_1993[0] : i32 from vector<1xi32>
      %multiple_of3A_1995 = tpu.assume_multiple %squeeze3A_1994, 128 : i32
      %dma_start3A_1996 = arith.constant 3 : i32
      %dma_start3A_1997 = arith.constant 0 : i32
      %dma_start3A_1998 = arith.constant 0 : i32
      %dma_start3A_1999 = tpu.memref_slice %arg7[%dma_start3A_1996, %dma_start3A_1997, %dma_start3A_1998] : memref<8x64x128xf32, #tpu.memory_space<vmem>> -> memref<1x64x128xf32, #tpu.memory_space<vmem>>
      %dma_start3A_2000 = tpu.memref_squeeze %dma_start3A_1999 : memref<1x64x128xf32, #tpu.memory_space<vmem>> -> memref<64x128xf32, #tpu.memory_space<vmem>>
      %dma_start3A_2001 = arith.constant 0 : i32
      %dma_start3A_2002 = tpu.memref_slice %arg3[%dma_start3A_2001, %multiple_of3A_1995] : memref<64x1000000xf32, #tpu.memory_space<hbm>> -> memref<64x128xf32, #tpu.memory_space<hbm>>
      %dma_start3A_2003 = arith.constant 0 : i32
      %dma_start3A_2004 = arith.constant 0 : i32
      %dma_start3A_2005 = tpu.memref_slice %arg7[%dma_start3A_1996, %dma_start3A_2003, %dma_start3A_2004] : memref<8x64x128xf32, #tpu.memory_space<vmem>> -> memref<1x64x128xf32, #tpu.memory_space<vmem>>
      %dma_start3A_2006 = tpu.memref_squeeze %dma_start3A_2005 : memref<1x64x128xf32, #tpu.memory_space<vmem>> -> memref<64x128xf32, #tpu.memory_space<vmem>>
      %dma_start3A_2007 = arith.constant 0 : i32
      %dma_start3A_2008 = tpu.memref_slice %arg3[%dma_start3A_2007, %multiple_of3A_1995] : memref<64x1000000xf32, #tpu.memory_space<hbm>> -> memref<64x128xf32, #tpu.memory_space<hbm>>
      tpu.enqueue_dma source(%dma_start3A_2008 : memref<64x128xf32, #tpu.memory_space<hbm>>) target(%dma_start3A_2006 : memref<64x128xf32, #tpu.memory_space<vmem>>) target_semaphore(%arg12 : memref<!tpu.dma_semaphore, #tpu.memory_space<semaphore_mem>>)
      %mul3A_2009 = arith.constant 8 : i32
      %mul3A_2010 = arith.muli %scan3A_1551, %mul3A_2009 : i32
      %add3A_2011 = arith.constant 4 : i32
      %add3A_2012 = arith.addi %mul3A_2010, %add3A_2011 : i32
      %dma_wait3A_2013 = arith.constant 4 : i32
      %dma_wait3A_2014 = arith.constant 0 : i32
      %dma_wait3A_2015 = arith.constant 0 : i32
      %dma_wait3A_2016 = tpu.memref_slice %arg7[%dma_wait3A_2013, %dma_wait3A_2014, %dma_wait3A_2015] : memref<8x64x128xf32, #tpu.memory_space<vmem>> -> memref<1x64x128xf32, #tpu.memory_space<vmem>>
      %dma_wait3A_2017 = tpu.memref_squeeze %dma_wait3A_2016 : memref<1x64x128xf32, #tpu.memory_space<vmem>> -> memref<64x128xf32, #tpu.memory_space<vmem>>
      %dma_wait3A_2018 = arith.constant 0 : i32
      %dma_wait3A_2019 = arith.constant 0 : i32
      %dma_wait3A_2020 = tpu.memref_slice %arg3[%dma_wait3A_2018, %dma_wait3A_2019] : memref<64x1000000xf32, #tpu.memory_space<hbm>> -> memref<64x128xf32, #tpu.memory_space<hbm>>
      %dma_wait3A_2021 = arith.constant 0 : i32
      %dma_wait3A_2022 = arith.constant 0 : i32
      %dma_wait3A_2023 = tpu.memref_slice %arg7[%dma_wait3A_2013, %dma_wait3A_2021, %dma_wait3A_2022] : memref<8x64x128xf32, #tpu.memory_space<vmem>> -> memref<1x64x128xf32, #tpu.memory_space<vmem>>
      %dma_wait3A_2024 = tpu.memref_squeeze %dma_wait3A_2023 : memref<1x64x128xf32, #tpu.memory_space<vmem>> -> memref<64x128xf32, #tpu.memory_space<vmem>>
      %dma_wait3A_2025 = arith.constant 0 : i32
      %dma_wait3A_2026 = arith.constant 0 : i32
      %dma_wait3A_2027 = tpu.memref_slice %arg3[%dma_wait3A_2025, %dma_wait3A_2026] : memref<64x1000000xf32, #tpu.memory_space<hbm>> -> memref<64x128xf32, #tpu.memory_space<hbm>>
      tpu.wait_dma2 semaphore(%arg13 : memref<!tpu.dma_semaphore, #tpu.memory_space<semaphore_mem>>) src(%dma_wait3A_2027 : memref<64x128xf32, #tpu.memory_space<hbm>>) dst(%dma_wait3A_2024 : memref<64x128xf32, #tpu.memory_space<vmem>>)
      %mul3A_2028 = arith.constant 16 : i32
      %mul3A_2029 = arith.muli %add3A_2012, %mul3A_2028 : i32
      %multiple_of3A_2030 = tpu.assume_multiple %mul3A_2029, 16 : i32
      %get3A_2031 = arith.index_cast %multiple_of3A_2030 : i32 to index
      %get3A_2032 = tpu.vector_load %arg6[%get3A_2031] {strides = array<i32>} : memref<8192xi32, #tpu.memory_space<vmem>>, vector<16xi32>,
      %slice3A_2033 = vector.extract_strided_slice %get3A_2032 {offsets = [1], sizes = [1], strides = [1]} : vector<16xi32> to vector<1xi32>
      %squeeze3A_2034 = vector.extract %slice3A_2033[0] : i32 from vector<1xi32>
      %broadcast_in_dim3A_2035 = vector.broadcast %squeeze3A_2034 : i32 to vector<16xi32>
      %add3A_2036 = arith.constant 0 : i32
      %add3A_2037 = vector.broadcast %add3A_2036 : i32 to vector<16xi32>
      %add3A_2038 = arith.addi %iota3A, %add3A_2037 : vector<16xi32>
      %gather3A_2039 = arith.constant 4 : i32
      %gather3A_2040 = arith.constant 0 : i32
      %gather3A_2041 = arith.constant 0 : i32
      %gather3A_2042 = tpu.memref_slice %arg7[%gather3A_2039, %gather3A_2040, %gather3A_2041] : memref<8x64x128xf32, #tpu.memory_space<vmem>> -> memref<1x64x128xf32, #tpu.memory_space<vmem>>
      %gather3A_2043 = tpu.memref_squeeze %gather3A_2042 : memref<1x64x128xf32, #tpu.memory_space<vmem>> -> memref<64x128xf32, #tpu.memory_space<vmem>>
      %gather3A_2044 = tpu.vector_load_idx %gather3A_2043[%add3A_2038, %broadcast_in_dim3A_2035] : memref<64x128xf32, #tpu.memory_space<vmem>>[vector<16xi32>, vector<16xi32>], vector<16xf32>,
      %mul3A_2045 = arith.constant 64 : i32
      %mul3A_2046 = arith.muli %add3A_2012, %mul3A_2045 : i32
      %add3A_2047 = arith.constant 0 : i32
      %add3A_2048 = arith.addi %mul3A_2046, %add3A_2047 : i32
      %multiple_of3A_2049 = tpu.assume_multiple %add3A_2048, 16 : i32
      %swap3A_2050 = arith.index_cast %multiple_of3A_2049 : i32 to index
      %swap3A_2051 = tpu.vector_load %arg8[%swap3A_2050] {strides = array<i32>} : memref<32768xf32, #tpu.memory_space<vmem>>, vector<16xf32>,
      tpu.vector_store %arg8[%swap3A_2050], %gather3A_2044 {strides = array<i32>} : memref<32768xf32, #tpu.memory_space<vmem>>, vector<16xf32>,
      %add3A_2052 = arith.constant 16 : i32
      %add3A_2053 = vector.broadcast %add3A_2052 : i32 to vector<16xi32>
      %add3A_2054 = arith.addi %iota3A, %add3A_2053 : vector<16xi32>
      %gather3A_2055 = arith.constant 4 : i32
      %gather3A_2056 = arith.constant 0 : i32
      %gather3A_2057 = arith.constant 0 : i32
      %gather3A_2058 = tpu.memref_slice %arg7[%gather3A_2055, %gather3A_2056, %gather3A_2057] : memref<8x64x128xf32, #tpu.memory_space<vmem>> -> memref<1x64x128xf32, #tpu.memory_space<vmem>>
      %gather3A_2059 = tpu.memref_squeeze %gather3A_2058 : memref<1x64x128xf32, #tpu.memory_space<vmem>> -> memref<64x128xf32, #tpu.memory_space<vmem>>
      %gather3A_2060 = tpu.vector_load_idx %gather3A_2059[%add3A_2054, %broadcast_in_dim3A_2035] : memref<64x128xf32, #tpu.memory_space<vmem>>[vector<16xi32>, vector<16xi32>], vector<16xf32>,
      %mul3A_2061 = arith.constant 64 : i32
      %mul3A_2062 = arith.muli %add3A_2012, %mul3A_2061 : i32
      %add3A_2063 = arith.constant 16 : i32
      %add3A_2064 = arith.addi %mul3A_2062, %add3A_2063 : i32
      %multiple_of3A_2065 = tpu.assume_multiple %add3A_2064, 16 : i32
      %swap3A_2066 = arith.index_cast %multiple_of3A_2065 : i32 to index
      %swap3A_2067 = tpu.vector_load %arg8[%swap3A_2066] {strides = array<i32>} : memref<32768xf32, #tpu.memory_space<vmem>>, vector<16xf32>,
      tpu.vector_store %arg8[%swap3A_2066], %gather3A_2060 {strides = array<i32>} : memref<32768xf32, #tpu.memory_space<vmem>>, vector<16xf32>,
      %add3A_2068 = arith.constant 32 : i32
      %add3A_2069 = vector.broadcast %add3A_2068 : i32 to vector<16xi32>
      %add3A_2070 = arith.addi %iota3A, %add3A_2069 : vector<16xi32>
      %gather3A_2071 = arith.constant 4 : i32
      %gather3A_2072 = arith.constant 0 : i32
      %gather3A_2073 = arith.constant 0 : i32
      %gather3A_2074 = tpu.memref_slice %arg7[%gather3A_2071, %gather3A_2072, %gather3A_2073] : memref<8x64x128xf32, #tpu.memory_space<vmem>> -> memref<1x64x128xf32, #tpu.memory_space<vmem>>
      %gather3A_2075 = tpu.memref_squeeze %gather3A_2074 : memref<1x64x128xf32, #tpu.memory_space<vmem>> -> memref<64x128xf32, #tpu.memory_space<vmem>>
      %gather3A_2076 = tpu.vector_load_idx %gather3A_2075[%add3A_2070, %broadcast_in_dim3A_2035] : memref<64x128xf32, #tpu.memory_space<vmem>>[vector<16xi32>, vector<16xi32>], vector<16xf32>,
      %mul3A_2077 = arith.constant 64 : i32
      %mul3A_2078 = arith.muli %add3A_2012, %mul3A_2077 : i32
      %add3A_2079 = arith.constant 32 : i32
      %add3A_2080 = arith.addi %mul3A_2078, %add3A_2079 : i32
      %multiple_of3A_2081 = tpu.assume_multiple %add3A_2080, 16 : i32
      %swap3A_2082 = arith.index_cast %multiple_of3A_2081 : i32 to index
      %swap3A_2083 = tpu.vector_load %arg8[%swap3A_2082] {strides = array<i32>} : memref<32768xf32, #tpu.memory_space<vmem>>, vector<16xf32>,
      tpu.vector_store %arg8[%swap3A_2082], %gather3A_2076 {strides = array<i32>} : memref<32768xf32, #tpu.memory_space<vmem>>, vector<16xf32>,
      %add3A_2084 = arith.constant 48 : i32
      %add3A_2085 = vector.broadcast %add3A_2084 : i32 to vector<16xi32>
      %add3A_2086 = arith.addi %iota3A, %add3A_2085 : vector<16xi32>
      %gather3A_2087 = arith.constant 4 : i32
      %gather3A_2088 = arith.constant 0 : i32
      %gather3A_2089 = arith.constant 0 : i32
      %gather3A_2090 = tpu.memref_slice %arg7[%gather3A_2087, %gather3A_2088, %gather3A_2089] : memref<8x64x128xf32, #tpu.memory_space<vmem>> -> memref<1x64x128xf32, #tpu.memory_space<vmem>>
      %gather3A_2091 = tpu.memref_squeeze %gather3A_2090 : memref<1x64x128xf32, #tpu.memory_space<vmem>> -> memref<64x128xf32, #tpu.memory_space<vmem>>
      %gather3A_2092 = tpu.vector_load_idx %gather3A_2091[%add3A_2086, %broadcast_in_dim3A_2035] : memref<64x128xf32, #tpu.memory_space<vmem>>[vector<16xi32>, vector<16xi32>], vector<16xf32>,
      %mul3A_2093 = arith.constant 64 : i32
      %mul3A_2094 = arith.muli %add3A_2012, %mul3A_2093 : i32
      %add3A_2095 = arith.constant 48 : i32
      %add3A_2096 = arith.addi %mul3A_2094, %add3A_2095 : i32
      %multiple_of3A_2097 = tpu.assume_multiple %add3A_2096, 16 : i32
      %swap3A_2098 = arith.index_cast %multiple_of3A_2097 : i32 to index
      %swap3A_2099 = tpu.vector_load %arg8[%swap3A_2098] {strides = array<i32>} : memref<32768xf32, #tpu.memory_space<vmem>>, vector<16xf32>,
      tpu.vector_store %arg8[%swap3A_2098], %gather3A_2092 {strides = array<i32>} : memref<32768xf32, #tpu.memory_space<vmem>>, vector<16xf32>,
      %add3A_2100 = arith.constant 8 : i32
      %add3A_2101 = arith.addi %add3A_2012, %add3A_2100 : i32
      %mul3A_2102 = arith.constant 16 : i32
      %mul3A_2103 = arith.muli %add3A_2101, %mul3A_2102 : i32
      %multiple_of3A_2104 = tpu.assume_multiple %mul3A_2103, 16 : i32
      %get3A_2105 = arith.index_cast %multiple_of3A_2104 : i32 to index
      %get3A_2106 = tpu.vector_load %arg6[%get3A_2105] {strides = array<i32>} : memref<8192xi32, #tpu.memory_space<vmem>>, vector<16xi32>,
      %slice3A_2107 = vector.extract_strided_slice %get3A_2106 {offsets = [0], sizes = [1], strides = [1]} : vector<16xi32> to vector<1xi32>
      %squeeze3A_2108 = vector.extract %slice3A_2107[0] : i32 from vector<1xi32>
      %multiple_of3A_2109 = tpu.assume_multiple %squeeze3A_2108, 128 : i32
      %dma_start3A_2110 = arith.constant 4 : i32
      %dma_start3A_2111 = arith.constant 0 : i32
      %dma_start3A_2112 = arith.constant 0 : i32
      %dma_start3A_2113 = tpu.memref_slice %arg7[%dma_start3A_2110, %dma_start3A_2111, %dma_start3A_2112] : memref<8x64x128xf32, #tpu.memory_space<vmem>> -> memref<1x64x128xf32, #tpu.memory_space<vmem>>
      %dma_start3A_2114 = tpu.memref_squeeze %dma_start3A_2113 : memref<1x64x128xf32, #tpu.memory_space<vmem>> -> memref<64x128xf32, #tpu.memory_space<vmem>>
      %dma_start3A_2115 = arith.constant 0 : i32
      %dma_start3A_2116 = tpu.memref_slice %arg3[%dma_start3A_2115, %multiple_of3A_2109] : memref<64x1000000xf32, #tpu.memory_space<hbm>> -> memref<64x128xf32, #tpu.memory_space<hbm>>
      %dma_start3A_2117 = arith.constant 0 : i32
      %dma_start3A_2118 = arith.constant 0 : i32
      %dma_start3A_2119 = tpu.memref_slice %arg7[%dma_start3A_2110, %dma_start3A_2117, %dma_start3A_2118] : memref<8x64x128xf32, #tpu.memory_space<vmem>> -> memref<1x64x128xf32, #tpu.memory_space<vmem>>
      %dma_start3A_2120 = tpu.memref_squeeze %dma_start3A_2119 : memref<1x64x128xf32, #tpu.memory_space<vmem>> -> memref<64x128xf32, #tpu.memory_space<vmem>>
      %dma_start3A_2121 = arith.constant 0 : i32
      %dma_start3A_2122 = tpu.memref_slice %arg3[%dma_start3A_2121, %multiple_of3A_2109] : memref<64x1000000xf32, #tpu.memory_space<hbm>> -> memref<64x128xf32, #tpu.memory_space<hbm>>
      tpu.enqueue_dma source(%dma_start3A_2122 : memref<64x128xf32, #tpu.memory_space<hbm>>) target(%dma_start3A_2120 : memref<64x128xf32, #tpu.memory_space<vmem>>) target_semaphore(%arg13 : memref<!tpu.dma_semaphore, #tpu.memory_space<semaphore_mem>>)
      %mul3A_2123 = arith.constant 8 : i32
      %mul3A_2124 = arith.muli %scan3A_1551, %mul3A_2123 : i32
      %add3A_2125 = arith.constant 5 : i32
      %add3A_2126 = arith.addi %mul3A_2124, %add3A_2125 : i32
      %dma_wait3A_2127 = arith.constant 5 : i32
      %dma_wait3A_2128 = arith.constant 0 : i32
      %dma_wait3A_2129 = arith.constant 0 : i32
      %dma_wait3A_2130 = tpu.memref_slice %arg7[%dma_wait3A_2127, %dma_wait3A_2128, %dma_wait3A_2129] : memref<8x64x128xf32, #tpu.memory_space<vmem>> -> memref<1x64x128xf32, #tpu.memory_space<vmem>>
      %dma_wait3A_2131 = tpu.memref_squeeze %dma_wait3A_2130 : memref<1x64x128xf32, #tpu.memory_space<vmem>> -> memref<64x128xf32, #tpu.memory_space<vmem>>
      %dma_wait3A_2132 = arith.constant 0 : i32
      %dma_wait3A_2133 = arith.constant 0 : i32
      %dma_wait3A_2134 = tpu.memref_slice %arg3[%dma_wait3A_2132, %dma_wait3A_2133] : memref<64x1000000xf32, #tpu.memory_space<hbm>> -> memref<64x128xf32, #tpu.memory_space<hbm>>
      %dma_wait3A_2135 = arith.constant 0 : i32
      %dma_wait3A_2136 = arith.constant 0 : i32
      %dma_wait3A_2137 = tpu.memref_slice %arg7[%dma_wait3A_2127, %dma_wait3A_2135, %dma_wait3A_2136] : memref<8x64x128xf32, #tpu.memory_space<vmem>> -> memref<1x64x128xf32, #tpu.memory_space<vmem>>
      %dma_wait3A_2138 = tpu.memref_squeeze %dma_wait3A_2137 : memref<1x64x128xf32, #tpu.memory_space<vmem>> -> memref<64x128xf32, #tpu.memory_space<vmem>>
      %dma_wait3A_2139 = arith.constant 0 : i32
      %dma_wait3A_2140 = arith.constant 0 : i32
      %dma_wait3A_2141 = tpu.memref_slice %arg3[%dma_wait3A_2139, %dma_wait3A_2140] : memref<64x1000000xf32, #tpu.memory_space<hbm>> -> memref<64x128xf32, #tpu.memory_space<hbm>>
      tpu.wait_dma2 semaphore(%arg14 : memref<!tpu.dma_semaphore, #tpu.memory_space<semaphore_mem>>) src(%dma_wait3A_2141 : memref<64x128xf32, #tpu.memory_space<hbm>>) dst(%dma_wait3A_2138 : memref<64x128xf32, #tpu.memory_space<vmem>>)
      %mul3A_2142 = arith.constant 16 : i32
      %mul3A_2143 = arith.muli %add3A_2126, %mul3A_2142 : i32
      %multiple_of3A_2144 = tpu.assume_multiple %mul3A_2143, 16 : i32
      %get3A_2145 = arith.index_cast %multiple_of3A_2144 : i32 to index
      %get3A_2146 = tpu.vector_load %arg6[%get3A_2145] {strides = array<i32>} : memref<8192xi32, #tpu.memory_space<vmem>>, vector<16xi32>,
      %slice3A_2147 = vector.extract_strided_slice %get3A_2146 {offsets = [1], sizes = [1], strides = [1]} : vector<16xi32> to vector<1xi32>
      %squeeze3A_2148 = vector.extract %slice3A_2147[0] : i32 from vector<1xi32>
      %broadcast_in_dim3A_2149 = vector.broadcast %squeeze3A_2148 : i32 to vector<16xi32>
      %add3A_2150 = arith.constant 0 : i32
      %add3A_2151 = vector.broadcast %add3A_2150 : i32 to vector<16xi32>
      %add3A_2152 = arith.addi %iota3A, %add3A_2151 : vector<16xi32>
      %gather3A_2153 = arith.constant 5 : i32
      %gather3A_2154 = arith.constant 0 : i32
      %gather3A_2155 = arith.constant 0 : i32
      %gather3A_2156 = tpu.memref_slice %arg7[%gather3A_2153, %gather3A_2154, %gather3A_2155] : memref<8x64x128xf32, #tpu.memory_space<vmem>> -> memref<1x64x128xf32, #tpu.memory_space<vmem>>
      %gather3A_2157 = tpu.memref_squeeze %gather3A_2156 : memref<1x64x128xf32, #tpu.memory_space<vmem>> -> memref<64x128xf32, #tpu.memory_space<vmem>>
      %gather3A_2158 = tpu.vector_load_idx %gather3A_2157[%add3A_2152, %broadcast_in_dim3A_2149] : memref<64x128xf32, #tpu.memory_space<vmem>>[vector<16xi32>, vector<16xi32>], vector<16xf32>,
      %mul3A_2159 = arith.constant 64 : i32
      %mul3A_2160 = arith.muli %add3A_2126, %mul3A_2159 : i32
      %add3A_2161 = arith.constant 0 : i32
      %add3A_2162 = arith.addi %mul3A_2160, %add3A_2161 : i32
      %multiple_of3A_2163 = tpu.assume_multiple %add3A_2162, 16 : i32
      %swap3A_2164 = arith.index_cast %multiple_of3A_2163 : i32 to index
      %swap3A_2165 = tpu.vector_load %arg8[%swap3A_2164] {strides = array<i32>} : memref<32768xf32, #tpu.memory_space<vmem>>, vector<16xf32>,
      tpu.vector_store %arg8[%swap3A_2164], %gather3A_2158 {strides = array<i32>} : memref<32768xf32, #tpu.memory_space<vmem>>, vector<16xf32>,
      %add3A_2166 = arith.constant 16 : i32
      %add3A_2167 = vector.broadcast %add3A_2166 : i32 to vector<16xi32>
      %add3A_2168 = arith.addi %iota3A, %add3A_2167 : vector<16xi32>
      %gather3A_2169 = arith.constant 5 : i32
      %gather3A_2170 = arith.constant 0 : i32
      %gather3A_2171 = arith.constant 0 : i32
      %gather3A_2172 = tpu.memref_slice %arg7[%gather3A_2169, %gather3A_2170, %gather3A_2171] : memref<8x64x128xf32, #tpu.memory_space<vmem>> -> memref<1x64x128xf32, #tpu.memory_space<vmem>>
      %gather3A_2173 = tpu.memref_squeeze %gather3A_2172 : memref<1x64x128xf32, #tpu.memory_space<vmem>> -> memref<64x128xf32, #tpu.memory_space<vmem>>
      %gather3A_2174 = tpu.vector_load_idx %gather3A_2173[%add3A_2168, %broadcast_in_dim3A_2149] : memref<64x128xf32, #tpu.memory_space<vmem>>[vector<16xi32>, vector<16xi32>], vector<16xf32>,
      %mul3A_2175 = arith.constant 64 : i32
      %mul3A_2176 = arith.muli %add3A_2126, %mul3A_2175 : i32
      %add3A_2177 = arith.constant 16 : i32
      %add3A_2178 = arith.addi %mul3A_2176, %add3A_2177 : i32
      %multiple_of3A_2179 = tpu.assume_multiple %add3A_2178, 16 : i32
      %swap3A_2180 = arith.index_cast %multiple_of3A_2179 : i32 to index
      %swap3A_2181 = tpu.vector_load %arg8[%swap3A_2180] {strides = array<i32>} : memref<32768xf32, #tpu.memory_space<vmem>>, vector<16xf32>,
      tpu.vector_store %arg8[%swap3A_2180], %gather3A_2174 {strides = array<i32>} : memref<32768xf32, #tpu.memory_space<vmem>>, vector<16xf32>,
      %add3A_2182 = arith.constant 32 : i32
      %add3A_2183 = vector.broadcast %add3A_2182 : i32 to vector<16xi32>
      %add3A_2184 = arith.addi %iota3A, %add3A_2183 : vector<16xi32>
      %gather3A_2185 = arith.constant 5 : i32
      %gather3A_2186 = arith.constant 0 : i32
      %gather3A_2187 = arith.constant 0 : i32
      %gather3A_2188 = tpu.memref_slice %arg7[%gather3A_2185, %gather3A_2186, %gather3A_2187] : memref<8x64x128xf32, #tpu.memory_space<vmem>> -> memref<1x64x128xf32, #tpu.memory_space<vmem>>
      %gather3A_2189 = tpu.memref_squeeze %gather3A_2188 : memref<1x64x128xf32, #tpu.memory_space<vmem>> -> memref<64x128xf32, #tpu.memory_space<vmem>>
      %gather3A_2190 = tpu.vector_load_idx %gather3A_2189[%add3A_2184, %broadcast_in_dim3A_2149] : memref<64x128xf32, #tpu.memory_space<vmem>>[vector<16xi32>, vector<16xi32>], vector<16xf32>,
      %mul3A_2191 = arith.constant 64 : i32
      %mul3A_2192 = arith.muli %add3A_2126, %mul3A_2191 : i32
      %add3A_2193 = arith.constant 32 : i32
      %add3A_2194 = arith.addi %mul3A_2192, %add3A_2193 : i32
      %multiple_of3A_2195 = tpu.assume_multiple %add3A_2194, 16 : i32
      %swap3A_2196 = arith.index_cast %multiple_of3A_2195 : i32 to index
      %swap3A_2197 = tpu.vector_load %arg8[%swap3A_2196] {strides = array<i32>} : memref<32768xf32, #tpu.memory_space<vmem>>, vector<16xf32>,
      tpu.vector_store %arg8[%swap3A_2196], %gather3A_2190 {strides = array<i32>} : memref<32768xf32, #tpu.memory_space<vmem>>, vector<16xf32>,
      %add3A_2198 = arith.constant 48 : i32
      %add3A_2199 = vector.broadcast %add3A_2198 : i32 to vector<16xi32>
      %add3A_2200 = arith.addi %iota3A, %add3A_2199 : vector<16xi32>
      %gather3A_2201 = arith.constant 5 : i32
      %gather3A_2202 = arith.constant 0 : i32
      %gather3A_2203 = arith.constant 0 : i32
      %gather3A_2204 = tpu.memref_slice %arg7[%gather3A_2201, %gather3A_2202, %gather3A_2203] : memref<8x64x128xf32, #tpu.memory_space<vmem>> -> memref<1x64x128xf32, #tpu.memory_space<vmem>>
      %gather3A_2205 = tpu.memref_squeeze %gather3A_2204 : memref<1x64x128xf32, #tpu.memory_space<vmem>> -> memref<64x128xf32, #tpu.memory_space<vmem>>
      %gather3A_2206 = tpu.vector_load_idx %gather3A_2205[%add3A_2200, %broadcast_in_dim3A_2149] : memref<64x128xf32, #tpu.memory_space<vmem>>[vector<16xi32>, vector<16xi32>], vector<16xf32>,
      %mul3A_2207 = arith.constant 64 : i32
      %mul3A_2208 = arith.muli %add3A_2126, %mul3A_2207 : i32
      %add3A_2209 = arith.constant 48 : i32
      %add3A_2210 = arith.addi %mul3A_2208, %add3A_2209 : i32
      %multiple_of3A_2211 = tpu.assume_multiple %add3A_2210, 16 : i32
      %swap3A_2212 = arith.index_cast %multiple_of3A_2211 : i32 to index
      %swap3A_2213 = tpu.vector_load %arg8[%swap3A_2212] {strides = array<i32>} : memref<32768xf32, #tpu.memory_space<vmem>>, vector<16xf32>,
      tpu.vector_store %arg8[%swap3A_2212], %gather3A_2206 {strides = array<i32>} : memref<32768xf32, #tpu.memory_space<vmem>>, vector<16xf32>,
      %add3A_2214 = arith.constant 8 : i32
      %add3A_2215 = arith.addi %add3A_2126, %add3A_2214 : i32
      %mul3A_2216 = arith.constant 16 : i32
      %mul3A_2217 = arith.muli %add3A_2215, %mul3A_2216 : i32
      %multiple_of3A_2218 = tpu.assume_multiple %mul3A_2217, 16 : i32
      %get3A_2219 = arith.index_cast %multiple_of3A_2218 : i32 to index
      %get3A_2220 = tpu.vector_load %arg6[%get3A_2219] {strides = array<i32>} : memref<8192xi32, #tpu.memory_space<vmem>>, vector<16xi32>,
      %slice3A_2221 = vector.extract_strided_slice %get3A_2220 {offsets = [0], sizes = [1], strides = [1]} : vector<16xi32> to vector<1xi32>
      %squeeze3A_2222 = vector.extract %slice3A_2221[0] : i32 from vector<1xi32>
      %multiple_of3A_2223 = tpu.assume_multiple %squeeze3A_2222, 128 : i32
      %dma_start3A_2224 = arith.constant 5 : i32
      %dma_start3A_2225 = arith.constant 0 : i32
      %dma_start3A_2226 = arith.constant 0 : i32
      %dma_start3A_2227 = tpu.memref_slice %arg7[%dma_start3A_2224, %dma_start3A_2225, %dma_start3A_2226] : memref<8x64x128xf32, #tpu.memory_space<vmem>> -> memref<1x64x128xf32, #tpu.memory_space<vmem>>
      %dma_start3A_2228 = tpu.memref_squeeze %dma_start3A_2227 : memref<1x64x128xf32, #tpu.memory_space<vmem>> -> memref<64x128xf32, #tpu.memory_space<vmem>>
      %dma_start3A_2229 = arith.constant 0 : i32
      %dma_start3A_2230 = tpu.memref_slice %arg3[%dma_start3A_2229, %multiple_of3A_2223] : memref<64x1000000xf32, #tpu.memory_space<hbm>> -> memref<64x128xf32, #tpu.memory_space<hbm>>
      %dma_start3A_2231 = arith.constant 0 : i32
      %dma_start3A_2232 = arith.constant 0 : i32
      %dma_start3A_2233 = tpu.memref_slice %arg7[%dma_start3A_2224, %dma_start3A_2231, %dma_start3A_2232] : memref<8x64x128xf32, #tpu.memory_space<vmem>> -> memref<1x64x128xf32, #tpu.memory_space<vmem>>
      %dma_start3A_2234 = tpu.memref_squeeze %dma_start3A_2233 : memref<1x64x128xf32, #tpu.memory_space<vmem>> -> memref<64x128xf32, #tpu.memory_space<vmem>>
      %dma_start3A_2235 = arith.constant 0 : i32
      %dma_start3A_2236 = tpu.memref_slice %arg3[%dma_start3A_2235, %multiple_of3A_2223] : memref<64x1000000xf32, #tpu.memory_space<hbm>> -> memref<64x128xf32, #tpu.memory_space<hbm>>
      tpu.enqueue_dma source(%dma_start3A_2236 : memref<64x128xf32, #tpu.memory_space<hbm>>) target(%dma_start3A_2234 : memref<64x128xf32, #tpu.memory_space<vmem>>) target_semaphore(%arg14 : memref<!tpu.dma_semaphore, #tpu.memory_space<semaphore_mem>>)
      %mul3A_2237 = arith.constant 8 : i32
      %mul3A_2238 = arith.muli %scan3A_1551, %mul3A_2237 : i32
      %add3A_2239 = arith.constant 6 : i32
      %add3A_2240 = arith.addi %mul3A_2238, %add3A_2239 : i32
      %dma_wait3A_2241 = arith.constant 6 : i32
      %dma_wait3A_2242 = arith.constant 0 : i32
      %dma_wait3A_2243 = arith.constant 0 : i32
      %dma_wait3A_2244 = tpu.memref_slice %arg7[%dma_wait3A_2241, %dma_wait3A_2242, %dma_wait3A_2243] : memref<8x64x128xf32, #tpu.memory_space<vmem>> -> memref<1x64x128xf32, #tpu.memory_space<vmem>>
      %dma_wait3A_2245 = tpu.memref_squeeze %dma_wait3A_2244 : memref<1x64x128xf32, #tpu.memory_space<vmem>> -> memref<64x128xf32, #tpu.memory_space<vmem>>
      %dma_wait3A_2246 = arith.constant 0 : i32
      %dma_wait3A_2247 = arith.constant 0 : i32
      %dma_wait3A_2248 = tpu.memref_slice %arg3[%dma_wait3A_2246, %dma_wait3A_2247] : memref<64x1000000xf32, #tpu.memory_space<hbm>> -> memref<64x128xf32, #tpu.memory_space<hbm>>
      %dma_wait3A_2249 = arith.constant 0 : i32
      %dma_wait3A_2250 = arith.constant 0 : i32
      %dma_wait3A_2251 = tpu.memref_slice %arg7[%dma_wait3A_2241, %dma_wait3A_2249, %dma_wait3A_2250] : memref<8x64x128xf32, #tpu.memory_space<vmem>> -> memref<1x64x128xf32, #tpu.memory_space<vmem>>
      %dma_wait3A_2252 = tpu.memref_squeeze %dma_wait3A_2251 : memref<1x64x128xf32, #tpu.memory_space<vmem>> -> memref<64x128xf32, #tpu.memory_space<vmem>>
      %dma_wait3A_2253 = arith.constant 0 : i32
      %dma_wait3A_2254 = arith.constant 0 : i32
      %dma_wait3A_2255 = tpu.memref_slice %arg3[%dma_wait3A_2253, %dma_wait3A_2254] : memref<64x1000000xf32, #tpu.memory_space<hbm>> -> memref<64x128xf32, #tpu.memory_space<hbm>>
      tpu.wait_dma2 semaphore(%arg15 : memref<!tpu.dma_semaphore, #tpu.memory_space<semaphore_mem>>) src(%dma_wait3A_2255 : memref<64x128xf32, #tpu.memory_space<hbm>>) dst(%dma_wait3A_2252 : memref<64x128xf32, #tpu.memory_space<vmem>>)
      %mul3A_2256 = arith.constant 16 : i32
      %mul3A_2257 = arith.muli %add3A_2240, %mul3A_2256 : i32
      %multiple_of3A_2258 = tpu.assume_multiple %mul3A_2257, 16 : i32
      %get3A_2259 = arith.index_cast %multiple_of3A_2258 : i32 to index
      %get3A_2260 = tpu.vector_load %arg6[%get3A_2259] {strides = array<i32>} : memref<8192xi32, #tpu.memory_space<vmem>>, vector<16xi32>,
      %slice3A_2261 = vector.extract_strided_slice %get3A_2260 {offsets = [1], sizes = [1], strides = [1]} : vector<16xi32> to vector<1xi32>
      %squeeze3A_2262 = vector.extract %slice3A_2261[0] : i32 from vector<1xi32>
      %broadcast_in_dim3A_2263 = vector.broadcast %squeeze3A_2262 : i32 to vector<16xi32>
      %add3A_2264 = arith.constant 0 : i32
      %add3A_2265 = vector.broadcast %add3A_2264 : i32 to vector<16xi32>
      %add3A_2266 = arith.addi %iota3A, %add3A_2265 : vector<16xi32>
      %gather3A_2267 = arith.constant 6 : i32
      %gather3A_2268 = arith.constant 0 : i32
      %gather3A_2269 = arith.constant 0 : i32
      %gather3A_2270 = tpu.memref_slice %arg7[%gather3A_2267, %gather3A_2268, %gather3A_2269] : memref<8x64x128xf32, #tpu.memory_space<vmem>> -> memref<1x64x128xf32, #tpu.memory_space<vmem>>
      %gather3A_2271 = tpu.memref_squeeze %gather3A_2270 : memref<1x64x128xf32, #tpu.memory_space<vmem>> -> memref<64x128xf32, #tpu.memory_space<vmem>>
      %gather3A_2272 = tpu.vector_load_idx %gather3A_2271[%add3A_2266, %broadcast_in_dim3A_2263] : memref<64x128xf32, #tpu.memory_space<vmem>>[vector<16xi32>, vector<16xi32>], vector<16xf32>,
      %mul3A_2273 = arith.constant 64 : i32
      %mul3A_2274 = arith.muli %add3A_2240, %mul3A_2273 : i32
      %add3A_2275 = arith.constant 0 : i32
      %add3A_2276 = arith.addi %mul3A_2274, %add3A_2275 : i32
      %multiple_of3A_2277 = tpu.assume_multiple %add3A_2276, 16 : i32
      %swap3A_2278 = arith.index_cast %multiple_of3A_2277 : i32 to index
      %swap3A_2279 = tpu.vector_load %arg8[%swap3A_2278] {strides = array<i32>} : memref<32768xf32, #tpu.memory_space<vmem>>, vector<16xf32>,
      tpu.vector_store %arg8[%swap3A_2278], %gather3A_2272 {strides = array<i32>} : memref<32768xf32, #tpu.memory_space<vmem>>, vector<16xf32>,
      %add3A_2280 = arith.constant 16 : i32
      %add3A_2281 = vector.broadcast %add3A_2280 : i32 to vector<16xi32>
      %add3A_2282 = arith.addi %iota3A, %add3A_2281 : vector<16xi32>
      %gather3A_2283 = arith.constant 6 : i32
      %gather3A_2284 = arith.constant 0 : i32
      %gather3A_2285 = arith.constant 0 : i32
      %gather3A_2286 = tpu.memref_slice %arg7[%gather3A_2283, %gather3A_2284, %gather3A_2285] : memref<8x64x128xf32, #tpu.memory_space<vmem>> -> memref<1x64x128xf32, #tpu.memory_space<vmem>>
      %gather3A_2287 = tpu.memref_squeeze %gather3A_2286 : memref<1x64x128xf32, #tpu.memory_space<vmem>> -> memref<64x128xf32, #tpu.memory_space<vmem>>
      %gather3A_2288 = tpu.vector_load_idx %gather3A_2287[%add3A_2282, %broadcast_in_dim3A_2263] : memref<64x128xf32, #tpu.memory_space<vmem>>[vector<16xi32>, vector<16xi32>], vector<16xf32>,
      %mul3A_2289 = arith.constant 64 : i32
      %mul3A_2290 = arith.muli %add3A_2240, %mul3A_2289 : i32
      %add3A_2291 = arith.constant 16 : i32
      %add3A_2292 = arith.addi %mul3A_2290, %add3A_2291 : i32
      %multiple_of3A_2293 = tpu.assume_multiple %add3A_2292, 16 : i32
      %swap3A_2294 = arith.index_cast %multiple_of3A_2293 : i32 to index
      %swap3A_2295 = tpu.vector_load %arg8[%swap3A_2294] {strides = array<i32>} : memref<32768xf32, #tpu.memory_space<vmem>>, vector<16xf32>,
      tpu.vector_store %arg8[%swap3A_2294], %gather3A_2288 {strides = array<i32>} : memref<32768xf32, #tpu.memory_space<vmem>>, vector<16xf32>,
      %add3A_2296 = arith.constant 32 : i32
      %add3A_2297 = vector.broadcast %add3A_2296 : i32 to vector<16xi32>
      %add3A_2298 = arith.addi %iota3A, %add3A_2297 : vector<16xi32>
      %gather3A_2299 = arith.constant 6 : i32
      %gather3A_2300 = arith.constant 0 : i32
      %gather3A_2301 = arith.constant 0 : i32
      %gather3A_2302 = tpu.memref_slice %arg7[%gather3A_2299, %gather3A_2300, %gather3A_2301] : memref<8x64x128xf32, #tpu.memory_space<vmem>> -> memref<1x64x128xf32, #tpu.memory_space<vmem>>
      %gather3A_2303 = tpu.memref_squeeze %gather3A_2302 : memref<1x64x128xf32, #tpu.memory_space<vmem>> -> memref<64x128xf32, #tpu.memory_space<vmem>>
      %gather3A_2304 = tpu.vector_load_idx %gather3A_2303[%add3A_2298, %broadcast_in_dim3A_2263] : memref<64x128xf32, #tpu.memory_space<vmem>>[vector<16xi32>, vector<16xi32>], vector<16xf32>,
      %mul3A_2305 = arith.constant 64 : i32
      %mul3A_2306 = arith.muli %add3A_2240, %mul3A_2305 : i32
      %add3A_2307 = arith.constant 32 : i32
      %add3A_2308 = arith.addi %mul3A_2306, %add3A_2307 : i32
      %multiple_of3A_2309 = tpu.assume_multiple %add3A_2308, 16 : i32
      %swap3A_2310 = arith.index_cast %multiple_of3A_2309 : i32 to index
      %swap3A_2311 = tpu.vector_load %arg8[%swap3A_2310] {strides = array<i32>} : memref<32768xf32, #tpu.memory_space<vmem>>, vector<16xf32>,
      tpu.vector_store %arg8[%swap3A_2310], %gather3A_2304 {strides = array<i32>} : memref<32768xf32, #tpu.memory_space<vmem>>, vector<16xf32>,
      %add3A_2312 = arith.constant 48 : i32
      %add3A_2313 = vector.broadcast %add3A_2312 : i32 to vector<16xi32>
      %add3A_2314 = arith.addi %iota3A, %add3A_2313 : vector<16xi32>
      %gather3A_2315 = arith.constant 6 : i32
      %gather3A_2316 = arith.constant 0 : i32
      %gather3A_2317 = arith.constant 0 : i32
      %gather3A_2318 = tpu.memref_slice %arg7[%gather3A_2315, %gather3A_2316, %gather3A_2317] : memref<8x64x128xf32, #tpu.memory_space<vmem>> -> memref<1x64x128xf32, #tpu.memory_space<vmem>>
      %gather3A_2319 = tpu.memref_squeeze %gather3A_2318 : memref<1x64x128xf32, #tpu.memory_space<vmem>> -> memref<64x128xf32, #tpu.memory_space<vmem>>
      %gather3A_2320 = tpu.vector_load_idx %gather3A_2319[%add3A_2314, %broadcast_in_dim3A_2263] : memref<64x128xf32, #tpu.memory_space<vmem>>[vector<16xi32>, vector<16xi32>], vector<16xf32>,
      %mul3A_2321 = arith.constant 64 : i32
      %mul3A_2322 = arith.muli %add3A_2240, %mul3A_2321 : i32
      %add3A_2323 = arith.constant 48 : i32
      %add3A_2324 = arith.addi %mul3A_2322, %add3A_2323 : i32
      %multiple_of3A_2325 = tpu.assume_multiple %add3A_2324, 16 : i32
      %swap3A_2326 = arith.index_cast %multiple_of3A_2325 : i32 to index
      %swap3A_2327 = tpu.vector_load %arg8[%swap3A_2326] {strides = array<i32>} : memref<32768xf32, #tpu.memory_space<vmem>>, vector<16xf32>,
      tpu.vector_store %arg8[%swap3A_2326], %gather3A_2320 {strides = array<i32>} : memref<32768xf32, #tpu.memory_space<vmem>>, vector<16xf32>,
      %add3A_2328 = arith.constant 8 : i32
      %add3A_2329 = arith.addi %add3A_2240, %add3A_2328 : i32
      %mul3A_2330 = arith.constant 16 : i32
      %mul3A_2331 = arith.muli %add3A_2329, %mul3A_2330 : i32
      %multiple_of3A_2332 = tpu.assume_multiple %mul3A_2331, 16 : i32
      %get3A_2333 = arith.index_cast %multiple_of3A_2332 : i32 to index
      %get3A_2334 = tpu.vector_load %arg6[%get3A_2333] {strides = array<i32>} : memref<8192xi32, #tpu.memory_space<vmem>>, vector<16xi32>,
      %slice3A_2335 = vector.extract_strided_slice %get3A_2334 {offsets = [0], sizes = [1], strides = [1]} : vector<16xi32> to vector<1xi32>
      %squeeze3A_2336 = vector.extract %slice3A_2335[0] : i32 from vector<1xi32>
      %multiple_of3A_2337 = tpu.assume_multiple %squeeze3A_2336, 128 : i32
      %dma_start3A_2338 = arith.constant 6 : i32
      %dma_start3A_2339 = arith.constant 0 : i32
      %dma_start3A_2340 = arith.constant 0 : i32
      %dma_start3A_2341 = tpu.memref_slice %arg7[%dma_start3A_2338, %dma_start3A_2339, %dma_start3A_2340] : memref<8x64x128xf32, #tpu.memory_space<vmem>> -> memref<1x64x128xf32, #tpu.memory_space<vmem>>
      %dma_start3A_2342 = tpu.memref_squeeze %dma_start3A_2341 : memref<1x64x128xf32, #tpu.memory_space<vmem>> -> memref<64x128xf32, #tpu.memory_space<vmem>>
      %dma_start3A_2343 = arith.constant 0 : i32
      %dma_start3A_2344 = tpu.memref_slice %arg3[%dma_start3A_2343, %multiple_of3A_2337] : memref<64x1000000xf32, #tpu.memory_space<hbm>> -> memref<64x128xf32, #tpu.memory_space<hbm>>
      %dma_start3A_2345 = arith.constant 0 : i32
      %dma_start3A_2346 = arith.constant 0 : i32
      %dma_start3A_2347 = tpu.memref_slice %arg7[%dma_start3A_2338, %dma_start3A_2345, %dma_start3A_2346] : memref<8x64x128xf32, #tpu.memory_space<vmem>> -> memref<1x64x128xf32, #tpu.memory_space<vmem>>
      %dma_start3A_2348 = tpu.memref_squeeze %dma_start3A_2347 : memref<1x64x128xf32, #tpu.memory_space<vmem>> -> memref<64x128xf32, #tpu.memory_space<vmem>>
      %dma_start3A_2349 = arith.constant 0 : i32
      %dma_start3A_2350 = tpu.memref_slice %arg3[%dma_start3A_2349, %multiple_of3A_2337] : memref<64x1000000xf32, #tpu.memory_space<hbm>> -> memref<64x128xf32, #tpu.memory_space<hbm>>
      tpu.enqueue_dma source(%dma_start3A_2350 : memref<64x128xf32, #tpu.memory_space<hbm>>) target(%dma_start3A_2348 : memref<64x128xf32, #tpu.memory_space<vmem>>) target_semaphore(%arg15 : memref<!tpu.dma_semaphore, #tpu.memory_space<semaphore_mem>>)
      %mul3A_2351 = arith.constant 8 : i32
      %mul3A_2352 = arith.muli %scan3A_1551, %mul3A_2351 : i32
      %add3A_2353 = arith.constant 7 : i32
      %add3A_2354 = arith.addi %mul3A_2352, %add3A_2353 : i32
      %dma_wait3A_2355 = arith.constant 7 : i32
      %dma_wait3A_2356 = arith.constant 0 : i32
      %dma_wait3A_2357 = arith.constant 0 : i32
      %dma_wait3A_2358 = tpu.memref_slice %arg7[%dma_wait3A_2355, %dma_wait3A_2356, %dma_wait3A_2357] : memref<8x64x128xf32, #tpu.memory_space<vmem>> -> memref<1x64x128xf32, #tpu.memory_space<vmem>>
      %dma_wait3A_2359 = tpu.memref_squeeze %dma_wait3A_2358 : memref<1x64x128xf32, #tpu.memory_space<vmem>> -> memref<64x128xf32, #tpu.memory_space<vmem>>
      %dma_wait3A_2360 = arith.constant 0 : i32
      %dma_wait3A_2361 = arith.constant 0 : i32
      %dma_wait3A_2362 = tpu.memref_slice %arg3[%dma_wait3A_2360, %dma_wait3A_2361] : memref<64x1000000xf32, #tpu.memory_space<hbm>> -> memref<64x128xf32, #tpu.memory_space<hbm>>
      %dma_wait3A_2363 = arith.constant 0 : i32
      %dma_wait3A_2364 = arith.constant 0 : i32
      %dma_wait3A_2365 = tpu.memref_slice %arg7[%dma_wait3A_2355, %dma_wait3A_2363, %dma_wait3A_2364] : memref<8x64x128xf32, #tpu.memory_space<vmem>> -> memref<1x64x128xf32, #tpu.memory_space<vmem>>
      %dma_wait3A_2366 = tpu.memref_squeeze %dma_wait3A_2365 : memref<1x64x128xf32, #tpu.memory_space<vmem>> -> memref<64x128xf32, #tpu.memory_space<vmem>>
      %dma_wait3A_2367 = arith.constant 0 : i32
      %dma_wait3A_2368 = arith.constant 0 : i32
      %dma_wait3A_2369 = tpu.memref_slice %arg3[%dma_wait3A_2367, %dma_wait3A_2368] : memref<64x1000000xf32, #tpu.memory_space<hbm>> -> memref<64x128xf32, #tpu.memory_space<hbm>>
      tpu.wait_dma2 semaphore(%arg16 : memref<!tpu.dma_semaphore, #tpu.memory_space<semaphore_mem>>) src(%dma_wait3A_2369 : memref<64x128xf32, #tpu.memory_space<hbm>>) dst(%dma_wait3A_2366 : memref<64x128xf32, #tpu.memory_space<vmem>>)
      %mul3A_2370 = arith.constant 16 : i32
      %mul3A_2371 = arith.muli %add3A_2354, %mul3A_2370 : i32
      %multiple_of3A_2372 = tpu.assume_multiple %mul3A_2371, 16 : i32
      %get3A_2373 = arith.index_cast %multiple_of3A_2372 : i32 to index
      %get3A_2374 = tpu.vector_load %arg6[%get3A_2373] {strides = array<i32>} : memref<8192xi32, #tpu.memory_space<vmem>>, vector<16xi32>,
      %slice3A_2375 = vector.extract_strided_slice %get3A_2374 {offsets = [1], sizes = [1], strides = [1]} : vector<16xi32> to vector<1xi32>
      %squeeze3A_2376 = vector.extract %slice3A_2375[0] : i32 from vector<1xi32>
      %broadcast_in_dim3A_2377 = vector.broadcast %squeeze3A_2376 : i32 to vector<16xi32>
      %add3A_2378 = arith.constant 0 : i32
      %add3A_2379 = vector.broadcast %add3A_2378 : i32 to vector<16xi32>
      %add3A_2380 = arith.addi %iota3A, %add3A_2379 : vector<16xi32>
      %gather3A_2381 = arith.constant 7 : i32
      %gather3A_2382 = arith.constant 0 : i32
      %gather3A_2383 = arith.constant 0 : i32
      %gather3A_2384 = tpu.memref_slice %arg7[%gather3A_2381, %gather3A_2382, %gather3A_2383] : memref<8x64x128xf32, #tpu.memory_space<vmem>> -> memref<1x64x128xf32, #tpu.memory_space<vmem>>
      %gather3A_2385 = tpu.memref_squeeze %gather3A_2384 : memref<1x64x128xf32, #tpu.memory_space<vmem>> -> memref<64x128xf32, #tpu.memory_space<vmem>>
      %gather3A_2386 = tpu.vector_load_idx %gather3A_2385[%add3A_2380, %broadcast_in_dim3A_2377] : memref<64x128xf32, #tpu.memory_space<vmem>>[vector<16xi32>, vector<16xi32>], vector<16xf32>,
      %mul3A_2387 = arith.constant 64 : i32
      %mul3A_2388 = arith.muli %add3A_2354, %mul3A_2387 : i32
      %add3A_2389 = arith.constant 0 : i32
      %add3A_2390 = arith.addi %mul3A_2388, %add3A_2389 : i32
      %multiple_of3A_2391 = tpu.assume_multiple %add3A_2390, 16 : i32
      %swap3A_2392 = arith.index_cast %multiple_of3A_2391 : i32 to index
      %swap3A_2393 = tpu.vector_load %arg8[%swap3A_2392] {strides = array<i32>} : memref<32768xf32, #tpu.memory_space<vmem>>, vector<16xf32>,
      tpu.vector_store %arg8[%swap3A_2392], %gather3A_2386 {strides = array<i32>} : memref<32768xf32, #tpu.memory_space<vmem>>, vector<16xf32>,
      %add3A_2394 = arith.constant 16 : i32
      %add3A_2395 = vector.broadcast %add3A_2394 : i32 to vector<16xi32>
      %add3A_2396 = arith.addi %iota3A, %add3A_2395 : vector<16xi32>
      %gather3A_2397 = arith.constant 7 : i32
      %gather3A_2398 = arith.constant 0 : i32
      %gather3A_2399 = arith.constant 0 : i32
      %gather3A_2400 = tpu.memref_slice %arg7[%gather3A_2397, %gather3A_2398, %gather3A_2399] : memref<8x64x128xf32, #tpu.memory_space<vmem>> -> memref<1x64x128xf32, #tpu.memory_space<vmem>>
      %gather3A_2401 = tpu.memref_squeeze %gather3A_2400 : memref<1x64x128xf32, #tpu.memory_space<vmem>> -> memref<64x128xf32, #tpu.memory_space<vmem>>
      %gather3A_2402 = tpu.vector_load_idx %gather3A_2401[%add3A_2396, %broadcast_in_dim3A_2377] : memref<64x128xf32, #tpu.memory_space<vmem>>[vector<16xi32>, vector<16xi32>], vector<16xf32>,
      %mul3A_2403 = arith.constant 64 : i32
      %mul3A_2404 = arith.muli %add3A_2354, %mul3A_2403 : i32
      %add3A_2405 = arith.constant 16 : i32
      %add3A_2406 = arith.addi %mul3A_2404, %add3A_2405 : i32
      %multiple_of3A_2407 = tpu.assume_multiple %add3A_2406, 16 : i32
      %swap3A_2408 = arith.index_cast %multiple_of3A_2407 : i32 to index
      %swap3A_2409 = tpu.vector_load %arg8[%swap3A_2408] {strides = array<i32>} : memref<32768xf32, #tpu.memory_space<vmem>>, vector<16xf32>,
      tpu.vector_store %arg8[%swap3A_2408], %gather3A_2402 {strides = array<i32>} : memref<32768xf32, #tpu.memory_space<vmem>>, vector<16xf32>,
      %add3A_2410 = arith.constant 32 : i32
      %add3A_2411 = vector.broadcast %add3A_2410 : i32 to vector<16xi32>
      %add3A_2412 = arith.addi %iota3A, %add3A_2411 : vector<16xi32>
      %gather3A_2413 = arith.constant 7 : i32
      %gather3A_2414 = arith.constant 0 : i32
      %gather3A_2415 = arith.constant 0 : i32
      %gather3A_2416 = tpu.memref_slice %arg7[%gather3A_2413, %gather3A_2414, %gather3A_2415] : memref<8x64x128xf32, #tpu.memory_space<vmem>> -> memref<1x64x128xf32, #tpu.memory_space<vmem>>
      %gather3A_2417 = tpu.memref_squeeze %gather3A_2416 : memref<1x64x128xf32, #tpu.memory_space<vmem>> -> memref<64x128xf32, #tpu.memory_space<vmem>>
      %gather3A_2418 = tpu.vector_load_idx %gather3A_2417[%add3A_2412, %broadcast_in_dim3A_2377] : memref<64x128xf32, #tpu.memory_space<vmem>>[vector<16xi32>, vector<16xi32>], vector<16xf32>,
      %mul3A_2419 = arith.constant 64 : i32
      %mul3A_2420 = arith.muli %add3A_2354, %mul3A_2419 : i32
      %add3A_2421 = arith.constant 32 : i32
      %add3A_2422 = arith.addi %mul3A_2420, %add3A_2421 : i32
      %multiple_of3A_2423 = tpu.assume_multiple %add3A_2422, 16 : i32
      %swap3A_2424 = arith.index_cast %multiple_of3A_2423 : i32 to index
      %swap3A_2425 = tpu.vector_load %arg8[%swap3A_2424] {strides = array<i32>} : memref<32768xf32, #tpu.memory_space<vmem>>, vector<16xf32>,
      tpu.vector_store %arg8[%swap3A_2424], %gather3A_2418 {strides = array<i32>} : memref<32768xf32, #tpu.memory_space<vmem>>, vector<16xf32>,
      %add3A_2426 = arith.constant 48 : i32
      %add3A_2427 = vector.broadcast %add3A_2426 : i32 to vector<16xi32>
      %add3A_2428 = arith.addi %iota3A, %add3A_2427 : vector<16xi32>
      %gather3A_2429 = arith.constant 7 : i32
      %gather3A_2430 = arith.constant 0 : i32
      %gather3A_2431 = arith.constant 0 : i32
      %gather3A_2432 = tpu.memref_slice %arg7[%gather3A_2429, %gather3A_2430, %gather3A_2431] : memref<8x64x128xf32, #tpu.memory_space<vmem>> -> memref<1x64x128xf32, #tpu.memory_space<vmem>>
      %gather3A_2433 = tpu.memref_squeeze %gather3A_2432 : memref<1x64x128xf32, #tpu.memory_space<vmem>> -> memref<64x128xf32, #tpu.memory_space<vmem>>
      %gather3A_2434 = tpu.vector_load_idx %gather3A_2433[%add3A_2428, %broadcast_in_dim3A_2377] : memref<64x128xf32, #tpu.memory_space<vmem>>[vector<16xi32>, vector<16xi32>], vector<16xf32>,
      %mul3A_2435 = arith.constant 64 : i32
      %mul3A_2436 = arith.muli %add3A_2354, %mul3A_2435 : i32
      %add3A_2437 = arith.constant 48 : i32
      %add3A_2438 = arith.addi %mul3A_2436, %add3A_2437 : i32
      %multiple_of3A_2439 = tpu.assume_multiple %add3A_2438, 16 : i32
      %swap3A_2440 = arith.index_cast %multiple_of3A_2439 : i32 to index
      %swap3A_2441 = tpu.vector_load %arg8[%swap3A_2440] {strides = array<i32>} : memref<32768xf32, #tpu.memory_space<vmem>>, vector<16xf32>,
      tpu.vector_store %arg8[%swap3A_2440], %gather3A_2434 {strides = array<i32>} : memref<32768xf32, #tpu.memory_space<vmem>>, vector<16xf32>,
      %add3A_2442 = arith.constant 8 : i32
      %add3A_2443 = arith.addi %add3A_2354, %add3A_2442 : i32
      %mul3A_2444 = arith.constant 16 : i32
      %mul3A_2445 = arith.muli %add3A_2443, %mul3A_2444 : i32
      %multiple_of3A_2446 = tpu.assume_multiple %mul3A_2445, 16 : i32
      %get3A_2447 = arith.index_cast %multiple_of3A_2446 : i32 to index
      %get3A_2448 = tpu.vector_load %arg6[%get3A_2447] {strides = array<i32>} : memref<8192xi32, #tpu.memory_space<vmem>>, vector<16xi32>,
      %slice3A_2449 = vector.extract_strided_slice %get3A_2448 {offsets = [0], sizes = [1], strides = [1]} : vector<16xi32> to vector<1xi32>
      %squeeze3A_2450 = vector.extract %slice3A_2449[0] : i32 from vector<1xi32>
      %multiple_of3A_2451 = tpu.assume_multiple %squeeze3A_2450, 128 : i32
      %dma_start3A_2452 = arith.constant 7 : i32
      %dma_start3A_2453 = arith.constant 0 : i32
      %dma_start3A_2454 = arith.constant 0 : i32
      %dma_start3A_2455 = tpu.memref_slice %arg7[%dma_start3A_2452, %dma_start3A_2453, %dma_start3A_2454] : memref<8x64x128xf32, #tpu.memory_space<vmem>> -> memref<1x64x128xf32, #tpu.memory_space<vmem>>
      %dma_start3A_2456 = tpu.memref_squeeze %dma_start3A_2455 : memref<1x64x128xf32, #tpu.memory_space<vmem>> -> memref<64x128xf32, #tpu.memory_space<vmem>>
      %dma_start3A_2457 = arith.constant 0 : i32
      %dma_start3A_2458 = tpu.memref_slice %arg3[%dma_start3A_2457, %multiple_of3A_2451] : memref<64x1000000xf32, #tpu.memory_space<hbm>> -> memref<64x128xf32, #tpu.memory_space<hbm>>
      %dma_start3A_2459 = arith.constant 0 : i32
      %dma_start3A_2460 = arith.constant 0 : i32
      %dma_start3A_2461 = tpu.memref_slice %arg7[%dma_start3A_2452, %dma_start3A_2459, %dma_start3A_2460] : memref<8x64x128xf32, #tpu.memory_space<vmem>> -> memref<1x64x128xf32, #tpu.memory_space<vmem>>
      %dma_start3A_2462 = tpu.memref_squeeze %dma_start3A_2461 : memref<1x64x128xf32, #tpu.memory_space<vmem>> -> memref<64x128xf32, #tpu.memory_space<vmem>>
      %dma_start3A_2463 = arith.constant 0 : i32
      %dma_start3A_2464 = tpu.memref_slice %arg3[%dma_start3A_2463, %multiple_of3A_2451] : memref<64x1000000xf32, #tpu.memory_space<hbm>> -> memref<64x128xf32, #tpu.memory_space<hbm>>
      tpu.enqueue_dma source(%dma_start3A_2464 : memref<64x128xf32, #tpu.memory_space<hbm>>) target(%dma_start3A_2462 : memref<64x128xf32, #tpu.memory_space<vmem>>) target_semaphore(%arg16 : memref<!tpu.dma_semaphore, #tpu.memory_space<semaphore_mem>>)
      %scan3A_2465 = arith.constant 0 : i32
      scf.yield %scan3A_2465 : i32
    }
    %scan3A_816 = arith.constant 63 : i32
    %dma_wait3A = arith.constant 0 : i32
    %dma_wait3A_817 = arith.constant 0 : i32
    %dma_wait3A_818 = arith.constant 0 : i32
    %dma_wait3A_819 = tpu.memref_slice %arg7[%dma_wait3A, %dma_wait3A_817, %dma_wait3A_818] : memref<8x64x128xf32, #tpu.memory_space<vmem>> -> memref<1x64x128xf32, #tpu.memory_space<vmem>>
    %dma_wait3A_820 = tpu.memref_squeeze %dma_wait3A_819 : memref<1x64x128xf32, #tpu.memory_space<vmem>> -> memref<64x128xf32, #tpu.memory_space<vmem>>
    %dma_wait3A_821 = arith.constant 0 : i32
    %dma_wait3A_822 = arith.constant 0 : i32
    %dma_wait3A_823 = tpu.memref_slice %arg3[%dma_wait3A_821, %dma_wait3A_822] : memref<64x1000000xf32, #tpu.memory_space<hbm>> -> memref<64x128xf32, #tpu.memory_space<hbm>>
    %dma_wait3A_824 = arith.constant 0 : i32
    %dma_wait3A_825 = arith.constant 0 : i32
    %dma_wait3A_826 = tpu.memref_slice %arg7[%dma_wait3A, %dma_wait3A_824, %dma_wait3A_825] : memref<8x64x128xf32, #tpu.memory_space<vmem>> -> memref<1x64x128xf32, #tpu.memory_space<vmem>>
    %dma_wait3A_827 = tpu.memref_squeeze %dma_wait3A_826 : memref<1x64x128xf32, #tpu.memory_space<vmem>> -> memref<64x128xf32, #tpu.memory_space<vmem>>
    %dma_wait3A_828 = arith.constant 0 : i32
    %dma_wait3A_829 = arith.constant 0 : i32
    %dma_wait3A_830 = tpu.memref_slice %arg3[%dma_wait3A_828, %dma_wait3A_829] : memref<64x1000000xf32, #tpu.memory_space<hbm>> -> memref<64x128xf32, #tpu.memory_space<hbm>>
    tpu.wait_dma2 semaphore(%arg9 : memref<!tpu.dma_semaphore, #tpu.memory_space<semaphore_mem>>) src(%dma_wait3A_830 : memref<64x128xf32, #tpu.memory_space<hbm>>) dst(%dma_wait3A_827 : memref<64x128xf32, #tpu.memory_space<vmem>>)
    %mul3A_831 = arith.constant 504 : i32
    %mul3A_832 = arith.constant 16 : i32
    %mul3A_833 = arith.muli %mul3A_831, %mul3A_832 : i32
    %multiple_of3A_834 = tpu.assume_multiple %mul3A_833, 16 : i32
    %get3A_835 = arith.index_cast %multiple_of3A_834 : i32 to index
    %get3A_836 = tpu.vector_load %arg6[%get3A_835] {strides = array<i32>} : memref<8192xi32, #tpu.memory_space<vmem>>, vector<16xi32>,
    %slice3A_837 = vector.extract_strided_slice %get3A_836 {offsets = [1], sizes = [1], strides = [1]} : vector<16xi32> to vector<1xi32>
    %squeeze3A_838 = vector.extract %slice3A_837[0] : i32 from vector<1xi32>
    %broadcast_in_dim3A = vector.broadcast %squeeze3A_838 : i32 to vector<16xi32>
    %add3A_839 = arith.constant 0 : i32
    %add3A_840 = vector.broadcast %add3A_839 : i32 to vector<16xi32>
    %add3A_841 = arith.addi %iota3A, %add3A_840 : vector<16xi32>
    %gather3A = arith.constant 0 : i32
    %gather3A_842 = arith.constant 0 : i32
    %gather3A_843 = arith.constant 0 : i32
    %gather3A_844 = tpu.memref_slice %arg7[%gather3A, %gather3A_842, %gather3A_843] : memref<8x64x128xf32, #tpu.memory_space<vmem>> -> memref<1x64x128xf32, #tpu.memory_space<vmem>>
    %gather3A_845 = tpu.memref_squeeze %gather3A_844 : memref<1x64x128xf32, #tpu.memory_space<vmem>> -> memref<64x128xf32, #tpu.memory_space<vmem>>
    %gather3A_846 = tpu.vector_load_idx %gather3A_845[%add3A_841, %broadcast_in_dim3A] : memref<64x128xf32, #tpu.memory_space<vmem>>[vector<16xi32>, vector<16xi32>], vector<16xf32>,
    %mul3A_847 = arith.constant 504 : i32
    %mul3A_848 = arith.constant 64 : i32
    %mul3A_849 = arith.muli %mul3A_847, %mul3A_848 : i32
    %add3A_850 = arith.constant 0 : i32
    %add3A_851 = arith.addi %mul3A_849, %add3A_850 : i32
    %multiple_of3A_852 = tpu.assume_multiple %add3A_851, 16 : i32
    %swap3A = arith.index_cast %multiple_of3A_852 : i32 to index
    %swap3A_853 = tpu.vector_load %arg8[%swap3A] {strides = array<i32>} : memref<32768xf32, #tpu.memory_space<vmem>>, vector<16xf32>,
    tpu.vector_store %arg8[%swap3A], %gather3A_846 {strides = array<i32>} : memref<32768xf32, #tpu.memory_space<vmem>>, vector<16xf32>,
    %add3A_854 = arith.constant 16 : i32
    %add3A_855 = vector.broadcast %add3A_854 : i32 to vector<16xi32>
    %add3A_856 = arith.addi %iota3A, %add3A_855 : vector<16xi32>
    %gather3A_857 = arith.constant 0 : i32
    %gather3A_858 = arith.constant 0 : i32
    %gather3A_859 = arith.constant 0 : i32
    %gather3A_860 = tpu.memref_slice %arg7[%gather3A_857, %gather3A_858, %gather3A_859] : memref<8x64x128xf32, #tpu.memory_space<vmem>> -> memref<1x64x128xf32, #tpu.memory_space<vmem>>
    %gather3A_861 = tpu.memref_squeeze %gather3A_860 : memref<1x64x128xf32, #tpu.memory_space<vmem>> -> memref<64x128xf32, #tpu.memory_space<vmem>>
    %gather3A_862 = tpu.vector_load_idx %gather3A_861[%add3A_856, %broadcast_in_dim3A] : memref<64x128xf32, #tpu.memory_space<vmem>>[vector<16xi32>, vector<16xi32>], vector<16xf32>,
    %mul3A_863 = arith.constant 504 : i32
    %mul3A_864 = arith.constant 64 : i32
    %mul3A_865 = arith.muli %mul3A_863, %mul3A_864 : i32
    %add3A_866 = arith.constant 16 : i32
    %add3A_867 = arith.addi %mul3A_865, %add3A_866 : i32
    %multiple_of3A_868 = tpu.assume_multiple %add3A_867, 16 : i32
    %swap3A_869 = arith.index_cast %multiple_of3A_868 : i32 to index
    %swap3A_870 = tpu.vector_load %arg8[%swap3A_869] {strides = array<i32>} : memref<32768xf32, #tpu.memory_space<vmem>>, vector<16xf32>,
    tpu.vector_store %arg8[%swap3A_869], %gather3A_862 {strides = array<i32>} : memref<32768xf32, #tpu.memory_space<vmem>>, vector<16xf32>,
    %add3A_871 = arith.constant 32 : i32
    %add3A_872 = vector.broadcast %add3A_871 : i32 to vector<16xi32>
    %add3A_873 = arith.addi %iota3A, %add3A_872 : vector<16xi32>
    %gather3A_874 = arith.constant 0 : i32
    %gather3A_875 = arith.constant 0 : i32
    %gather3A_876 = arith.constant 0 : i32
    %gather3A_877 = tpu.memref_slice %arg7[%gather3A_874, %gather3A_875, %gather3A_876] : memref<8x64x128xf32, #tpu.memory_space<vmem>> -> memref<1x64x128xf32, #tpu.memory_space<vmem>>
    %gather3A_878 = tpu.memref_squeeze %gather3A_877 : memref<1x64x128xf32, #tpu.memory_space<vmem>> -> memref<64x128xf32, #tpu.memory_space<vmem>>
    %gather3A_879 = tpu.vector_load_idx %gather3A_878[%add3A_873, %broadcast_in_dim3A] : memref<64x128xf32, #tpu.memory_space<vmem>>[vector<16xi32>, vector<16xi32>], vector<16xf32>,
    %mul3A_880 = arith.constant 504 : i32
    %mul3A_881 = arith.constant 64 : i32
    %mul3A_882 = arith.muli %mul3A_880, %mul3A_881 : i32
    %add3A_883 = arith.constant 32 : i32
    %add3A_884 = arith.addi %mul3A_882, %add3A_883 : i32
    %multiple_of3A_885 = tpu.assume_multiple %add3A_884, 16 : i32
    %swap3A_886 = arith.index_cast %multiple_of3A_885 : i32 to index
    %swap3A_887 = tpu.vector_load %arg8[%swap3A_886] {strides = array<i32>} : memref<32768xf32, #tpu.memory_space<vmem>>, vector<16xf32>,
    tpu.vector_store %arg8[%swap3A_886], %gather3A_879 {strides = array<i32>} : memref<32768xf32, #tpu.memory_space<vmem>>, vector<16xf32>,
    %add3A_888 = arith.constant 48 : i32
    %add3A_889 = vector.broadcast %add3A_888 : i32 to vector<16xi32>
    %add3A_890 = arith.addi %iota3A, %add3A_889 : vector<16xi32>
    %gather3A_891 = arith.constant 0 : i32
    %gather3A_892 = arith.constant 0 : i32
    %gather3A_893 = arith.constant 0 : i32
    %gather3A_894 = tpu.memref_slice %arg7[%gather3A_891, %gather3A_892, %gather3A_893] : memref<8x64x128xf32, #tpu.memory_space<vmem>> -> memref<1x64x128xf32, #tpu.memory_space<vmem>>
    %gather3A_895 = tpu.memref_squeeze %gather3A_894 : memref<1x64x128xf32, #tpu.memory_space<vmem>> -> memref<64x128xf32, #tpu.memory_space<vmem>>
    %gather3A_896 = tpu.vector_load_idx %gather3A_895[%add3A_890, %broadcast_in_dim3A] : memref<64x128xf32, #tpu.memory_space<vmem>>[vector<16xi32>, vector<16xi32>], vector<16xf32>,
    %mul3A_897 = arith.constant 504 : i32
    %mul3A_898 = arith.constant 64 : i32
    %mul3A_899 = arith.muli %mul3A_897, %mul3A_898 : i32
    %add3A_900 = arith.constant 48 : i32
    %add3A_901 = arith.addi %mul3A_899, %add3A_900 : i32
    %multiple_of3A_902 = tpu.assume_multiple %add3A_901, 16 : i32
    %swap3A_903 = arith.index_cast %multiple_of3A_902 : i32 to index
    %swap3A_904 = tpu.vector_load %arg8[%swap3A_903] {strides = array<i32>} : memref<32768xf32, #tpu.memory_space<vmem>>, vector<16xf32>,
    tpu.vector_store %arg8[%swap3A_903], %gather3A_896 {strides = array<i32>} : memref<32768xf32, #tpu.memory_space<vmem>>, vector<16xf32>,
    %dma_wait3A_905 = arith.constant 1 : i32
    %dma_wait3A_906 = arith.constant 0 : i32
    %dma_wait3A_907 = arith.constant 0 : i32
    %dma_wait3A_908 = tpu.memref_slice %arg7[%dma_wait3A_905, %dma_wait3A_906, %dma_wait3A_907] : memref<8x64x128xf32, #tpu.memory_space<vmem>> -> memref<1x64x128xf32, #tpu.memory_space<vmem>>
    %dma_wait3A_909 = tpu.memref_squeeze %dma_wait3A_908 : memref<1x64x128xf32, #tpu.memory_space<vmem>> -> memref<64x128xf32, #tpu.memory_space<vmem>>
    %dma_wait3A_910 = arith.constant 0 : i32
    %dma_wait3A_911 = arith.constant 0 : i32
    %dma_wait3A_912 = tpu.memref_slice %arg3[%dma_wait3A_910, %dma_wait3A_911] : memref<64x1000000xf32, #tpu.memory_space<hbm>> -> memref<64x128xf32, #tpu.memory_space<hbm>>
    %dma_wait3A_913 = arith.constant 0 : i32
    %dma_wait3A_914 = arith.constant 0 : i32
    %dma_wait3A_915 = tpu.memref_slice %arg7[%dma_wait3A_905, %dma_wait3A_913, %dma_wait3A_914] : memref<8x64x128xf32, #tpu.memory_space<vmem>> -> memref<1x64x128xf32, #tpu.memory_space<vmem>>
    %dma_wait3A_916 = tpu.memref_squeeze %dma_wait3A_915 : memref<1x64x128xf32, #tpu.memory_space<vmem>> -> memref<64x128xf32, #tpu.memory_space<vmem>>
    %dma_wait3A_917 = arith.constant 0 : i32
    %dma_wait3A_918 = arith.constant 0 : i32
    %dma_wait3A_919 = tpu.memref_slice %arg3[%dma_wait3A_917, %dma_wait3A_918] : memref<64x1000000xf32, #tpu.memory_space<hbm>> -> memref<64x128xf32, #tpu.memory_space<hbm>>
    tpu.wait_dma2 semaphore(%arg10 : memref<!tpu.dma_semaphore, #tpu.memory_space<semaphore_mem>>) src(%dma_wait3A_919 : memref<64x128xf32, #tpu.memory_space<hbm>>) dst(%dma_wait3A_916 : memref<64x128xf32, #tpu.memory_space<vmem>>)
    %mul3A_920 = arith.constant 505 : i32
    %mul3A_921 = arith.constant 16 : i32
    %mul3A_922 = arith.muli %mul3A_920, %mul3A_921 : i32
    %multiple_of3A_923 = tpu.assume_multiple %mul3A_922, 16 : i32
    %get3A_924 = arith.index_cast %multiple_of3A_923 : i32 to index
    %get3A_925 = tpu.vector_load %arg6[%get3A_924] {strides = array<i32>} : memref<8192xi32, #tpu.memory_space<vmem>>, vector<16xi32>,
    %slice3A_926 = vector.extract_strided_slice %get3A_925 {offsets = [1], sizes = [1], strides = [1]} : vector<16xi32> to vector<1xi32>
    %squeeze3A_927 = vector.extract %slice3A_926[0] : i32 from vector<1xi32>
    %broadcast_in_dim3A_928 = vector.broadcast %squeeze3A_927 : i32 to vector<16xi32>
    %add3A_929 = arith.constant 0 : i32
    %add3A_930 = vector.broadcast %add3A_929 : i32 to vector<16xi32>
    %add3A_931 = arith.addi %iota3A, %add3A_930 : vector<16xi32>
    %gather3A_932 = arith.constant 1 : i32
    %gather3A_933 = arith.constant 0 : i32
    %gather3A_934 = arith.constant 0 : i32
    %gather3A_935 = tpu.memref_slice %arg7[%gather3A_932, %gather3A_933, %gather3A_934] : memref<8x64x128xf32, #tpu.memory_space<vmem>> -> memref<1x64x128xf32, #tpu.memory_space<vmem>>
    %gather3A_936 = tpu.memref_squeeze %gather3A_935 : memref<1x64x128xf32, #tpu.memory_space<vmem>> -> memref<64x128xf32, #tpu.memory_space<vmem>>
    %gather3A_937 = tpu.vector_load_idx %gather3A_936[%add3A_931, %broadcast_in_dim3A_928] : memref<64x128xf32, #tpu.memory_space<vmem>>[vector<16xi32>, vector<16xi32>], vector<16xf32>,
    %mul3A_938 = arith.constant 505 : i32
    %mul3A_939 = arith.constant 64 : i32
    %mul3A_940 = arith.muli %mul3A_938, %mul3A_939 : i32
    %add3A_941 = arith.constant 0 : i32
    %add3A_942 = arith.addi %mul3A_940, %add3A_941 : i32
    %multiple_of3A_943 = tpu.assume_multiple %add3A_942, 16 : i32
    %swap3A_944 = arith.index_cast %multiple_of3A_943 : i32 to index
    %swap3A_945 = tpu.vector_load %arg8[%swap3A_944] {strides = array<i32>} : memref<32768xf32, #tpu.memory_space<vmem>>, vector<16xf32>,
    tpu.vector_store %arg8[%swap3A_944], %gather3A_937 {strides = array<i32>} : memref<32768xf32, #tpu.memory_space<vmem>>, vector<16xf32>,
    %add3A_946 = arith.constant 16 : i32
    %add3A_947 = vector.broadcast %add3A_946 : i32 to vector<16xi32>
    %add3A_948 = arith.addi %iota3A, %add3A_947 : vector<16xi32>
    %gather3A_949 = arith.constant 1 : i32
    %gather3A_950 = arith.constant 0 : i32
    %gather3A_951 = arith.constant 0 : i32
    %gather3A_952 = tpu.memref_slice %arg7[%gather3A_949, %gather3A_950, %gather3A_951] : memref<8x64x128xf32, #tpu.memory_space<vmem>> -> memref<1x64x128xf32, #tpu.memory_space<vmem>>
    %gather3A_953 = tpu.memref_squeeze %gather3A_952 : memref<1x64x128xf32, #tpu.memory_space<vmem>> -> memref<64x128xf32, #tpu.memory_space<vmem>>
    %gather3A_954 = tpu.vector_load_idx %gather3A_953[%add3A_948, %broadcast_in_dim3A_928] : memref<64x128xf32, #tpu.memory_space<vmem>>[vector<16xi32>, vector<16xi32>], vector<16xf32>,
    %mul3A_955 = arith.constant 505 : i32
    %mul3A_956 = arith.constant 64 : i32
    %mul3A_957 = arith.muli %mul3A_955, %mul3A_956 : i32
    %add3A_958 = arith.constant 16 : i32
    %add3A_959 = arith.addi %mul3A_957, %add3A_958 : i32
    %multiple_of3A_960 = tpu.assume_multiple %add3A_959, 16 : i32
    %swap3A_961 = arith.index_cast %multiple_of3A_960 : i32 to index
    %swap3A_962 = tpu.vector_load %arg8[%swap3A_961] {strides = array<i32>} : memref<32768xf32, #tpu.memory_space<vmem>>, vector<16xf32>,
    tpu.vector_store %arg8[%swap3A_961], %gather3A_954 {strides = array<i32>} : memref<32768xf32, #tpu.memory_space<vmem>>, vector<16xf32>,
    %add3A_963 = arith.constant 32 : i32
    %add3A_964 = vector.broadcast %add3A_963 : i32 to vector<16xi32>
    %add3A_965 = arith.addi %iota3A, %add3A_964 : vector<16xi32>
    %gather3A_966 = arith.constant 1 : i32
    %gather3A_967 = arith.constant 0 : i32
    %gather3A_968 = arith.constant 0 : i32
    %gather3A_969 = tpu.memref_slice %arg7[%gather3A_966, %gather3A_967, %gather3A_968] : memref<8x64x128xf32, #tpu.memory_space<vmem>> -> memref<1x64x128xf32, #tpu.memory_space<vmem>>
    %gather3A_970 = tpu.memref_squeeze %gather3A_969 : memref<1x64x128xf32, #tpu.memory_space<vmem>> -> memref<64x128xf32, #tpu.memory_space<vmem>>
    %gather3A_971 = tpu.vector_load_idx %gather3A_970[%add3A_965, %broadcast_in_dim3A_928] : memref<64x128xf32, #tpu.memory_space<vmem>>[vector<16xi32>, vector<16xi32>], vector<16xf32>,
    %mul3A_972 = arith.constant 505 : i32
    %mul3A_973 = arith.constant 64 : i32
    %mul3A_974 = arith.muli %mul3A_972, %mul3A_973 : i32
    %add3A_975 = arith.constant 32 : i32
    %add3A_976 = arith.addi %mul3A_974, %add3A_975 : i32
    %multiple_of3A_977 = tpu.assume_multiple %add3A_976, 16 : i32
    %swap3A_978 = arith.index_cast %multiple_of3A_977 : i32 to index
    %swap3A_979 = tpu.vector_load %arg8[%swap3A_978] {strides = array<i32>} : memref<32768xf32, #tpu.memory_space<vmem>>, vector<16xf32>,
    tpu.vector_store %arg8[%swap3A_978], %gather3A_971 {strides = array<i32>} : memref<32768xf32, #tpu.memory_space<vmem>>, vector<16xf32>,
    %add3A_980 = arith.constant 48 : i32
    %add3A_981 = vector.broadcast %add3A_980 : i32 to vector<16xi32>
    %add3A_982 = arith.addi %iota3A, %add3A_981 : vector<16xi32>
    %gather3A_983 = arith.constant 1 : i32
    %gather3A_984 = arith.constant 0 : i32
    %gather3A_985 = arith.constant 0 : i32
    %gather3A_986 = tpu.memref_slice %arg7[%gather3A_983, %gather3A_984, %gather3A_985] : memref<8x64x128xf32, #tpu.memory_space<vmem>> -> memref<1x64x128xf32, #tpu.memory_space<vmem>>
    %gather3A_987 = tpu.memref_squeeze %gather3A_986 : memref<1x64x128xf32, #tpu.memory_space<vmem>> -> memref<64x128xf32, #tpu.memory_space<vmem>>
    %gather3A_988 = tpu.vector_load_idx %gather3A_987[%add3A_982, %broadcast_in_dim3A_928] : memref<64x128xf32, #tpu.memory_space<vmem>>[vector<16xi32>, vector<16xi32>], vector<16xf32>,
    %mul3A_989 = arith.constant 505 : i32
    %mul3A_990 = arith.constant 64 : i32
    %mul3A_991 = arith.muli %mul3A_989, %mul3A_990 : i32
    %add3A_992 = arith.constant 48 : i32
    %add3A_993 = arith.addi %mul3A_991, %add3A_992 : i32
    %multiple_of3A_994 = tpu.assume_multiple %add3A_993, 16 : i32
    %swap3A_995 = arith.index_cast %multiple_of3A_994 : i32 to index
    %swap3A_996 = tpu.vector_load %arg8[%swap3A_995] {strides = array<i32>} : memref<32768xf32, #tpu.memory_space<vmem>>, vector<16xf32>,
    tpu.vector_store %arg8[%swap3A_995], %gather3A_988 {strides = array<i32>} : memref<32768xf32, #tpu.memory_space<vmem>>, vector<16xf32>,
    %dma_wait3A_997 = arith.constant 2 : i32
    %dma_wait3A_998 = arith.constant 0 : i32
    %dma_wait3A_999 = arith.constant 0 : i32
    %dma_wait3A_1000 = tpu.memref_slice %arg7[%dma_wait3A_997, %dma_wait3A_998, %dma_wait3A_999] : memref<8x64x128xf32, #tpu.memory_space<vmem>> -> memref<1x64x128xf32, #tpu.memory_space<vmem>>
    %dma_wait3A_1001 = tpu.memref_squeeze %dma_wait3A_1000 : memref<1x64x128xf32, #tpu.memory_space<vmem>> -> memref<64x128xf32, #tpu.memory_space<vmem>>
    %dma_wait3A_1002 = arith.constant 0 : i32
    %dma_wait3A_1003 = arith.constant 0 : i32
    %dma_wait3A_1004 = tpu.memref_slice %arg3[%dma_wait3A_1002, %dma_wait3A_1003] : memref<64x1000000xf32, #tpu.memory_space<hbm>> -> memref<64x128xf32, #tpu.memory_space<hbm>>
    %dma_wait3A_1005 = arith.constant 0 : i32
    %dma_wait3A_1006 = arith.constant 0 : i32
    %dma_wait3A_1007 = tpu.memref_slice %arg7[%dma_wait3A_997, %dma_wait3A_1005, %dma_wait3A_1006] : memref<8x64x128xf32, #tpu.memory_space<vmem>> -> memref<1x64x128xf32, #tpu.memory_space<vmem>>
    %dma_wait3A_1008 = tpu.memref_squeeze %dma_wait3A_1007 : memref<1x64x128xf32, #tpu.memory_space<vmem>> -> memref<64x128xf32, #tpu.memory_space<vmem>>
    %dma_wait3A_1009 = arith.constant 0 : i32
    %dma_wait3A_1010 = arith.constant 0 : i32
    %dma_wait3A_1011 = tpu.memref_slice %arg3[%dma_wait3A_1009, %dma_wait3A_1010] : memref<64x1000000xf32, #tpu.memory_space<hbm>> -> memref<64x128xf32, #tpu.memory_space<hbm>>
    tpu.wait_dma2 semaphore(%arg11 : memref<!tpu.dma_semaphore, #tpu.memory_space<semaphore_mem>>) src(%dma_wait3A_1011 : memref<64x128xf32, #tpu.memory_space<hbm>>) dst(%dma_wait3A_1008 : memref<64x128xf32, #tpu.memory_space<vmem>>)
    %mul3A_1012 = arith.constant 506 : i32
    %mul3A_1013 = arith.constant 16 : i32
    %mul3A_1014 = arith.muli %mul3A_1012, %mul3A_1013 : i32
    %multiple_of3A_1015 = tpu.assume_multiple %mul3A_1014, 16 : i32
    %get3A_1016 = arith.index_cast %multiple_of3A_1015 : i32 to index
    %get3A_1017 = tpu.vector_load %arg6[%get3A_1016] {strides = array<i32>} : memref<8192xi32, #tpu.memory_space<vmem>>, vector<16xi32>,
    %slice3A_1018 = vector.extract_strided_slice %get3A_1017 {offsets = [1], sizes = [1], strides = [1]} : vector<16xi32> to vector<1xi32>
    %squeeze3A_1019 = vector.extract %slice3A_1018[0] : i32 from vector<1xi32>
    %broadcast_in_dim3A_1020 = vector.broadcast %squeeze3A_1019 : i32 to vector<16xi32>
    %add3A_1021 = arith.constant 0 : i32
    %add3A_1022 = vector.broadcast %add3A_1021 : i32 to vector<16xi32>
    %add3A_1023 = arith.addi %iota3A, %add3A_1022 : vector<16xi32>
    %gather3A_1024 = arith.constant 2 : i32
    %gather3A_1025 = arith.constant 0 : i32
    %gather3A_1026 = arith.constant 0 : i32
    %gather3A_1027 = tpu.memref_slice %arg7[%gather3A_1024, %gather3A_1025, %gather3A_1026] : memref<8x64x128xf32, #tpu.memory_space<vmem>> -> memref<1x64x128xf32, #tpu.memory_space<vmem>>
    %gather3A_1028 = tpu.memref_squeeze %gather3A_1027 : memref<1x64x128xf32, #tpu.memory_space<vmem>> -> memref<64x128xf32, #tpu.memory_space<vmem>>
    %gather3A_1029 = tpu.vector_load_idx %gather3A_1028[%add3A_1023, %broadcast_in_dim3A_1020] : memref<64x128xf32, #tpu.memory_space<vmem>>[vector<16xi32>, vector<16xi32>], vector<16xf32>,
    %mul3A_1030 = arith.constant 506 : i32
    %mul3A_1031 = arith.constant 64 : i32
    %mul3A_1032 = arith.muli %mul3A_1030, %mul3A_1031 : i32
    %add3A_1033 = arith.constant 0 : i32
    %add3A_1034 = arith.addi %mul3A_1032, %add3A_1033 : i32
    %multiple_of3A_1035 = tpu.assume_multiple %add3A_1034, 16 : i32
    %swap3A_1036 = arith.index_cast %multiple_of3A_1035 : i32 to index
    %swap3A_1037 = tpu.vector_load %arg8[%swap3A_1036] {strides = array<i32>} : memref<32768xf32, #tpu.memory_space<vmem>>, vector<16xf32>,
    tpu.vector_store %arg8[%swap3A_1036], %gather3A_1029 {strides = array<i32>} : memref<32768xf32, #tpu.memory_space<vmem>>, vector<16xf32>,
    %add3A_1038 = arith.constant 16 : i32
    %add3A_1039 = vector.broadcast %add3A_1038 : i32 to vector<16xi32>
    %add3A_1040 = arith.addi %iota3A, %add3A_1039 : vector<16xi32>
    %gather3A_1041 = arith.constant 2 : i32
    %gather3A_1042 = arith.constant 0 : i32
    %gather3A_1043 = arith.constant 0 : i32
    %gather3A_1044 = tpu.memref_slice %arg7[%gather3A_1041, %gather3A_1042, %gather3A_1043] : memref<8x64x128xf32, #tpu.memory_space<vmem>> -> memref<1x64x128xf32, #tpu.memory_space<vmem>>
    %gather3A_1045 = tpu.memref_squeeze %gather3A_1044 : memref<1x64x128xf32, #tpu.memory_space<vmem>> -> memref<64x128xf32, #tpu.memory_space<vmem>>
    %gather3A_1046 = tpu.vector_load_idx %gather3A_1045[%add3A_1040, %broadcast_in_dim3A_1020] : memref<64x128xf32, #tpu.memory_space<vmem>>[vector<16xi32>, vector<16xi32>], vector<16xf32>,
    %mul3A_1047 = arith.constant 506 : i32
    %mul3A_1048 = arith.constant 64 : i32
    %mul3A_1049 = arith.muli %mul3A_1047, %mul3A_1048 : i32
    %add3A_1050 = arith.constant 16 : i32
    %add3A_1051 = arith.addi %mul3A_1049, %add3A_1050 : i32
    %multiple_of3A_1052 = tpu.assume_multiple %add3A_1051, 16 : i32
    %swap3A_1053 = arith.index_cast %multiple_of3A_1052 : i32 to index
    %swap3A_1054 = tpu.vector_load %arg8[%swap3A_1053] {strides = array<i32>} : memref<32768xf32, #tpu.memory_space<vmem>>, vector<16xf32>,
    tpu.vector_store %arg8[%swap3A_1053], %gather3A_1046 {strides = array<i32>} : memref<32768xf32, #tpu.memory_space<vmem>>, vector<16xf32>,
    %add3A_1055 = arith.constant 32 : i32
    %add3A_1056 = vector.broadcast %add3A_1055 : i32 to vector<16xi32>
    %add3A_1057 = arith.addi %iota3A, %add3A_1056 : vector<16xi32>
    %gather3A_1058 = arith.constant 2 : i32
    %gather3A_1059 = arith.constant 0 : i32
    %gather3A_1060 = arith.constant 0 : i32
    %gather3A_1061 = tpu.memref_slice %arg7[%gather3A_1058, %gather3A_1059, %gather3A_1060] : memref<8x64x128xf32, #tpu.memory_space<vmem>> -> memref<1x64x128xf32, #tpu.memory_space<vmem>>
    %gather3A_1062 = tpu.memref_squeeze %gather3A_1061 : memref<1x64x128xf32, #tpu.memory_space<vmem>> -> memref<64x128xf32, #tpu.memory_space<vmem>>
    %gather3A_1063 = tpu.vector_load_idx %gather3A_1062[%add3A_1057, %broadcast_in_dim3A_1020] : memref<64x128xf32, #tpu.memory_space<vmem>>[vector<16xi32>, vector<16xi32>], vector<16xf32>,
    %mul3A_1064 = arith.constant 506 : i32
    %mul3A_1065 = arith.constant 64 : i32
    %mul3A_1066 = arith.muli %mul3A_1064, %mul3A_1065 : i32
    %add3A_1067 = arith.constant 32 : i32
    %add3A_1068 = arith.addi %mul3A_1066, %add3A_1067 : i32
    %multiple_of3A_1069 = tpu.assume_multiple %add3A_1068, 16 : i32
    %swap3A_1070 = arith.index_cast %multiple_of3A_1069 : i32 to index
    %swap3A_1071 = tpu.vector_load %arg8[%swap3A_1070] {strides = array<i32>} : memref<32768xf32, #tpu.memory_space<vmem>>, vector<16xf32>,
    tpu.vector_store %arg8[%swap3A_1070], %gather3A_1063 {strides = array<i32>} : memref<32768xf32, #tpu.memory_space<vmem>>, vector<16xf32>,
    %add3A_1072 = arith.constant 48 : i32
    %add3A_1073 = vector.broadcast %add3A_1072 : i32 to vector<16xi32>
    %add3A_1074 = arith.addi %iota3A, %add3A_1073 : vector<16xi32>
    %gather3A_1075 = arith.constant 2 : i32
    %gather3A_1076 = arith.constant 0 : i32
    %gather3A_1077 = arith.constant 0 : i32
    %gather3A_1078 = tpu.memref_slice %arg7[%gather3A_1075, %gather3A_1076, %gather3A_1077] : memref<8x64x128xf32, #tpu.memory_space<vmem>> -> memref<1x64x128xf32, #tpu.memory_space<vmem>>
    %gather3A_1079 = tpu.memref_squeeze %gather3A_1078 : memref<1x64x128xf32, #tpu.memory_space<vmem>> -> memref<64x128xf32, #tpu.memory_space<vmem>>
    %gather3A_1080 = tpu.vector_load_idx %gather3A_1079[%add3A_1074, %broadcast_in_dim3A_1020] : memref<64x128xf32, #tpu.memory_space<vmem>>[vector<16xi32>, vector<16xi32>], vector<16xf32>,
    %mul3A_1081 = arith.constant 506 : i32
    %mul3A_1082 = arith.constant 64 : i32
    %mul3A_1083 = arith.muli %mul3A_1081, %mul3A_1082 : i32
    %add3A_1084 = arith.constant 48 : i32
    %add3A_1085 = arith.addi %mul3A_1083, %add3A_1084 : i32
    %multiple_of3A_1086 = tpu.assume_multiple %add3A_1085, 16 : i32
    %swap3A_1087 = arith.index_cast %multiple_of3A_1086 : i32 to index
    %swap3A_1088 = tpu.vector_load %arg8[%swap3A_1087] {strides = array<i32>} : memref<32768xf32, #tpu.memory_space<vmem>>, vector<16xf32>,
    tpu.vector_store %arg8[%swap3A_1087], %gather3A_1080 {strides = array<i32>} : memref<32768xf32, #tpu.memory_space<vmem>>, vector<16xf32>,
    %dma_wait3A_1089 = arith.constant 3 : i32
    %dma_wait3A_1090 = arith.constant 0 : i32
    %dma_wait3A_1091 = arith.constant 0 : i32
    %dma_wait3A_1092 = tpu.memref_slice %arg7[%dma_wait3A_1089, %dma_wait3A_1090, %dma_wait3A_1091] : memref<8x64x128xf32, #tpu.memory_space<vmem>> -> memref<1x64x128xf32, #tpu.memory_space<vmem>>
    %dma_wait3A_1093 = tpu.memref_squeeze %dma_wait3A_1092 : memref<1x64x128xf32, #tpu.memory_space<vmem>> -> memref<64x128xf32, #tpu.memory_space<vmem>>
    %dma_wait3A_1094 = arith.constant 0 : i32
    %dma_wait3A_1095 = arith.constant 0 : i32
    %dma_wait3A_1096 = tpu.memref_slice %arg3[%dma_wait3A_1094, %dma_wait3A_1095] : memref<64x1000000xf32, #tpu.memory_space<hbm>> -> memref<64x128xf32, #tpu.memory_space<hbm>>
    %dma_wait3A_1097 = arith.constant 0 : i32
    %dma_wait3A_1098 = arith.constant 0 : i32
    %dma_wait3A_1099 = tpu.memref_slice %arg7[%dma_wait3A_1089, %dma_wait3A_1097, %dma_wait3A_1098] : memref<8x64x128xf32, #tpu.memory_space<vmem>> -> memref<1x64x128xf32, #tpu.memory_space<vmem>>
    %dma_wait3A_1100 = tpu.memref_squeeze %dma_wait3A_1099 : memref<1x64x128xf32, #tpu.memory_space<vmem>> -> memref<64x128xf32, #tpu.memory_space<vmem>>
    %dma_wait3A_1101 = arith.constant 0 : i32
    %dma_wait3A_1102 = arith.constant 0 : i32
    %dma_wait3A_1103 = tpu.memref_slice %arg3[%dma_wait3A_1101, %dma_wait3A_1102] : memref<64x1000000xf32, #tpu.memory_space<hbm>> -> memref<64x128xf32, #tpu.memory_space<hbm>>
    tpu.wait_dma2 semaphore(%arg12 : memref<!tpu.dma_semaphore, #tpu.memory_space<semaphore_mem>>) src(%dma_wait3A_1103 : memref<64x128xf32, #tpu.memory_space<hbm>>) dst(%dma_wait3A_1100 : memref<64x128xf32, #tpu.memory_space<vmem>>)
    %mul3A_1104 = arith.constant 507 : i32
    %mul3A_1105 = arith.constant 16 : i32
    %mul3A_1106 = arith.muli %mul3A_1104, %mul3A_1105 : i32
    %multiple_of3A_1107 = tpu.assume_multiple %mul3A_1106, 16 : i32
    %get3A_1108 = arith.index_cast %multiple_of3A_1107 : i32 to index
    %get3A_1109 = tpu.vector_load %arg6[%get3A_1108] {strides = array<i32>} : memref<8192xi32, #tpu.memory_space<vmem>>, vector<16xi32>,
    %slice3A_1110 = vector.extract_strided_slice %get3A_1109 {offsets = [1], sizes = [1], strides = [1]} : vector<16xi32> to vector<1xi32>
    %squeeze3A_1111 = vector.extract %slice3A_1110[0] : i32 from vector<1xi32>
    %broadcast_in_dim3A_1112 = vector.broadcast %squeeze3A_1111 : i32 to vector<16xi32>
    %add3A_1113 = arith.constant 0 : i32
    %add3A_1114 = vector.broadcast %add3A_1113 : i32 to vector<16xi32>
    %add3A_1115 = arith.addi %iota3A, %add3A_1114 : vector<16xi32>
    %gather3A_1116 = arith.constant 3 : i32
    %gather3A_1117 = arith.constant 0 : i32
    %gather3A_1118 = arith.constant 0 : i32
    %gather3A_1119 = tpu.memref_slice %arg7[%gather3A_1116, %gather3A_1117, %gather3A_1118] : memref<8x64x128xf32, #tpu.memory_space<vmem>> -> memref<1x64x128xf32, #tpu.memory_space<vmem>>
    %gather3A_1120 = tpu.memref_squeeze %gather3A_1119 : memref<1x64x128xf32, #tpu.memory_space<vmem>> -> memref<64x128xf32, #tpu.memory_space<vmem>>
    %gather3A_1121 = tpu.vector_load_idx %gather3A_1120[%add3A_1115, %broadcast_in_dim3A_1112] : memref<64x128xf32, #tpu.memory_space<vmem>>[vector<16xi32>, vector<16xi32>], vector<16xf32>,
    %mul3A_1122 = arith.constant 507 : i32
    %mul3A_1123 = arith.constant 64 : i32
    %mul3A_1124 = arith.muli %mul3A_1122, %mul3A_1123 : i32
    %add3A_1125 = arith.constant 0 : i32
    %add3A_1126 = arith.addi %mul3A_1124, %add3A_1125 : i32
    %multiple_of3A_1127 = tpu.assume_multiple %add3A_1126, 16 : i32
    %swap3A_1128 = arith.index_cast %multiple_of3A_1127 : i32 to index
    %swap3A_1129 = tpu.vector_load %arg8[%swap3A_1128] {strides = array<i32>} : memref<32768xf32, #tpu.memory_space<vmem>>, vector<16xf32>,
    tpu.vector_store %arg8[%swap3A_1128], %gather3A_1121 {strides = array<i32>} : memref<32768xf32, #tpu.memory_space<vmem>>, vector<16xf32>,
    %add3A_1130 = arith.constant 16 : i32
    %add3A_1131 = vector.broadcast %add3A_1130 : i32 to vector<16xi32>
    %add3A_1132 = arith.addi %iota3A, %add3A_1131 : vector<16xi32>
    %gather3A_1133 = arith.constant 3 : i32
    %gather3A_1134 = arith.constant 0 : i32
    %gather3A_1135 = arith.constant 0 : i32
    %gather3A_1136 = tpu.memref_slice %arg7[%gather3A_1133, %gather3A_1134, %gather3A_1135] : memref<8x64x128xf32, #tpu.memory_space<vmem>> -> memref<1x64x128xf32, #tpu.memory_space<vmem>>
    %gather3A_1137 = tpu.memref_squeeze %gather3A_1136 : memref<1x64x128xf32, #tpu.memory_space<vmem>> -> memref<64x128xf32, #tpu.memory_space<vmem>>
    %gather3A_1138 = tpu.vector_load_idx %gather3A_1137[%add3A_1132, %broadcast_in_dim3A_1112] : memref<64x128xf32, #tpu.memory_space<vmem>>[vector<16xi32>, vector<16xi32>], vector<16xf32>,
    %mul3A_1139 = arith.constant 507 : i32
    %mul3A_1140 = arith.constant 64 : i32
    %mul3A_1141 = arith.muli %mul3A_1139, %mul3A_1140 : i32
    %add3A_1142 = arith.constant 16 : i32
    %add3A_1143 = arith.addi %mul3A_1141, %add3A_1142 : i32
    %multiple_of3A_1144 = tpu.assume_multiple %add3A_1143, 16 : i32
    %swap3A_1145 = arith.index_cast %multiple_of3A_1144 : i32 to index
    %swap3A_1146 = tpu.vector_load %arg8[%swap3A_1145] {strides = array<i32>} : memref<32768xf32, #tpu.memory_space<vmem>>, vector<16xf32>,
    tpu.vector_store %arg8[%swap3A_1145], %gather3A_1138 {strides = array<i32>} : memref<32768xf32, #tpu.memory_space<vmem>>, vector<16xf32>,
    %add3A_1147 = arith.constant 32 : i32
    %add3A_1148 = vector.broadcast %add3A_1147 : i32 to vector<16xi32>
    %add3A_1149 = arith.addi %iota3A, %add3A_1148 : vector<16xi32>
    %gather3A_1150 = arith.constant 3 : i32
    %gather3A_1151 = arith.constant 0 : i32
    %gather3A_1152 = arith.constant 0 : i32
    %gather3A_1153 = tpu.memref_slice %arg7[%gather3A_1150, %gather3A_1151, %gather3A_1152] : memref<8x64x128xf32, #tpu.memory_space<vmem>> -> memref<1x64x128xf32, #tpu.memory_space<vmem>>
    %gather3A_1154 = tpu.memref_squeeze %gather3A_1153 : memref<1x64x128xf32, #tpu.memory_space<vmem>> -> memref<64x128xf32, #tpu.memory_space<vmem>>
    %gather3A_1155 = tpu.vector_load_idx %gather3A_1154[%add3A_1149, %broadcast_in_dim3A_1112] : memref<64x128xf32, #tpu.memory_space<vmem>>[vector<16xi32>, vector<16xi32>], vector<16xf32>,
    %mul3A_1156 = arith.constant 507 : i32
    %mul3A_1157 = arith.constant 64 : i32
    %mul3A_1158 = arith.muli %mul3A_1156, %mul3A_1157 : i32
    %add3A_1159 = arith.constant 32 : i32
    %add3A_1160 = arith.addi %mul3A_1158, %add3A_1159 : i32
    %multiple_of3A_1161 = tpu.assume_multiple %add3A_1160, 16 : i32
    %swap3A_1162 = arith.index_cast %multiple_of3A_1161 : i32 to index
    %swap3A_1163 = tpu.vector_load %arg8[%swap3A_1162] {strides = array<i32>} : memref<32768xf32, #tpu.memory_space<vmem>>, vector<16xf32>,
    tpu.vector_store %arg8[%swap3A_1162], %gather3A_1155 {strides = array<i32>} : memref<32768xf32, #tpu.memory_space<vmem>>, vector<16xf32>,
    %add3A_1164 = arith.constant 48 : i32
    %add3A_1165 = vector.broadcast %add3A_1164 : i32 to vector<16xi32>
    %add3A_1166 = arith.addi %iota3A, %add3A_1165 : vector<16xi32>
    %gather3A_1167 = arith.constant 3 : i32
    %gather3A_1168 = arith.constant 0 : i32
    %gather3A_1169 = arith.constant 0 : i32
    %gather3A_1170 = tpu.memref_slice %arg7[%gather3A_1167, %gather3A_1168, %gather3A_1169] : memref<8x64x128xf32, #tpu.memory_space<vmem>> -> memref<1x64x128xf32, #tpu.memory_space<vmem>>
    %gather3A_1171 = tpu.memref_squeeze %gather3A_1170 : memref<1x64x128xf32, #tpu.memory_space<vmem>> -> memref<64x128xf32, #tpu.memory_space<vmem>>
    %gather3A_1172 = tpu.vector_load_idx %gather3A_1171[%add3A_1166, %broadcast_in_dim3A_1112] : memref<64x128xf32, #tpu.memory_space<vmem>>[vector<16xi32>, vector<16xi32>], vector<16xf32>,
    %mul3A_1173 = arith.constant 507 : i32
    %mul3A_1174 = arith.constant 64 : i32
    %mul3A_1175 = arith.muli %mul3A_1173, %mul3A_1174 : i32
    %add3A_1176 = arith.constant 48 : i32
    %add3A_1177 = arith.addi %mul3A_1175, %add3A_1176 : i32
    %multiple_of3A_1178 = tpu.assume_multiple %add3A_1177, 16 : i32
    %swap3A_1179 = arith.index_cast %multiple_of3A_1178 : i32 to index
    %swap3A_1180 = tpu.vector_load %arg8[%swap3A_1179] {strides = array<i32>} : memref<32768xf32, #tpu.memory_space<vmem>>, vector<16xf32>,
    tpu.vector_store %arg8[%swap3A_1179], %gather3A_1172 {strides = array<i32>} : memref<32768xf32, #tpu.memory_space<vmem>>, vector<16xf32>,
    %dma_wait3A_1181 = arith.constant 4 : i32
    %dma_wait3A_1182 = arith.constant 0 : i32
    %dma_wait3A_1183 = arith.constant 0 : i32
    %dma_wait3A_1184 = tpu.memref_slice %arg7[%dma_wait3A_1181, %dma_wait3A_1182, %dma_wait3A_1183] : memref<8x64x128xf32, #tpu.memory_space<vmem>> -> memref<1x64x128xf32, #tpu.memory_space<vmem>>
    %dma_wait3A_1185 = tpu.memref_squeeze %dma_wait3A_1184 : memref<1x64x128xf32, #tpu.memory_space<vmem>> -> memref<64x128xf32, #tpu.memory_space<vmem>>
    %dma_wait3A_1186 = arith.constant 0 : i32
    %dma_wait3A_1187 = arith.constant 0 : i32
    %dma_wait3A_1188 = tpu.memref_slice %arg3[%dma_wait3A_1186, %dma_wait3A_1187] : memref<64x1000000xf32, #tpu.memory_space<hbm>> -> memref<64x128xf32, #tpu.memory_space<hbm>>
    %dma_wait3A_1189 = arith.constant 0 : i32
    %dma_wait3A_1190 = arith.constant 0 : i32
    %dma_wait3A_1191 = tpu.memref_slice %arg7[%dma_wait3A_1181, %dma_wait3A_1189, %dma_wait3A_1190] : memref<8x64x128xf32, #tpu.memory_space<vmem>> -> memref<1x64x128xf32, #tpu.memory_space<vmem>>
    %dma_wait3A_1192 = tpu.memref_squeeze %dma_wait3A_1191 : memref<1x64x128xf32, #tpu.memory_space<vmem>> -> memref<64x128xf32, #tpu.memory_space<vmem>>
    %dma_wait3A_1193 = arith.constant 0 : i32
    %dma_wait3A_1194 = arith.constant 0 : i32
    %dma_wait3A_1195 = tpu.memref_slice %arg3[%dma_wait3A_1193, %dma_wait3A_1194] : memref<64x1000000xf32, #tpu.memory_space<hbm>> -> memref<64x128xf32, #tpu.memory_space<hbm>>
    tpu.wait_dma2 semaphore(%arg13 : memref<!tpu.dma_semaphore, #tpu.memory_space<semaphore_mem>>) src(%dma_wait3A_1195 : memref<64x128xf32, #tpu.memory_space<hbm>>) dst(%dma_wait3A_1192 : memref<64x128xf32, #tpu.memory_space<vmem>>)
    %mul3A_1196 = arith.constant 508 : i32
    %mul3A_1197 = arith.constant 16 : i32
    %mul3A_1198 = arith.muli %mul3A_1196, %mul3A_1197 : i32
    %multiple_of3A_1199 = tpu.assume_multiple %mul3A_1198, 16 : i32
    %get3A_1200 = arith.index_cast %multiple_of3A_1199 : i32 to index
    %get3A_1201 = tpu.vector_load %arg6[%get3A_1200] {strides = array<i32>} : memref<8192xi32, #tpu.memory_space<vmem>>, vector<16xi32>,
    %slice3A_1202 = vector.extract_strided_slice %get3A_1201 {offsets = [1], sizes = [1], strides = [1]} : vector<16xi32> to vector<1xi32>
    %squeeze3A_1203 = vector.extract %slice3A_1202[0] : i32 from vector<1xi32>
    %broadcast_in_dim3A_1204 = vector.broadcast %squeeze3A_1203 : i32 to vector<16xi32>
    %add3A_1205 = arith.constant 0 : i32
    %add3A_1206 = vector.broadcast %add3A_1205 : i32 to vector<16xi32>
    %add3A_1207 = arith.addi %iota3A, %add3A_1206 : vector<16xi32>
    %gather3A_1208 = arith.constant 4 : i32
    %gather3A_1209 = arith.constant 0 : i32
    %gather3A_1210 = arith.constant 0 : i32
    %gather3A_1211 = tpu.memref_slice %arg7[%gather3A_1208, %gather3A_1209, %gather3A_1210] : memref<8x64x128xf32, #tpu.memory_space<vmem>> -> memref<1x64x128xf32, #tpu.memory_space<vmem>>
    %gather3A_1212 = tpu.memref_squeeze %gather3A_1211 : memref<1x64x128xf32, #tpu.memory_space<vmem>> -> memref<64x128xf32, #tpu.memory_space<vmem>>
    %gather3A_1213 = tpu.vector_load_idx %gather3A_1212[%add3A_1207, %broadcast_in_dim3A_1204] : memref<64x128xf32, #tpu.memory_space<vmem>>[vector<16xi32>, vector<16xi32>], vector<16xf32>,
    %mul3A_1214 = arith.constant 508 : i32
    %mul3A_1215 = arith.constant 64 : i32
    %mul3A_1216 = arith.muli %mul3A_1214, %mul3A_1215 : i32
    %add3A_1217 = arith.constant 0 : i32
    %add3A_1218 = arith.addi %mul3A_1216, %add3A_1217 : i32
    %multiple_of3A_1219 = tpu.assume_multiple %add3A_1218, 16 : i32
    %swap3A_1220 = arith.index_cast %multiple_of3A_1219 : i32 to index
    %swap3A_1221 = tpu.vector_load %arg8[%swap3A_1220] {strides = array<i32>} : memref<32768xf32, #tpu.memory_space<vmem>>, vector<16xf32>,
    tpu.vector_store %arg8[%swap3A_1220], %gather3A_1213 {strides = array<i32>} : memref<32768xf32, #tpu.memory_space<vmem>>, vector<16xf32>,
    %add3A_1222 = arith.constant 16 : i32
    %add3A_1223 = vector.broadcast %add3A_1222 : i32 to vector<16xi32>
    %add3A_1224 = arith.addi %iota3A, %add3A_1223 : vector<16xi32>
    %gather3A_1225 = arith.constant 4 : i32
    %gather3A_1226 = arith.constant 0 : i32
    %gather3A_1227 = arith.constant 0 : i32
    %gather3A_1228 = tpu.memref_slice %arg7[%gather3A_1225, %gather3A_1226, %gather3A_1227] : memref<8x64x128xf32, #tpu.memory_space<vmem>> -> memref<1x64x128xf32, #tpu.memory_space<vmem>>
    %gather3A_1229 = tpu.memref_squeeze %gather3A_1228 : memref<1x64x128xf32, #tpu.memory_space<vmem>> -> memref<64x128xf32, #tpu.memory_space<vmem>>
    %gather3A_1230 = tpu.vector_load_idx %gather3A_1229[%add3A_1224, %broadcast_in_dim3A_1204] : memref<64x128xf32, #tpu.memory_space<vmem>>[vector<16xi32>, vector<16xi32>], vector<16xf32>,
    %mul3A_1231 = arith.constant 508 : i32
    %mul3A_1232 = arith.constant 64 : i32
    %mul3A_1233 = arith.muli %mul3A_1231, %mul3A_1232 : i32
    %add3A_1234 = arith.constant 16 : i32
    %add3A_1235 = arith.addi %mul3A_1233, %add3A_1234 : i32
    %multiple_of3A_1236 = tpu.assume_multiple %add3A_1235, 16 : i32
    %swap3A_1237 = arith.index_cast %multiple_of3A_1236 : i32 to index
    %swap3A_1238 = tpu.vector_load %arg8[%swap3A_1237] {strides = array<i32>} : memref<32768xf32, #tpu.memory_space<vmem>>, vector<16xf32>,
    tpu.vector_store %arg8[%swap3A_1237], %gather3A_1230 {strides = array<i32>} : memref<32768xf32, #tpu.memory_space<vmem>>, vector<16xf32>,
    %add3A_1239 = arith.constant 32 : i32
    %add3A_1240 = vector.broadcast %add3A_1239 : i32 to vector<16xi32>
    %add3A_1241 = arith.addi %iota3A, %add3A_1240 : vector<16xi32>
    %gather3A_1242 = arith.constant 4 : i32
    %gather3A_1243 = arith.constant 0 : i32
    %gather3A_1244 = arith.constant 0 : i32
    %gather3A_1245 = tpu.memref_slice %arg7[%gather3A_1242, %gather3A_1243, %gather3A_1244] : memref<8x64x128xf32, #tpu.memory_space<vmem>> -> memref<1x64x128xf32, #tpu.memory_space<vmem>>
    %gather3A_1246 = tpu.memref_squeeze %gather3A_1245 : memref<1x64x128xf32, #tpu.memory_space<vmem>> -> memref<64x128xf32, #tpu.memory_space<vmem>>
    %gather3A_1247 = tpu.vector_load_idx %gather3A_1246[%add3A_1241, %broadcast_in_dim3A_1204] : memref<64x128xf32, #tpu.memory_space<vmem>>[vector<16xi32>, vector<16xi32>], vector<16xf32>,
    %mul3A_1248 = arith.constant 508 : i32
    %mul3A_1249 = arith.constant 64 : i32
    %mul3A_1250 = arith.muli %mul3A_1248, %mul3A_1249 : i32
    %add3A_1251 = arith.constant 32 : i32
    %add3A_1252 = arith.addi %mul3A_1250, %add3A_1251 : i32
    %multiple_of3A_1253 = tpu.assume_multiple %add3A_1252, 16 : i32
    %swap3A_1254 = arith.index_cast %multiple_of3A_1253 : i32 to index
    %swap3A_1255 = tpu.vector_load %arg8[%swap3A_1254] {strides = array<i32>} : memref<32768xf32, #tpu.memory_space<vmem>>, vector<16xf32>,
    tpu.vector_store %arg8[%swap3A_1254], %gather3A_1247 {strides = array<i32>} : memref<32768xf32, #tpu.memory_space<vmem>>, vector<16xf32>,
    %add3A_1256 = arith.constant 48 : i32
    %add3A_1257 = vector.broadcast %add3A_1256 : i32 to vector<16xi32>
    %add3A_1258 = arith.addi %iota3A, %add3A_1257 : vector<16xi32>
    %gather3A_1259 = arith.constant 4 : i32
    %gather3A_1260 = arith.constant 0 : i32
    %gather3A_1261 = arith.constant 0 : i32
    %gather3A_1262 = tpu.memref_slice %arg7[%gather3A_1259, %gather3A_1260, %gather3A_1261] : memref<8x64x128xf32, #tpu.memory_space<vmem>> -> memref<1x64x128xf32, #tpu.memory_space<vmem>>
    %gather3A_1263 = tpu.memref_squeeze %gather3A_1262 : memref<1x64x128xf32, #tpu.memory_space<vmem>> -> memref<64x128xf32, #tpu.memory_space<vmem>>
    %gather3A_1264 = tpu.vector_load_idx %gather3A_1263[%add3A_1258, %broadcast_in_dim3A_1204] : memref<64x128xf32, #tpu.memory_space<vmem>>[vector<16xi32>, vector<16xi32>], vector<16xf32>,
    %mul3A_1265 = arith.constant 508 : i32
    %mul3A_1266 = arith.constant 64 : i32
    %mul3A_1267 = arith.muli %mul3A_1265, %mul3A_1266 : i32
    %add3A_1268 = arith.constant 48 : i32
    %add3A_1269 = arith.addi %mul3A_1267, %add3A_1268 : i32
    %multiple_of3A_1270 = tpu.assume_multiple %add3A_1269, 16 : i32
    %swap3A_1271 = arith.index_cast %multiple_of3A_1270 : i32 to index
    %swap3A_1272 = tpu.vector_load %arg8[%swap3A_1271] {strides = array<i32>} : memref<32768xf32, #tpu.memory_space<vmem>>, vector<16xf32>,
    tpu.vector_store %arg8[%swap3A_1271], %gather3A_1264 {strides = array<i32>} : memref<32768xf32, #tpu.memory_space<vmem>>, vector<16xf32>,
    %dma_wait3A_1273 = arith.constant 5 : i32
    %dma_wait3A_1274 = arith.constant 0 : i32
    %dma_wait3A_1275 = arith.constant 0 : i32
    %dma_wait3A_1276 = tpu.memref_slice %arg7[%dma_wait3A_1273, %dma_wait3A_1274, %dma_wait3A_1275] : memref<8x64x128xf32, #tpu.memory_space<vmem>> -> memref<1x64x128xf32, #tpu.memory_space<vmem>>
    %dma_wait3A_1277 = tpu.memref_squeeze %dma_wait3A_1276 : memref<1x64x128xf32, #tpu.memory_space<vmem>> -> memref<64x128xf32, #tpu.memory_space<vmem>>
    %dma_wait3A_1278 = arith.constant 0 : i32
    %dma_wait3A_1279 = arith.constant 0 : i32
    %dma_wait3A_1280 = tpu.memref_slice %arg3[%dma_wait3A_1278, %dma_wait3A_1279] : memref<64x1000000xf32, #tpu.memory_space<hbm>> -> memref<64x128xf32, #tpu.memory_space<hbm>>
    %dma_wait3A_1281 = arith.constant 0 : i32
    %dma_wait3A_1282 = arith.constant 0 : i32
    %dma_wait3A_1283 = tpu.memref_slice %arg7[%dma_wait3A_1273, %dma_wait3A_1281, %dma_wait3A_1282] : memref<8x64x128xf32, #tpu.memory_space<vmem>> -> memref<1x64x128xf32, #tpu.memory_space<vmem>>
    %dma_wait3A_1284 = tpu.memref_squeeze %dma_wait3A_1283 : memref<1x64x128xf32, #tpu.memory_space<vmem>> -> memref<64x128xf32, #tpu.memory_space<vmem>>
    %dma_wait3A_1285 = arith.constant 0 : i32
    %dma_wait3A_1286 = arith.constant 0 : i32
    %dma_wait3A_1287 = tpu.memref_slice %arg3[%dma_wait3A_1285, %dma_wait3A_1286] : memref<64x1000000xf32, #tpu.memory_space<hbm>> -> memref<64x128xf32, #tpu.memory_space<hbm>>
    tpu.wait_dma2 semaphore(%arg14 : memref<!tpu.dma_semaphore, #tpu.memory_space<semaphore_mem>>) src(%dma_wait3A_1287 : memref<64x128xf32, #tpu.memory_space<hbm>>) dst(%dma_wait3A_1284 : memref<64x128xf32, #tpu.memory_space<vmem>>)
    %mul3A_1288 = arith.constant 509 : i32
    %mul3A_1289 = arith.constant 16 : i32
    %mul3A_1290 = arith.muli %mul3A_1288, %mul3A_1289 : i32
    %multiple_of3A_1291 = tpu.assume_multiple %mul3A_1290, 16 : i32
    %get3A_1292 = arith.index_cast %multiple_of3A_1291 : i32 to index
    %get3A_1293 = tpu.vector_load %arg6[%get3A_1292] {strides = array<i32>} : memref<8192xi32, #tpu.memory_space<vmem>>, vector<16xi32>,
    %slice3A_1294 = vector.extract_strided_slice %get3A_1293 {offsets = [1], sizes = [1], strides = [1]} : vector<16xi32> to vector<1xi32>
    %squeeze3A_1295 = vector.extract %slice3A_1294[0] : i32 from vector<1xi32>
    %broadcast_in_dim3A_1296 = vector.broadcast %squeeze3A_1295 : i32 to vector<16xi32>
    %add3A_1297 = arith.constant 0 : i32
    %add3A_1298 = vector.broadcast %add3A_1297 : i32 to vector<16xi32>
    %add3A_1299 = arith.addi %iota3A, %add3A_1298 : vector<16xi32>
    %gather3A_1300 = arith.constant 5 : i32
    %gather3A_1301 = arith.constant 0 : i32
    %gather3A_1302 = arith.constant 0 : i32
    %gather3A_1303 = tpu.memref_slice %arg7[%gather3A_1300, %gather3A_1301, %gather3A_1302] : memref<8x64x128xf32, #tpu.memory_space<vmem>> -> memref<1x64x128xf32, #tpu.memory_space<vmem>>
    %gather3A_1304 = tpu.memref_squeeze %gather3A_1303 : memref<1x64x128xf32, #tpu.memory_space<vmem>> -> memref<64x128xf32, #tpu.memory_space<vmem>>
    %gather3A_1305 = tpu.vector_load_idx %gather3A_1304[%add3A_1299, %broadcast_in_dim3A_1296] : memref<64x128xf32, #tpu.memory_space<vmem>>[vector<16xi32>, vector<16xi32>], vector<16xf32>,
    %mul3A_1306 = arith.constant 509 : i32
    %mul3A_1307 = arith.constant 64 : i32
    %mul3A_1308 = arith.muli %mul3A_1306, %mul3A_1307 : i32
    %add3A_1309 = arith.constant 0 : i32
    %add3A_1310 = arith.addi %mul3A_1308, %add3A_1309 : i32
    %multiple_of3A_1311 = tpu.assume_multiple %add3A_1310, 16 : i32
    %swap3A_1312 = arith.index_cast %multiple_of3A_1311 : i32 to index
    %swap3A_1313 = tpu.vector_load %arg8[%swap3A_1312] {strides = array<i32>} : memref<32768xf32, #tpu.memory_space<vmem>>, vector<16xf32>,
    tpu.vector_store %arg8[%swap3A_1312], %gather3A_1305 {strides = array<i32>} : memref<32768xf32, #tpu.memory_space<vmem>>, vector<16xf32>,
    %add3A_1314 = arith.constant 16 : i32
    %add3A_1315 = vector.broadcast %add3A_1314 : i32 to vector<16xi32>
    %add3A_1316 = arith.addi %iota3A, %add3A_1315 : vector<16xi32>
    %gather3A_1317 = arith.constant 5 : i32
    %gather3A_1318 = arith.constant 0 : i32
    %gather3A_1319 = arith.constant 0 : i32
    %gather3A_1320 = tpu.memref_slice %arg7[%gather3A_1317, %gather3A_1318, %gather3A_1319] : memref<8x64x128xf32, #tpu.memory_space<vmem>> -> memref<1x64x128xf32, #tpu.memory_space<vmem>>
    %gather3A_1321 = tpu.memref_squeeze %gather3A_1320 : memref<1x64x128xf32, #tpu.memory_space<vmem>> -> memref<64x128xf32, #tpu.memory_space<vmem>>
    %gather3A_1322 = tpu.vector_load_idx %gather3A_1321[%add3A_1316, %broadcast_in_dim3A_1296] : memref<64x128xf32, #tpu.memory_space<vmem>>[vector<16xi32>, vector<16xi32>], vector<16xf32>,
    %mul3A_1323 = arith.constant 509 : i32
    %mul3A_1324 = arith.constant 64 : i32
    %mul3A_1325 = arith.muli %mul3A_1323, %mul3A_1324 : i32
    %add3A_1326 = arith.constant 16 : i32
    %add3A_1327 = arith.addi %mul3A_1325, %add3A_1326 : i32
    %multiple_of3A_1328 = tpu.assume_multiple %add3A_1327, 16 : i32
    %swap3A_1329 = arith.index_cast %multiple_of3A_1328 : i32 to index
    %swap3A_1330 = tpu.vector_load %arg8[%swap3A_1329] {strides = array<i32>} : memref<32768xf32, #tpu.memory_space<vmem>>, vector<16xf32>,
    tpu.vector_store %arg8[%swap3A_1329], %gather3A_1322 {strides = array<i32>} : memref<32768xf32, #tpu.memory_space<vmem>>, vector<16xf32>,
    %add3A_1331 = arith.constant 32 : i32
    %add3A_1332 = vector.broadcast %add3A_1331 : i32 to vector<16xi32>
    %add3A_1333 = arith.addi %iota3A, %add3A_1332 : vector<16xi32>
    %gather3A_1334 = arith.constant 5 : i32
    %gather3A_1335 = arith.constant 0 : i32
    %gather3A_1336 = arith.constant 0 : i32
    %gather3A_1337 = tpu.memref_slice %arg7[%gather3A_1334, %gather3A_1335, %gather3A_1336] : memref<8x64x128xf32, #tpu.memory_space<vmem>> -> memref<1x64x128xf32, #tpu.memory_space<vmem>>
    %gather3A_1338 = tpu.memref_squeeze %gather3A_1337 : memref<1x64x128xf32, #tpu.memory_space<vmem>> -> memref<64x128xf32, #tpu.memory_space<vmem>>
    %gather3A_1339 = tpu.vector_load_idx %gather3A_1338[%add3A_1333, %broadcast_in_dim3A_1296] : memref<64x128xf32, #tpu.memory_space<vmem>>[vector<16xi32>, vector<16xi32>], vector<16xf32>,
    %mul3A_1340 = arith.constant 509 : i32
    %mul3A_1341 = arith.constant 64 : i32
    %mul3A_1342 = arith.muli %mul3A_1340, %mul3A_1341 : i32
    %add3A_1343 = arith.constant 32 : i32
    %add3A_1344 = arith.addi %mul3A_1342, %add3A_1343 : i32
    %multiple_of3A_1345 = tpu.assume_multiple %add3A_1344, 16 : i32
    %swap3A_1346 = arith.index_cast %multiple_of3A_1345 : i32 to index
    %swap3A_1347 = tpu.vector_load %arg8[%swap3A_1346] {strides = array<i32>} : memref<32768xf32, #tpu.memory_space<vmem>>, vector<16xf32>,
    tpu.vector_store %arg8[%swap3A_1346], %gather3A_1339 {strides = array<i32>} : memref<32768xf32, #tpu.memory_space<vmem>>, vector<16xf32>,
    %add3A_1348 = arith.constant 48 : i32
    %add3A_1349 = vector.broadcast %add3A_1348 : i32 to vector<16xi32>
    %add3A_1350 = arith.addi %iota3A, %add3A_1349 : vector<16xi32>
    %gather3A_1351 = arith.constant 5 : i32
    %gather3A_1352 = arith.constant 0 : i32
    %gather3A_1353 = arith.constant 0 : i32
    %gather3A_1354 = tpu.memref_slice %arg7[%gather3A_1351, %gather3A_1352, %gather3A_1353] : memref<8x64x128xf32, #tpu.memory_space<vmem>> -> memref<1x64x128xf32, #tpu.memory_space<vmem>>
    %gather3A_1355 = tpu.memref_squeeze %gather3A_1354 : memref<1x64x128xf32, #tpu.memory_space<vmem>> -> memref<64x128xf32, #tpu.memory_space<vmem>>
    %gather3A_1356 = tpu.vector_load_idx %gather3A_1355[%add3A_1350, %broadcast_in_dim3A_1296] : memref<64x128xf32, #tpu.memory_space<vmem>>[vector<16xi32>, vector<16xi32>], vector<16xf32>,
    %mul3A_1357 = arith.constant 509 : i32
    %mul3A_1358 = arith.constant 64 : i32
    %mul3A_1359 = arith.muli %mul3A_1357, %mul3A_1358 : i32
    %add3A_1360 = arith.constant 48 : i32
    %add3A_1361 = arith.addi %mul3A_1359, %add3A_1360 : i32
    %multiple_of3A_1362 = tpu.assume_multiple %add3A_1361, 16 : i32
    %swap3A_1363 = arith.index_cast %multiple_of3A_1362 : i32 to index
    %swap3A_1364 = tpu.vector_load %arg8[%swap3A_1363] {strides = array<i32>} : memref<32768xf32, #tpu.memory_space<vmem>>, vector<16xf32>,
    tpu.vector_store %arg8[%swap3A_1363], %gather3A_1356 {strides = array<i32>} : memref<32768xf32, #tpu.memory_space<vmem>>, vector<16xf32>,
    %dma_wait3A_1365 = arith.constant 6 : i32
    %dma_wait3A_1366 = arith.constant 0 : i32
    %dma_wait3A_1367 = arith.constant 0 : i32
    %dma_wait3A_1368 = tpu.memref_slice %arg7[%dma_wait3A_1365, %dma_wait3A_1366, %dma_wait3A_1367] : memref<8x64x128xf32, #tpu.memory_space<vmem>> -> memref<1x64x128xf32, #tpu.memory_space<vmem>>
    %dma_wait3A_1369 = tpu.memref_squeeze %dma_wait3A_1368 : memref<1x64x128xf32, #tpu.memory_space<vmem>> -> memref<64x128xf32, #tpu.memory_space<vmem>>
    %dma_wait3A_1370 = arith.constant 0 : i32
    %dma_wait3A_1371 = arith.constant 0 : i32
    %dma_wait3A_1372 = tpu.memref_slice %arg3[%dma_wait3A_1370, %dma_wait3A_1371] : memref<64x1000000xf32, #tpu.memory_space<hbm>> -> memref<64x128xf32, #tpu.memory_space<hbm>>
    %dma_wait3A_1373 = arith.constant 0 : i32
    %dma_wait3A_1374 = arith.constant 0 : i32
    %dma_wait3A_1375 = tpu.memref_slice %arg7[%dma_wait3A_1365, %dma_wait3A_1373, %dma_wait3A_1374] : memref<8x64x128xf32, #tpu.memory_space<vmem>> -> memref<1x64x128xf32, #tpu.memory_space<vmem>>
    %dma_wait3A_1376 = tpu.memref_squeeze %dma_wait3A_1375 : memref<1x64x128xf32, #tpu.memory_space<vmem>> -> memref<64x128xf32, #tpu.memory_space<vmem>>
    %dma_wait3A_1377 = arith.constant 0 : i32
    %dma_wait3A_1378 = arith.constant 0 : i32
    %dma_wait3A_1379 = tpu.memref_slice %arg3[%dma_wait3A_1377, %dma_wait3A_1378] : memref<64x1000000xf32, #tpu.memory_space<hbm>> -> memref<64x128xf32, #tpu.memory_space<hbm>>
    tpu.wait_dma2 semaphore(%arg15 : memref<!tpu.dma_semaphore, #tpu.memory_space<semaphore_mem>>) src(%dma_wait3A_1379 : memref<64x128xf32, #tpu.memory_space<hbm>>) dst(%dma_wait3A_1376 : memref<64x128xf32, #tpu.memory_space<vmem>>)
    %mul3A_1380 = arith.constant 510 : i32
    %mul3A_1381 = arith.constant 16 : i32
    %mul3A_1382 = arith.muli %mul3A_1380, %mul3A_1381 : i32
    %multiple_of3A_1383 = tpu.assume_multiple %mul3A_1382, 16 : i32
    %get3A_1384 = arith.index_cast %multiple_of3A_1383 : i32 to index
    %get3A_1385 = tpu.vector_load %arg6[%get3A_1384] {strides = array<i32>} : memref<8192xi32, #tpu.memory_space<vmem>>, vector<16xi32>,
    %slice3A_1386 = vector.extract_strided_slice %get3A_1385 {offsets = [1], sizes = [1], strides = [1]} : vector<16xi32> to vector<1xi32>
    %squeeze3A_1387 = vector.extract %slice3A_1386[0] : i32 from vector<1xi32>
    %broadcast_in_dim3A_1388 = vector.broadcast %squeeze3A_1387 : i32 to vector<16xi32>
    %add3A_1389 = arith.constant 0 : i32
    %add3A_1390 = vector.broadcast %add3A_1389 : i32 to vector<16xi32>
    %add3A_1391 = arith.addi %iota3A, %add3A_1390 : vector<16xi32>
    %gather3A_1392 = arith.constant 6 : i32
    %gather3A_1393 = arith.constant 0 : i32
    %gather3A_1394 = arith.constant 0 : i32
    %gather3A_1395 = tpu.memref_slice %arg7[%gather3A_1392, %gather3A_1393, %gather3A_1394] : memref<8x64x128xf32, #tpu.memory_space<vmem>> -> memref<1x64x128xf32, #tpu.memory_space<vmem>>
    %gather3A_1396 = tpu.memref_squeeze %gather3A_1395 : memref<1x64x128xf32, #tpu.memory_space<vmem>> -> memref<64x128xf32, #tpu.memory_space<vmem>>
    %gather3A_1397 = tpu.vector_load_idx %gather3A_1396[%add3A_1391, %broadcast_in_dim3A_1388] : memref<64x128xf32, #tpu.memory_space<vmem>>[vector<16xi32>, vector<16xi32>], vector<16xf32>,
    %mul3A_1398 = arith.constant 510 : i32
    %mul3A_1399 = arith.constant 64 : i32
    %mul3A_1400 = arith.muli %mul3A_1398, %mul3A_1399 : i32
    %add3A_1401 = arith.constant 0 : i32
    %add3A_1402 = arith.addi %mul3A_1400, %add3A_1401 : i32
    %multiple_of3A_1403 = tpu.assume_multiple %add3A_1402, 16 : i32
    %swap3A_1404 = arith.index_cast %multiple_of3A_1403 : i32 to index
    %swap3A_1405 = tpu.vector_load %arg8[%swap3A_1404] {strides = array<i32>} : memref<32768xf32, #tpu.memory_space<vmem>>, vector<16xf32>,
    tpu.vector_store %arg8[%swap3A_1404], %gather3A_1397 {strides = array<i32>} : memref<32768xf32, #tpu.memory_space<vmem>>, vector<16xf32>,
    %add3A_1406 = arith.constant 16 : i32
    %add3A_1407 = vector.broadcast %add3A_1406 : i32 to vector<16xi32>
    %add3A_1408 = arith.addi %iota3A, %add3A_1407 : vector<16xi32>
    %gather3A_1409 = arith.constant 6 : i32
    %gather3A_1410 = arith.constant 0 : i32
    %gather3A_1411 = arith.constant 0 : i32
    %gather3A_1412 = tpu.memref_slice %arg7[%gather3A_1409, %gather3A_1410, %gather3A_1411] : memref<8x64x128xf32, #tpu.memory_space<vmem>> -> memref<1x64x128xf32, #tpu.memory_space<vmem>>
    %gather3A_1413 = tpu.memref_squeeze %gather3A_1412 : memref<1x64x128xf32, #tpu.memory_space<vmem>> -> memref<64x128xf32, #tpu.memory_space<vmem>>
    %gather3A_1414 = tpu.vector_load_idx %gather3A_1413[%add3A_1408, %broadcast_in_dim3A_1388] : memref<64x128xf32, #tpu.memory_space<vmem>>[vector<16xi32>, vector<16xi32>], vector<16xf32>,
    %mul3A_1415 = arith.constant 510 : i32
    %mul3A_1416 = arith.constant 64 : i32
    %mul3A_1417 = arith.muli %mul3A_1415, %mul3A_1416 : i32
    %add3A_1418 = arith.constant 16 : i32
    %add3A_1419 = arith.addi %mul3A_1417, %add3A_1418 : i32
    %multiple_of3A_1420 = tpu.assume_multiple %add3A_1419, 16 : i32
    %swap3A_1421 = arith.index_cast %multiple_of3A_1420 : i32 to index
    %swap3A_1422 = tpu.vector_load %arg8[%swap3A_1421] {strides = array<i32>} : memref<32768xf32, #tpu.memory_space<vmem>>, vector<16xf32>,
    tpu.vector_store %arg8[%swap3A_1421], %gather3A_1414 {strides = array<i32>} : memref<32768xf32, #tpu.memory_space<vmem>>, vector<16xf32>,
    %add3A_1423 = arith.constant 32 : i32
    %add3A_1424 = vector.broadcast %add3A_1423 : i32 to vector<16xi32>
    %add3A_1425 = arith.addi %iota3A, %add3A_1424 : vector<16xi32>
    %gather3A_1426 = arith.constant 6 : i32
    %gather3A_1427 = arith.constant 0 : i32
    %gather3A_1428 = arith.constant 0 : i32
    %gather3A_1429 = tpu.memref_slice %arg7[%gather3A_1426, %gather3A_1427, %gather3A_1428] : memref<8x64x128xf32, #tpu.memory_space<vmem>> -> memref<1x64x128xf32, #tpu.memory_space<vmem>>
    %gather3A_1430 = tpu.memref_squeeze %gather3A_1429 : memref<1x64x128xf32, #tpu.memory_space<vmem>> -> memref<64x128xf32, #tpu.memory_space<vmem>>
    %gather3A_1431 = tpu.vector_load_idx %gather3A_1430[%add3A_1425, %broadcast_in_dim3A_1388] : memref<64x128xf32, #tpu.memory_space<vmem>>[vector<16xi32>, vector<16xi32>], vector<16xf32>,
    %mul3A_1432 = arith.constant 510 : i32
    %mul3A_1433 = arith.constant 64 : i32
    %mul3A_1434 = arith.muli %mul3A_1432, %mul3A_1433 : i32
    %add3A_1435 = arith.constant 32 : i32
    %add3A_1436 = arith.addi %mul3A_1434, %add3A_1435 : i32
    %multiple_of3A_1437 = tpu.assume_multiple %add3A_1436, 16 : i32
    %swap3A_1438 = arith.index_cast %multiple_of3A_1437 : i32 to index
    %swap3A_1439 = tpu.vector_load %arg8[%swap3A_1438] {strides = array<i32>} : memref<32768xf32, #tpu.memory_space<vmem>>, vector<16xf32>,
    tpu.vector_store %arg8[%swap3A_1438], %gather3A_1431 {strides = array<i32>} : memref<32768xf32, #tpu.memory_space<vmem>>, vector<16xf32>,
    %add3A_1440 = arith.constant 48 : i32
    %add3A_1441 = vector.broadcast %add3A_1440 : i32 to vector<16xi32>
    %add3A_1442 = arith.addi %iota3A, %add3A_1441 : vector<16xi32>
    %gather3A_1443 = arith.constant 6 : i32
    %gather3A_1444 = arith.constant 0 : i32
    %gather3A_1445 = arith.constant 0 : i32
    %gather3A_1446 = tpu.memref_slice %arg7[%gather3A_1443, %gather3A_1444, %gather3A_1445] : memref<8x64x128xf32, #tpu.memory_space<vmem>> -> memref<1x64x128xf32, #tpu.memory_space<vmem>>
    %gather3A_1447 = tpu.memref_squeeze %gather3A_1446 : memref<1x64x128xf32, #tpu.memory_space<vmem>> -> memref<64x128xf32, #tpu.memory_space<vmem>>
    %gather3A_1448 = tpu.vector_load_idx %gather3A_1447[%add3A_1442, %broadcast_in_dim3A_1388] : memref<64x128xf32, #tpu.memory_space<vmem>>[vector<16xi32>, vector<16xi32>], vector<16xf32>,
    %mul3A_1449 = arith.constant 510 : i32
    %mul3A_1450 = arith.constant 64 : i32
    %mul3A_1451 = arith.muli %mul3A_1449, %mul3A_1450 : i32
    %add3A_1452 = arith.constant 48 : i32
    %add3A_1453 = arith.addi %mul3A_1451, %add3A_1452 : i32
    %multiple_of3A_1454 = tpu.assume_multiple %add3A_1453, 16 : i32
    %swap3A_1455 = arith.index_cast %multiple_of3A_1454 : i32 to index
    %swap3A_1456 = tpu.vector_load %arg8[%swap3A_1455] {strides = array<i32>} : memref<32768xf32, #tpu.memory_space<vmem>>, vector<16xf32>,
    tpu.vector_store %arg8[%swap3A_1455], %gather3A_1448 {strides = array<i32>} : memref<32768xf32, #tpu.memory_space<vmem>>, vector<16xf32>,
    %dma_wait3A_1457 = arith.constant 7 : i32
    %dma_wait3A_1458 = arith.constant 0 : i32
    %dma_wait3A_1459 = arith.constant 0 : i32
    %dma_wait3A_1460 = tpu.memref_slice %arg7[%dma_wait3A_1457, %dma_wait3A_1458, %dma_wait3A_1459] : memref<8x64x128xf32, #tpu.memory_space<vmem>> -> memref<1x64x128xf32, #tpu.memory_space<vmem>>
    %dma_wait3A_1461 = tpu.memref_squeeze %dma_wait3A_1460 : memref<1x64x128xf32, #tpu.memory_space<vmem>> -> memref<64x128xf32, #tpu.memory_space<vmem>>
    %dma_wait3A_1462 = arith.constant 0 : i32
    %dma_wait3A_1463 = arith.constant 0 : i32
    %dma_wait3A_1464 = tpu.memref_slice %arg3[%dma_wait3A_1462, %dma_wait3A_1463] : memref<64x1000000xf32, #tpu.memory_space<hbm>> -> memref<64x128xf32, #tpu.memory_space<hbm>>
    %dma_wait3A_1465 = arith.constant 0 : i32
    %dma_wait3A_1466 = arith.constant 0 : i32
    %dma_wait3A_1467 = tpu.memref_slice %arg7[%dma_wait3A_1457, %dma_wait3A_1465, %dma_wait3A_1466] : memref<8x64x128xf32, #tpu.memory_space<vmem>> -> memref<1x64x128xf32, #tpu.memory_space<vmem>>
    %dma_wait3A_1468 = tpu.memref_squeeze %dma_wait3A_1467 : memref<1x64x128xf32, #tpu.memory_space<vmem>> -> memref<64x128xf32, #tpu.memory_space<vmem>>
    %dma_wait3A_1469 = arith.constant 0 : i32
    %dma_wait3A_1470 = arith.constant 0 : i32
    %dma_wait3A_1471 = tpu.memref_slice %arg3[%dma_wait3A_1469, %dma_wait3A_1470] : memref<64x1000000xf32, #tpu.memory_space<hbm>> -> memref<64x128xf32, #tpu.memory_space<hbm>>
    tpu.wait_dma2 semaphore(%arg16 : memref<!tpu.dma_semaphore, #tpu.memory_space<semaphore_mem>>) src(%dma_wait3A_1471 : memref<64x128xf32, #tpu.memory_space<hbm>>) dst(%dma_wait3A_1468 : memref<64x128xf32, #tpu.memory_space<vmem>>)
    %mul3A_1472 = arith.constant 511 : i32
    %mul3A_1473 = arith.constant 16 : i32
    %mul3A_1474 = arith.muli %mul3A_1472, %mul3A_1473 : i32
    %multiple_of3A_1475 = tpu.assume_multiple %mul3A_1474, 16 : i32
    %get3A_1476 = arith.index_cast %multiple_of3A_1475 : i32 to index
    %get3A_1477 = tpu.vector_load %arg6[%get3A_1476] {strides = array<i32>} : memref<8192xi32, #tpu.memory_space<vmem>>, vector<16xi32>,
    %slice3A_1478 = vector.extract_strided_slice %get3A_1477 {offsets = [1], sizes = [1], strides = [1]} : vector<16xi32> to vector<1xi32>
    %squeeze3A_1479 = vector.extract %slice3A_1478[0] : i32 from vector<1xi32>
    %broadcast_in_dim3A_1480 = vector.broadcast %squeeze3A_1479 : i32 to vector<16xi32>
    %add3A_1481 = arith.constant 0 : i32
    %add3A_1482 = vector.broadcast %add3A_1481 : i32 to vector<16xi32>
    %add3A_1483 = arith.addi %iota3A, %add3A_1482 : vector<16xi32>
    %gather3A_1484 = arith.constant 7 : i32
    %gather3A_1485 = arith.constant 0 : i32
    %gather3A_1486 = arith.constant 0 : i32
    %gather3A_1487 = tpu.memref_slice %arg7[%gather3A_1484, %gather3A_1485, %gather3A_1486] : memref<8x64x128xf32, #tpu.memory_space<vmem>> -> memref<1x64x128xf32, #tpu.memory_space<vmem>>
    %gather3A_1488 = tpu.memref_squeeze %gather3A_1487 : memref<1x64x128xf32, #tpu.memory_space<vmem>> -> memref<64x128xf32, #tpu.memory_space<vmem>>
    %gather3A_1489 = tpu.vector_load_idx %gather3A_1488[%add3A_1483, %broadcast_in_dim3A_1480] : memref<64x128xf32, #tpu.memory_space<vmem>>[vector<16xi32>, vector<16xi32>], vector<16xf32>,
    %mul3A_1490 = arith.constant 511 : i32
    %mul3A_1491 = arith.constant 64 : i32
    %mul3A_1492 = arith.muli %mul3A_1490, %mul3A_1491 : i32
    %add3A_1493 = arith.constant 0 : i32
    %add3A_1494 = arith.addi %mul3A_1492, %add3A_1493 : i32
    %multiple_of3A_1495 = tpu.assume_multiple %add3A_1494, 16 : i32
    %swap3A_1496 = arith.index_cast %multiple_of3A_1495 : i32 to index
    %swap3A_1497 = tpu.vector_load %arg8[%swap3A_1496] {strides = array<i32>} : memref<32768xf32, #tpu.memory_space<vmem>>, vector<16xf32>,
    tpu.vector_store %arg8[%swap3A_1496], %gather3A_1489 {strides = array<i32>} : memref<32768xf32, #tpu.memory_space<vmem>>, vector<16xf32>,
    %add3A_1498 = arith.constant 16 : i32
    %add3A_1499 = vector.broadcast %add3A_1498 : i32 to vector<16xi32>
    %add3A_1500 = arith.addi %iota3A, %add3A_1499 : vector<16xi32>
    %gather3A_1501 = arith.constant 7 : i32
    %gather3A_1502 = arith.constant 0 : i32
    %gather3A_1503 = arith.constant 0 : i32
    %gather3A_1504 = tpu.memref_slice %arg7[%gather3A_1501, %gather3A_1502, %gather3A_1503] : memref<8x64x128xf32, #tpu.memory_space<vmem>> -> memref<1x64x128xf32, #tpu.memory_space<vmem>>
    %gather3A_1505 = tpu.memref_squeeze %gather3A_1504 : memref<1x64x128xf32, #tpu.memory_space<vmem>> -> memref<64x128xf32, #tpu.memory_space<vmem>>
    %gather3A_1506 = tpu.vector_load_idx %gather3A_1505[%add3A_1500, %broadcast_in_dim3A_1480] : memref<64x128xf32, #tpu.memory_space<vmem>>[vector<16xi32>, vector<16xi32>], vector<16xf32>,
    %mul3A_1507 = arith.constant 511 : i32
    %mul3A_1508 = arith.constant 64 : i32
    %mul3A_1509 = arith.muli %mul3A_1507, %mul3A_1508 : i32
    %add3A_1510 = arith.constant 16 : i32
    %add3A_1511 = arith.addi %mul3A_1509, %add3A_1510 : i32
    %multiple_of3A_1512 = tpu.assume_multiple %add3A_1511, 16 : i32
    %swap3A_1513 = arith.index_cast %multiple_of3A_1512 : i32 to index
    %swap3A_1514 = tpu.vector_load %arg8[%swap3A_1513] {strides = array<i32>} : memref<32768xf32, #tpu.memory_space<vmem>>, vector<16xf32>,
    tpu.vector_store %arg8[%swap3A_1513], %gather3A_1506 {strides = array<i32>} : memref<32768xf32, #tpu.memory_space<vmem>>, vector<16xf32>,
    %add3A_1515 = arith.constant 32 : i32
    %add3A_1516 = vector.broadcast %add3A_1515 : i32 to vector<16xi32>
    %add3A_1517 = arith.addi %iota3A, %add3A_1516 : vector<16xi32>
    %gather3A_1518 = arith.constant 7 : i32
    %gather3A_1519 = arith.constant 0 : i32
    %gather3A_1520 = arith.constant 0 : i32
    %gather3A_1521 = tpu.memref_slice %arg7[%gather3A_1518, %gather3A_1519, %gather3A_1520] : memref<8x64x128xf32, #tpu.memory_space<vmem>> -> memref<1x64x128xf32, #tpu.memory_space<vmem>>
    %gather3A_1522 = tpu.memref_squeeze %gather3A_1521 : memref<1x64x128xf32, #tpu.memory_space<vmem>> -> memref<64x128xf32, #tpu.memory_space<vmem>>
    %gather3A_1523 = tpu.vector_load_idx %gather3A_1522[%add3A_1517, %broadcast_in_dim3A_1480] : memref<64x128xf32, #tpu.memory_space<vmem>>[vector<16xi32>, vector<16xi32>], vector<16xf32>,
    %mul3A_1524 = arith.constant 511 : i32
    %mul3A_1525 = arith.constant 64 : i32
    %mul3A_1526 = arith.muli %mul3A_1524, %mul3A_1525 : i32
    %add3A_1527 = arith.constant 32 : i32
    %add3A_1528 = arith.addi %mul3A_1526, %add3A_1527 : i32
    %multiple_of3A_1529 = tpu.assume_multiple %add3A_1528, 16 : i32
    %swap3A_1530 = arith.index_cast %multiple_of3A_1529 : i32 to index
    %swap3A_1531 = tpu.vector_load %arg8[%swap3A_1530] {strides = array<i32>} : memref<32768xf32, #tpu.memory_space<vmem>>, vector<16xf32>,
    tpu.vector_store %arg8[%swap3A_1530], %gather3A_1523 {strides = array<i32>} : memref<32768xf32, #tpu.memory_space<vmem>>, vector<16xf32>,
    %add3A_1532 = arith.constant 48 : i32
    %add3A_1533 = vector.broadcast %add3A_1532 : i32 to vector<16xi32>
    %add3A_1534 = arith.addi %iota3A, %add3A_1533 : vector<16xi32>
    %gather3A_1535 = arith.constant 7 : i32
    %gather3A_1536 = arith.constant 0 : i32
    %gather3A_1537 = arith.constant 0 : i32
    %gather3A_1538 = tpu.memref_slice %arg7[%gather3A_1535, %gather3A_1536, %gather3A_1537] : memref<8x64x128xf32, #tpu.memory_space<vmem>> -> memref<1x64x128xf32, #tpu.memory_space<vmem>>
    %gather3A_1539 = tpu.memref_squeeze %gather3A_1538 : memref<1x64x128xf32, #tpu.memory_space<vmem>> -> memref<64x128xf32, #tpu.memory_space<vmem>>
    %gather3A_1540 = tpu.vector_load_idx %gather3A_1539[%add3A_1534, %broadcast_in_dim3A_1480] : memref<64x128xf32, #tpu.memory_space<vmem>>[vector<16xi32>, vector<16xi32>], vector<16xf32>,
    %mul3A_1541 = arith.constant 511 : i32
    %mul3A_1542 = arith.constant 64 : i32
    %mul3A_1543 = arith.muli %mul3A_1541, %mul3A_1542 : i32
    %add3A_1544 = arith.constant 48 : i32
    %add3A_1545 = arith.addi %mul3A_1543, %add3A_1544 : i32
    %multiple_of3A_1546 = tpu.assume_multiple %add3A_1545, 16 : i32
    %swap3A_1547 = arith.index_cast %multiple_of3A_1546 : i32 to index
    %swap3A_1548 = tpu.vector_load %arg8[%swap3A_1547] {strides = array<i32>} : memref<32768xf32, #tpu.memory_space<vmem>>, vector<16xf32>,
    tpu.vector_store %arg8[%swap3A_1547], %gather3A_1540 {strides = array<i32>} : memref<32768xf32, #tpu.memory_space<vmem>>, vector<16xf32>,
    %mul3A_1549 = arith.constant 64 : i32
    %mul3A_1550 = arith.muli %mul3A_2, %mul3A_1549 : i32
    "tpu.region"() ({
      %run_scoped3A = tpu.sem_alloc : memref<!tpu.dma_semaphore, #tpu.memory_space<semaphore_mem>>
      %dma_start3A_1551 = tpu.memref_slice %arg4[%mul3A_1550] : memref<1048576xf32, #tpu.memory_space<hbm>> -> memref<32768xf32, #tpu.memory_space<hbm>>
      %dma_start3A_1552 = tpu.memref_slice %arg4[%mul3A_1550] : memref<1048576xf32, #tpu.memory_space<hbm>> -> memref<32768xf32, #tpu.memory_space<hbm>>
      tpu.enqueue_dma source(%arg8 : memref<32768xf32, #tpu.memory_space<vmem>>) target(%dma_start3A_1552 : memref<32768xf32, #tpu.memory_space<hbm>>) target_semaphore(%run_scoped3A : memref<!tpu.dma_semaphore, #tpu.memory_space<semaphore_mem>>)
      %dma_wait3A_1553 = tpu.memref_slice %arg4[%mul3A_1550] : memref<1048576xf32, #tpu.memory_space<hbm>> -> memref<32768xf32, #tpu.memory_space<hbm>>
      %dma_wait3A_1554 = tpu.memref_slice %arg4[%mul3A_1550] : memref<1048576xf32, #tpu.memory_space<hbm>> -> memref<32768xf32, #tpu.memory_space<hbm>>
      tpu.wait_dma2 semaphore(%run_scoped3A : memref<!tpu.dma_semaphore, #tpu.memory_space<semaphore_mem>>) src(%arg8 : memref<32768xf32, #tpu.memory_space<vmem>>) dst(%dma_wait3A_1554 : memref<32768xf32, #tpu.memory_space<hbm>>)
      tpu.yield
    }) : () -> ()
    return
  }
}

</mosaic_0001>

<sc_bundles>
// kernel: kernel.3.cloned.1.call-start
scs
__scs_entry_jumppad:
0x0: {  	(pc) =	sbr.rel $0x88, $3  }
0x1: {  	(tag) =	ssettag $0x0;
	lr =	simm.s32 $0x1  }
0x2: {  	[smem:$0x3F9F] =	sst lr;
	_ =	strace $0xD0000000  }
0x3: {  	_ = 	snop  }
0x4: {  	_ = 	snop  }
0x5: {  	_ = 	snop  }
0x6: {  	_ = 	snop  }
0x7: {  	_ = 	snop  }
__scs_overlays_trampoline_lowered:
0x8: {  	[smem:$0x3FAE] =	sst s0  }
0x9: {  	[smem:$0x3FAF] =	sst s1  }
0xa: {  	[smem:$0x3FB0] =	sst s2  }
0xb: {  	[smem:$0x3FB1] =	sst s3  }
0xc: {  	[smem:$0x3FB2] =	sst s4  }
0xd: {  	[smem:$0x3FB3] =	sst s5  }
0xe: {  	[smem:$0x3FB4] =	sst s6  }
0xf: {  	[smem:$0x3FB5] =	sst s7  }
0x10: {  	[smem:$0x3FB6] =	sst s8  }
0x11: {  	[smem:$0x3FB7] =	sst s9;
	s0 =	simm.s32 @!p0 $0x0  }
0x12: {  	s1 =	sld [smem:$0x3F9D];
	s0 =	simm.s32 @p0 $0x1  }
0x13: {  	[smem:$0x3FB8] =	sst s0;
	s0 =	simm.s32 @!p1 $0x0  }
0x14: {  	s2 =	sld [smem:$0x3F9C];
	s0 =	simm.s32 @p1 $0x1  }
0x15: {  	[smem:$0x3FB9] =	sst s0;
	s0 =	simm.s32 @!p2 $0x0  }
0x16: {  	s3 =	sld [smem:$0x3FDB];
	s0 =	simm.s32 @p2 $0x1  }
0x17: {  	s4 =	simm.s32 $0x1BF5;
	[smem:$0x3FBB] =	sst s0  }
0x18: {  	s0 =	sld [smem:$0x3F9E];
	_ =	swait.ge [sflag:s4], $0x0  }
0x19: {  	s7 =	sld [smem:$0x3F9F]  }
0x1a: {  	s8 =	sadd.s32 $0xFFFFE003, lr  }
0x1b: {  	s9 =	sadd.s32 $0xFFFFFEF7, lr;
	s5 =	simm.s32 $0xFFFFFFFF;
	p2 =	slt.u32 s8, $0xFFFFF086  }
0x1c: {  	p1 =	slt.u32 s9, $0xF7A;
	s5 =	simm.s32 @!p2 $0x0  }
0x1d: {  	s5 =	simm.s32 @p1 $0x1;
	p0 =	seq.s32 s7, s2  }
0x1e: {  	s7 =	smul.u32 @!p0 $0xF7A, s2;
	p2 =	seq.s32 @!p0 s5, $0x0  }
0x1f: {  	s9 =	smul.u32 $0xF7A, s1;
	s8 =	simm.s32 @!p0 $0x1BF5;
	p2 =	por !p2, p0  }
0x20: {  	[sflag:s8] =	ssyncset.s32 @!p0 $0xFFFFF086;
	s6 =	sadd.s32 @!p0 s3, s7;
	s7 =	simm.s32 @!p0 $0x108  }
0x21: {  	s3 =	sadd.s32 s3, s9;
	s6 =	sadd.s32 @!p0 $0x88, s6;
	s7 =	simm.s32 @p2 $0x1082  }
0x22: {  	[simem:s7], [sflag:s8] =	dma.local @!p0 [hbm:s6], $0xF7A  }
0x23: {  	s9 =	sor.u32 $0xD0000000, s2;
	s6 =	simm.s32 $0x108;
	_ =	swait.ge @!p0 [sflag:s8], $0x0  }
0x24: {  	s3 =	sadd.s32 $0x88, s3;
	s6 =	simm.s32 @!p1 $0x1082;
	[sflag:s4] =	ssyncset.s32 $0xFFFFF086  }
0x25: {  	[simem:s6], [sflag:s4] =	dma.local [hbm:s3], $0xF7A  }
0x26: {  	[smem:$0x3F9F] =	sst s1;
	(tag) =	ssettag s2;
	_ =	strace s9  }
0x27: {  	s1 =	sld [smem:$0x3FAF]  }
0x28: {  	s2 =	sld [smem:$0x3FB0]  }
0x29: {  	s4 =	sld [smem:$0x3FB2]  }
0x2a: {  	p0 =	seq.s32 s5, $0x0;
	s5 =	sld [smem:$0x3FB3]  }
0x2b: {  	s6 =	sld [smem:$0x3FB4]  }
0x2c: {  	s7 =	sld [smem:$0x3FB5]  }
0x2d: {  	s3 =	simm.s32 $0x108;
	s8 =	sld [smem:$0x3FB6]  }
0x2e: {  	s3 =	simm.s32 @!p0 $0x1082;
	s9 =	sld [smem:$0x3FB7]  }
0x2f: {  	lr =	sadd.s32 s0, s3;
	s0 =	sld [smem:$0x3FAE]  }
0x30: {  	s3 =	sld [smem:$0x3FB1]  }
0x31: {  	[smem:$0x3FBA] =	sst s10  }
0x32: {  	s10 =	sld [smem:$0x3FB8];
	_ =	sdelay $0x3  }
0x33: {  	p0 =	seq.s32 s10, $0x1;
	s10 =	sld [smem:$0x3FBA];
	_ =	sdelay $0x3  }
0x34: {  	[smem:$0x3FBA] =	sst s10  }
0x35: {  	s10 =	sld [smem:$0x3FB9];
	_ =	sdelay $0x3  }
0x36: {  	p1 =	seq.s32 s10, $0x1;
	s10 =	sld [smem:$0x3FBA];
	_ =	sdelay $0x3  }
0x37: {  	[smem:$0x3FBA] =	sst s10  }
0x38: {  	s10 =	sld [smem:$0x3FBB]  }
0x39: {  	_ = 	snop;
	(pc) =	sbr.ind lr, $3  }
0x3a: {  	_ = 	snop  }
0x3b: {  	_ = 	snop  }
0x3c: {  	p2 =	seq.s32 s10, $0x1;
	s10 =	sld [smem:$0x3FBA]  }
0x3d: {  	_ =	shalt  }
0x3e: {  	_ =	shalt  }
0x3f: {  	_ =	shalt  }
0x40: {  	_ =	shalt  }
0x41: {  	_ =	shalt  }
0x42: {  	_ =	shalt  }
0x43: {  	_ =	shalt  }
0x44: {  	_ =	shalt  }
0x45: {  	_ =	shalt  }
0x46: {  	_ =	shalt  }
0x47: {  	_ =	shalt  }
0x48: {  	_ =	shalt  }
0x49: {  	_ =	shalt  }
0x4a: {  	_ =	shalt  }
0x4b: {  	_ =	shalt  }
0x4c: {  	_ =	shalt  }
0x4d: {  	_ =	shalt  }
0x4e: {  	_ =	shalt  }
0x4f: {  	_ =	shalt  }
0x50: {  	_ =	shalt  }
0x51: {  	_ =	shalt  }
0x52: {  	_ =	shalt  }
0x53: {  	_ =	shalt  }
0x54: {  	_ =	shalt  }
0x55: {  	_ =	shalt  }
0x56: {  	_ =	shalt  }
0x57: {  	_ =	shalt  }
0x58: {  	_ =	shalt  }
0x59: {  	_ =	shalt  }
0x5a: {  	_ =	shalt  }
0x5b: {  	_ =	shalt  }
0x5c: {  	_ =	shalt  }
0x5d: {  	_ =	shalt  }
0x5e: {  	_ =	shalt  }
0x5f: {  	_ =	shalt  }
0x60: {  	_ =	shalt  }
0x61: {  	_ =	shalt  }
0x62: {  	_ =	shalt  }
0x63: {  	_ =	shalt  }
0x64: {  	_ =	shalt  }
0x65: {  	_ =	shalt  }
0x66: {  	_ =	shalt  }
0x67: {  	_ =	shalt  }
0x68: {  	_ =	shalt  }
0x69: {  	_ =	shalt  }
0x6a: {  	_ =	shalt  }
0x6b: {  	_ =	shalt  }
0x6c: {  	_ =	shalt  }
0x6d: {  	_ =	shalt  }
0x6e: {  	_ =	shalt  }
0x6f: {  	_ =	shalt  }
0x70: {  	_ =	shalt  }
0x71: {  	_ =	shalt  }
0x72: {  	_ =	shalt  }
0x73: {  	_ =	shalt  }
0x74: {  	_ =	shalt  }
0x75: {  	_ =	shalt  }
0x76: {  	_ =	shalt  }
0x77: {  	_ =	shalt  }
0x78: {  	_ =	shalt  }
0x79: {  	_ =	shalt  }
0x7a: {  	_ =	shalt  }
0x7b: {  	_ =	shalt  }
0x7c: {  	_ =	shalt  }
0x7d: {  	_ =	shalt  }
0x7e: {  	_ =	shalt  }
0x7f: {  	_ =	shalt  }
0x80: {  	_ =	shalt  }
0x81: {  	_ =	shalt  }
0x82: {  	_ =	shalt  }
0x83: {  	_ =	shalt  }
0x84: {  	_ =	shalt  }
0x85: {  	_ =	shalt  }
0x86: {  	_ =	shalt  }
0x87: {  	_ =	shalt  }
.Lfunc_end0:
.L_simem_size_0:
called_computation_lowered:
.L_overlay_start_0:
0x88: {  	s2 =	sld [smem:$0x3FD9]  }
0x89: {  	s3 =	sld [smem:$0x3FFE];
	_ =	sdelay $0x1  }
0x8a: {  	s1 =	srdreg.scid  }
0x8b: {  	s0 =	sand.u32 $0x1, s1  }
0x8c: {  	s18 =	sshll.u32 s0, $0xA;
	s2 =	sadd.s32 s3, s2  }
0x8d: {  	s2 =	sadd.s32 s2, s18  }
0x8e: {  	[smem:$0x3FC6] =	sst s2  }
0x8f: {  	_ = 	snop  }
0x90: {  	s2 =	sld [smem:$0x3FC9]  }
0x91: {  	s19 =	sld [smem:$0x3FC8]  }
0x92: {  	s4 =	sld [smem:$0x3FD0];
	(tm) =	ssettm $0x1  }
0x93: {  	s5 =	sld [smem:$0x3FFB];
	_ =	sdelay $0x3  }
0x94: {  	_ =	strace s5  }
0x95: {  	s5 =	sld [smem:$0x3FFC];
	_ =	sdelay $0x3  }
0x96: {  	_ =	strace s5  }
0x97: {  	s5 =	sld [smem:$0x3FFD];
	_ =	sdelay $0x3  }
0x98: {  	_ =	strace s5  }
0x99: {  	_ =	strace $0x8FFFFFFF  }
0x9a: {  	s20 =	sld [smem:$0x3FDB];
	_ =	sdelay $0x1  }
0x9b: {  	s6 =	simm.s32 $_scs_section_size  }
0x9c: {  	s7 =	simm.s32 $_size__tile_overlayer_lowered;
	s8 =	simm.s32 $_tile_overlayer_lowered  }
0x9d: {  	s23 =	simm.s32 $0x1BFF;
	s22 =	sshll.u32 s8, $0x1;
	s5 =	sadd.s32 s6, s20  }
0x9e: {  	s9 =	simm.s32 $0x0;
	s21 =	sshll.u32 s7, $0x1;
	s7 =	sadd.s32 s22, s5  }
0x9f: {  	[timem:s9], [sflag:s23] =	dma.local [hbm:s7], s21  }
0xa0: {  	_ =	swait.ge [sflag:s23], s21  }
0xa1: {  	s6 =	ssub.s32 $0x0, s21;
	[sflag:s23] =	ssyncset.done $0x0  }
0xa2: {  	[sflag:s23] =	ssyncadd.s32 s6;
	_ =	sdelay $0x1  }
0xa3: {  	s24 =	simm.s32 $0x1B8B  }
0xa4: {  	_ =	swait.ge [sflag:s24], $0x1  }
0xa5: {  	[sflag:s24] =	ssyncset.done $0x0  }
0xa6: {  	s25 =	simm.s32 $0x1B8E;
	[sflag:s24] =	ssyncadd.s32 $0xFFFFFFFF  }
0xa7: {  	s26 =	simm.s32 $execute0_lowered;
	[smem:$0x3FD2] =	sst s25  }
0xa8: {  	s6 =	sshll.u32 s26, $0x1;
	_ =	strace $0x80000046;
	[dreg:$0x1] =	wrdreg $0xFFFFFFFF  }
0xa9: {  	s28 =	simm.s32 $_size_execute0_lowered;
	s5 =	sadd.s32 s5, s6;
	[dreg:$0x0] =	wrdreg $0x0  }
0xaa: {  	s6 =	sshll.u32 s28, $0x1;
	[dreg:$0x2] =	wrdreg s5  }
0xab: {  	[dreg:$0x3] =	wrdreg s6  }
0xac: {  	[dreg:$0x4] =	wrdreg $0xC0  }
0xad: {  	_ =	task [dreg:s9], $0x5FFFF  }
0xae: {  	[dreg:$0x1] =	wrdreg $0xFFFFFFFF  }
0xaf: {  	[dreg:$0x0] =	wrdreg $0x60  }
0xb0: {  	[dreg:$0x2] =	wrdreg s2  }
0xb1: {  	[dreg:$0x3] =	wrdreg s19  }
0xb2: {  	[dreg:$0x4] =	wrdreg s4  }
0xb3: {  	[dreg:$0x5] =	wrdreg $0x9  }
0xb4: {  	_ =	task.clear_ibuf [dreg:s9], $0x6FFFF;
	_ =	strace $0x90000046  }
0xb5: {  	s29 =	simm.s32 $0x9;
	_ =	strace $0x80000048  }
0xb6: {  	_ =	swait.ge [sflag:s29], $0x1  }
0xb7: {  	[sflag:s29] =	ssyncadd.s32 $0xFFFFFFFF  }
0xb8: {  	_ =	strace $0x90000048  }
0xb9: {  	_ =	sfence  }
0xba: {  	s30 =	sld [smem:$0x0];
	_ =	sdelay $0x2  }
0xbb: {  	s31 =	sshll.u32 s1, $0xD;
	s1 =	sshrl.u32 s1, $0x2  }
0xbc: {  	s3 =	sand.u32 $0x4000, s31;
	s1 =	sadd.s32 s1, s30  }
0xbd: {  	s0 =	sor.u32 s3, s0;
	s1 =	sshll.u32 s1, $0x11  }
0xbe: {  	s0 =	sor.u32 s1, s0  }
0xbf: {  	s0 =	sadd.s32 $0x8F2B, s0  }
0xc0: {  	[sflag:s0] =	ssyncadd.remote.s32 $0x1  }
0xc1: {  	_ =	sfence.sel $0xFFFF  }
0xc2: {  	[dreg:$0x0] =	wrdreg $0xFFFFFFFF;
	(pc) =	sbr.abs _section_cstart, $3  }
0xc3: {  	[dreg:$0x1] =	wrdreg $0xFFFFFFFF  }
0xc4: {  	_ =	task.clear_ibuf [dreg:s9], $0x2FFFF;
	_ =	strace $0x9FFFFFFF  }
0xc5: {  	(tm) =	ssettm $0x7FFFFFFF  }
tec
execute0_lowered:
.L_overlay_start_1:
0x0: {  	(tag) =	ssettag $0x1  }
0x1: {  	v0 =	vlaneseq.u32  }
0x2: {  	v1 =	vmul.u32 $0x10, v0;
	_ =	sdelay $0x1  }
0x3: {  	v2 =	vor.u32 $0x1, v1;
	v10 =	vor.u32 $0x401, v1;
	v11 =	vor.u32 $0x500, v1  }
0x4: {  	v12 =	vor.u32 $0x501, v1;
	v13 =	vor.u32 $0x600, v1;
	v14 =	vor.u32 $0x601, v1  }
0x5: {  	v15 =	vor.u32 $0x700, v1;
	v16 =	vor.u32 $0x701, v1;
	v17 =	vor.u32 $0x800, v1  }
0x6: {  	v18 =	vor.u32 $0x801, v1;
	v19 =	vor.u32 $0x900, v1;
	v20 =	vor.u32 $0x901, v1  }
0x7: {  	v21 =	vor.u32 $0xA00, v1;
	v22 =	vor.u32 $0xA01, v1;
	v23 =	vor.u32 $0xB00, v1  }
0x8: {  	s1 =	rddreg [dreg:$0x0];
	v24 =	vor.u32 $0xB01, v1;
	v25 =	vor.u32 $0xC00, v1;
	v26 =	vor.u32 $0xC01, v1  }
0x9: {  	s0 =	rddreg [dreg:$0x1];
	v27 =	vor.u32 $0xD00, v1;
	v28 =	vor.u32 $0xD01, v1;
	v29 =	vor.u32 $0xE00, v1  }
0xa: {  	s5 =	rddreg [dreg:$0x2];
	v30 =	vor.u32 $0xE01, v1;
	v31 =	vor.u32 $0xF00, v1;
	v32 =	vor.u32 $0xF01, v1  }
0xb: {  	s4 =	srdreg.scid;
	s2 =	stileid.u32;
	v33 =	vor.u32 $0x1000, v1;
	v34 =	vor.u32 $0x1001, v1;
	v35 =	vor.u32 $0x1100, v1  }
0xc: {  	s3 =	simm.s32 $0x0;
	s10 =	simm.s32 $0x7A1400;
	s11 =	simm.s32 $0x2200;
	v36 =	vor.u32 $0x1101, v1;
	v37 =	vor.u32 $0x1200, v1;
	v38 =	vor.u32 $0x1201, v1  }
0xd: {  	s12 =	simm.s32 $0x4200;
	s13 =	simm.s32 $0x6200;
	s14 =	simm.s32 $0x8200;
	v39 =	vor.u32 $0x1300, v1;
	v40 =	vor.u32 $0x1301, v1;
	v41 =	vor.u32 $0x1400, v1  }
0xe: {  	s15 =	simm.s32 $0xA200;
	s16 =	simm.s32 $0xC200;
	s17 =	simm.s32 $0xE200;
	v42 =	vor.u32 $0x1401, v1;
	v43 =	vor.u32 $0x1500, v1;
	v44 =	vor.u32 $0x1501, v1  }
0xf: {  	s18 =	simm.s32 $0x10200;
	s19 =	simm.s32 $0x1;
	s20 =	simm.s32 $0x2;
	v45 =	vor.u32 $0x1600, v1;
	v46 =	vor.u32 $0x1601, v1;
	[tilespmem:$0x1FF80] =	vst v2;
	v2 =	vor.u32 $0x100, v1  }
0x10: {  	s21 =	simm.s32 $0x3;
	s22 =	simm.s32 $0x4;
	s23 =	simm.s32 $0x5;
	v47 =	vor.u32 $0x1700, v1;
	v48 =	vor.u32 $0x1701, v1;
	[tilespmem:$0x1FF90] =	vst v2;
	v2 =	vor.u32 $0x101, v1  }
0x11: {  	s24 =	simm.s32 $0x6;
	s25 =	simm.s32 $0x7;
	s26 =	simm.s32 $0x8;
	v49 =	vor.u32 $0x1800, v1;
	v50 =	vor.u32 $0x1801, v1;
	[tilespmem:$0x1FFA0] =	vst v2;
	v2 =	vor.u32 $0x200, v1  }
0x12: {  	s28 =	simm.s32 $0x12200;
	s4 =	sand.u32 $0x1, s4;
	s6 =	sshll.u32 s2, $0x1;
	v51 =	vor.u32 $0x1900, v1;
	v52 =	vor.u32 $0x1901, v1;
	[tilespmem:$0x1FFB0] =	vst v2;
	v2 =	vor.u32 $0x201, v1  }
0x13: {  	s29 =	simm.s32 $0x0;
	s7 =	ssub.s32 $0x2, s4;
	s6 =	sor.u32 s4, s6;
	v53 =	vor.u32 $0x1A00, v1;
	v54 =	vor.u32 $0x1A01, v1;
	[tilespmem:$0x1FFC0] =	vst v2;
	v2 =	vor.u32 $0x300, v1  }
0x14: {  	[smem:$0x7FF] =	sst s3;
	s30 =	sshrl.u32 s7, $0x1;
	s8 =	sshll.u32 s6, $0x6;
	v55 =	vor.u32 $0x1B00, v1;
	v56 =	vor.u32 $0x1B01, v1;
	[tilespmem:$0x1FFD0] =	vst v2;
	v2 =	vor.u32 $0x301, v1  }
0x15: {  	s31 =	sshll.u32 s6, $0xC;
	s6 =	simm.s32 $0x9;
	v57 =	vor.u32 $0x1C00, v1;
	v58 =	vor.u32 $0x1C01, v1;
	s9 =	ssub.s32 s7, s30;
	[tilespmem:$0x1FFE0] =	vst v2;
	v2 =	vor.u32 $0x400, v1  }
0x16: {  	v59 =	vor.u32 $0x1D00, v1;
	v60 =	vor.u32 $0x1D01, v1;
	v61 =	vor.u32 $0x1E00, v1;
	s4 =	sadd.s32 s1, s8;
	s5 =	sadd.s32 s5, s31;
	s7 =	simm.s32 $0x200;
	[tilespmem:$0x1FFF0] =	vst v2  }
0x17: {  	v62 =	vor.u32 $0x1E01, v1;
	v63 =	vor.u32 $0x1F00, v1;
	s8 =	smax.u32 s9, $0x1;
	s9 =	simm.s32 $0x400;
	v2 =	vor.u32 $0x1F01, v1;
	_ =	strace $0x80000047  }
.LBB2_1:
0x18: {  	[tilespmem:s3], [sflag:$0x9] =	stream.linear.gather [hbm4b:s4+s3], $0x200, $0x38;
	[tilespmem:$0x1A200] =	vst v63  }
0x19: {  	_ =	swait.ge [sflag:s6], $0x200  }
0x1a: {  	[sflag:s6] =	ssyncset.done $0x0  }
0x1b: {  	[sflag:s6] =	ssyncadd.s32 $0xFFFFFE00  }
0x1c: {  	v3 =	vld [tilespmem:$0x0];
	_ =	sdelay $0x4  }
0x1d: {  	v4 =	vand.u32 $0xFFFFFF80, v3  }
0x1e: {  	[tilespmem:v1+s7+$0x0] =	vst.idx.msk $0xffff, v4;
	v4 =	vld [tilespmem:$0x1FF80];
	_ =	sdelay $0x6  }
0x1f: {  	v5 =	vld [tilespmem:$0x1FF90];
	v3 =	vand.u32 $0x7F, v3  }
0x20: {  	[tilespmem:v4+s7+$0x0] =	vst.idx.msk $0xffff, v3  }
0x21: {  	v3 =	vld [tilespmem:$0x10];
	_ =	sdelay $0x4  }
0x22: {  	v4 =	vand.u32 $0xFFFFFF80, v3  }
0x23: {  	[tilespmem:v5+s7+$0x0] =	vst.idx.msk $0xffff, v4;
	v4 =	vld [tilespmem:$0x1FFA0];
	_ =	sdelay $0x6  }
0x24: {  	v3 =	vand.u32 $0x7F, v3;
	v5 =	vld [tilespmem:$0x1FFB0]  }
0x25: {  	[tilespmem:v4+s7+$0x0] =	vst.idx.msk $0xffff, v3  }
0x26: {  	v3 =	vld [tilespmem:$0x20];
	_ =	sdelay $0x4  }
0x27: {  	v4 =	vand.u32 $0xFFFFFF80, v3  }
0x28: {  	[tilespmem:v5+s7+$0x0] =	vst.idx.msk $0xffff, v4;
	v4 =	vld [tilespmem:$0x1FFC0];
	_ =	sdelay $0x6  }
0x29: {  	v3 =	vand.u32 $0x7F, v3;
	v5 =	vld [tilespmem:$0x1FFD0]  }
0x2a: {  	[tilespmem:v4+s7+$0x0] =	vst.idx.msk $0xffff, v3  }
0x2b: {  	v3 =	vld [tilespmem:$0x30];
	_ =	sdelay $0x4  }
0x2c: {  	v4 =	vand.u32 $0xFFFFFF80, v3  }
0x2d: {  	[tilespmem:v5+s7+$0x0] =	vst.idx.msk $0xffff, v4;
	v4 =	vld [tilespmem:$0x1FFE0];
	_ =	sdelay $0x6  }
0x2e: {  	v3 =	vand.u32 $0x7F, v3;
	v5 =	vld [tilespmem:$0x1FFF0]  }
0x2f: {  	[tilespmem:v4+s7+$0x0] =	vst.idx.msk $0xffff, v3  }
0x30: {  	v3 =	vld [tilespmem:$0x40];
	_ =	sdelay $0x4  }
0x31: {  	v4 =	vand.u32 $0xFFFFFF80, v3  }
0x32: {  	v3 =	vand.u32 $0x7F, v3;
	[tilespmem:v5+s7+$0x0] =	vst.idx.msk $0xffff, v4  }
0x33: {  	[tilespmem:v10+s7+$0x0] =	vst.idx.msk $0xffff, v3  }
0x34: {  	v3 =	vld [tilespmem:$0x50];
	_ =	sdelay $0x4  }
0x35: {  	v4 =	vand.u32 $0xFFFFFF80, v3  }
0x36: {  	v3 =	vand.u32 $0x7F, v3;
	[tilespmem:v11+s7+$0x0] =	vst.idx.msk $0xffff, v4  }
0x37: {  	[tilespmem:v12+s7+$0x0] =	vst.idx.msk $0xffff, v3  }
0x38: {  	v3 =	vld [tilespmem:$0x60];
	_ =	sdelay $0x4  }
0x39: {  	v4 =	vand.u32 $0xFFFFFF80, v3  }
0x3a: {  	v3 =	vand.u32 $0x7F, v3;
	[tilespmem:v13+s7+$0x0] =	vst.idx.msk $0xffff, v4  }
0x3b: {  	[tilespmem:v14+s7+$0x0] =	vst.idx.msk $0xffff, v3  }
0x3c: {  	v3 =	vld [tilespmem:$0x70];
	_ =	sdelay $0x4  }
0x3d: {  	v4 =	vand.u32 $0xFFFFFF80, v3  }
0x3e: {  	v3 =	vand.u32 $0x7F, v3;
	[tilespmem:v15+s7+$0x0] =	vst.idx.msk $0xffff, v4  }
0x3f: {  	[tilespmem:v16+s7+$0x0] =	vst.idx.msk $0xffff, v3  }
0x40: {  	v3 =	vld [tilespmem:$0x80];
	_ =	sdelay $0x4  }
0x41: {  	v4 =	vand.u32 $0xFFFFFF80, v3  }
0x42: {  	v3 =	vand.u32 $0x7F, v3;
	[tilespmem:v17+s7+$0x0] =	vst.idx.msk $0xffff, v4  }
0x43: {  	[tilespmem:v18+s7+$0x0] =	vst.idx.msk $0xffff, v3  }
0x44: {  	v3 =	vld [tilespmem:$0x90];
	_ =	sdelay $0x4  }
0x45: {  	v4 =	vand.u32 $0xFFFFFF80, v3  }
0x46: {  	v3 =	vand.u32 $0x7F, v3;
	[tilespmem:v19+s7+$0x0] =	vst.idx.msk $0xffff, v4  }
0x47: {  	[tilespmem:v20+s7+$0x0] =	vst.idx.msk $0xffff, v3  }
0x48: {  	v3 =	vld [tilespmem:$0xA0];
	_ =	sdelay $0x4  }
0x49: {  	v4 =	vand.u32 $0xFFFFFF80, v3  }
0x4a: {  	v3 =	vand.u32 $0x7F, v3;
	[tilespmem:v21+s7+$0x0] =	vst.idx.msk $0xffff, v4  }
0x4b: {  	[tilespmem:v22+s7+$0x0] =	vst.idx.msk $0xffff, v3  }
0x4c: {  	v3 =	vld [tilespmem:$0xB0];
	_ =	sdelay $0x4  }
0x4d: {  	v4 =	vand.u32 $0xFFFFFF80, v3  }
0x4e: {  	v3 =	vand.u32 $0x7F, v3;
	[tilespmem:v23+s7+$0x0] =	vst.idx.msk $0xffff, v4  }
0x4f: {  	[tilespmem:v24+s7+$0x0] =	vst.idx.msk $0xffff, v3  }
0x50: {  	v3 =	vld [tilespmem:$0xC0];
	_ =	sdelay $0x4  }
0x51: {  	v4 =	vand.u32 $0xFFFFFF80, v3  }
0x52: {  	v3 =	vand.u32 $0x7F, v3;
	[tilespmem:v25+s7+$0x0] =	vst.idx.msk $0xffff, v4  }
0x53: {  	[tilespmem:v26+s7+$0x0] =	vst.idx.msk $0xffff, v3  }
0x54: {  	v3 =	vld [tilespmem:$0xD0];
	_ =	sdelay $0x4  }
0x55: {  	v4 =	vand.u32 $0xFFFFFF80, v3  }
0x56: {  	v3 =	vand.u32 $0x7F, v3;
	[tilespmem:v27+s7+$0x0] =	vst.idx.msk $0xffff, v4  }
0x57: {  	[tilespmem:v28+s7+$0x0] =	vst.idx.msk $0xffff, v3  }
0x58: {  	v3 =	vld [tilespmem:$0xE0];
	_ =	sdelay $0x4  }
0x59: {  	v4 =	vand.u32 $0xFFFFFF80, v3  }
0x5a: {  	v3 =	vand.u32 $0x7F, v3;
	[tilespmem:v29+s7+$0x0] =	vst.idx.msk $0xffff, v4  }
0x5b: {  	[tilespmem:v30+s7+$0x0] =	vst.idx.msk $0xffff, v3  }
0x5c: {  	v3 =	vld [tilespmem:$0xF0];
	_ =	sdelay $0x4  }
0x5d: {  	v4 =	vand.u32 $0xFFFFFF80, v3  }
0x5e: {  	v3 =	vand.u32 $0x7F, v3;
	[tilespmem:v31+s7+$0x0] =	vst.idx.msk $0xffff, v4  }
0x5f: {  	[tilespmem:v32+s7+$0x0] =	vst.idx.msk $0xffff, v3  }
0x60: {  	v3 =	vld [tilespmem:$0x100];
	_ =	sdelay $0x4  }
0x61: {  	v4 =	vand.u32 $0xFFFFFF80, v3  }
0x62: {  	v3 =	vand.u32 $0x7F, v3;
	[tilespmem:v33+s7+$0x0] =	vst.idx.msk $0xffff, v4  }
0x63: {  	[tilespmem:v34+s7+$0x0] =	vst.idx.msk $0xffff, v3  }
0x64: {  	v3 =	vld [tilespmem:$0x110];
	_ =	sdelay $0x4  }
0x65: {  	v4 =	vand.u32 $0xFFFFFF80, v3  }
0x66: {  	v3 =	vand.u32 $0x7F, v3;
	[tilespmem:v35+s7+$0x0] =	vst.idx.msk $0xffff, v4  }
0x67: {  	[tilespmem:v36+s7+$0x0] =	vst.idx.msk $0xffff, v3  }
0x68: {  	v3 =	vld [tilespmem:$0x120];
	_ =	sdelay $0x4  }
0x69: {  	v4 =	vand.u32 $0xFFFFFF80, v3  }
0x6a: {  	v3 =	vand.u32 $0x7F, v3;
	[tilespmem:v37+s7+$0x0] =	vst.idx.msk $0xffff, v4  }
0x6b: {  	[tilespmem:v38+s7+$0x0] =	vst.idx.msk $0xffff, v3  }
0x6c: {  	v3 =	vld [tilespmem:$0x130];
	_ =	sdelay $0x4  }
0x6d: {  	v4 =	vand.u32 $0xFFFFFF80, v3  }
0x6e: {  	v3 =	vand.u32 $0x7F, v3;
	[tilespmem:v39+s7+$0x0] =	vst.idx.msk $0xffff, v4  }
0x6f: {  	[tilespmem:v40+s7+$0x0] =	vst.idx.msk $0xffff, v3  }
0x70: {  	v3 =	vld [tilespmem:$0x140];
	_ =	sdelay $0x4  }
0x71: {  	v4 =	vand.u32 $0xFFFFFF80, v3  }
0x72: {  	v3 =	vand.u32 $0x7F, v3;
	[tilespmem:v41+s7+$0x0] =	vst.idx.msk $0xffff, v4  }
0x73: {  	[tilespmem:v42+s7+$0x0] =	vst.idx.msk $0xffff, v3  }
0x74: {  	v3 =	vld [tilespmem:$0x150];
	_ =	sdelay $0x4  }
0x75: {  	v4 =	vand.u32 $0xFFFFFF80, v3  }
0x76: {  	v3 =	vand.u32 $0x7F, v3;
	[tilespmem:v43+s7+$0x0] =	vst.idx.msk $0xffff, v4  }
0x77: {  	[tilespmem:v44+s7+$0x0] =	vst.idx.msk $0xffff, v3  }
0x78: {  	v3 =	vld [tilespmem:$0x160];
	_ =	sdelay $0x4  }
0x79: {  	v4 =	vand.u32 $0xFFFFFF80, v3  }
0x7a: {  	v3 =	vand.u32 $0x7F, v3;
	[tilespmem:v45+s7+$0x0] =	vst.idx.msk $0xffff, v4  }
0x7b: {  	[tilespmem:v46+s7+$0x0] =	vst.idx.msk $0xffff, v3  }
0x7c: {  	v3 =	vld [tilespmem:$0x170];
	_ =	sdelay $0x4  }
0x7d: {  	v4 =	vand.u32 $0xFFFFFF80, v3  }
0x7e: {  	v3 =	vand.u32 $0x7F, v3;
	[tilespmem:v47+s7+$0x0] =	vst.idx.msk $0xffff, v4  }
0x7f: {  	[tilespmem:v48+s7+$0x0] =	vst.idx.msk $0xffff, v3  }
0x80: {  	v3 =	vld [tilespmem:$0x180];
	_ =	sdelay $0x4  }
0x81: {  	v4 =	vand.u32 $0xFFFFFF80, v3  }
0x82: {  	v3 =	vand.u32 $0x7F, v3;
	[tilespmem:v49+s7+$0x0] =	vst.idx.msk $0xffff, v4  }
0x83: {  	[tilespmem:v50+s7+$0x0] =	vst.idx.msk $0xffff, v3  }
0x84: {  	v3 =	vld [tilespmem:$0x190];
	_ =	sdelay $0x4  }
0x85: {  	v4 =	vand.u32 $0xFFFFFF80, v3  }
0x86: {  	v3 =	vand.u32 $0x7F, v3;
	[tilespmem:v51+s7+$0x0] =	vst.idx.msk $0xffff, v4  }
0x87: {  	[tilespmem:v52+s7+$0x0] =	vst.idx.msk $0xffff, v3  }
0x88: {  	v3 =	vld [tilespmem:$0x1A0];
	_ =	sdelay $0x4  }
0x89: {  	v4 =	vand.u32 $0xFFFFFF80, v3  }
0x8a: {  	v3 =	vand.u32 $0x7F, v3;
	[tilespmem:v53+s7+$0x0] =	vst.idx.msk $0xffff, v4  }
0x8b: {  	[tilespmem:v54+s7+$0x0] =	vst.idx.msk $0xffff, v3  }
0x8c: {  	v3 =	vld [tilespmem:$0x1B0];
	_ =	sdelay $0x4  }
0x8d: {  	v4 =	vand.u32 $0xFFFFFF80, v3  }
0x8e: {  	v3 =	vand.u32 $0x7F, v3;
	[tilespmem:v55+s7+$0x0] =	vst.idx.msk $0xffff, v4  }
0x8f: {  	[tilespmem:v56+s7+$0x0] =	vst.idx.msk $0xffff, v3  }
0x90: {  	v3 =	vld [tilespmem:$0x1C0];
	_ =	sdelay $0x4  }
0x91: {  	v4 =	vand.u32 $0xFFFFFF80, v3  }
0x92: {  	v3 =	vand.u32 $0x7F, v3;
	[tilespmem:v57+s7+$0x0] =	vst.idx.msk $0xffff, v4  }
0x93: {  	[tilespmem:v58+s7+$0x0] =	vst.idx.msk $0xffff, v3  }
0x94: {  	v3 =	vld [tilespmem:$0x1D0];
	_ =	sdelay $0x4  }
0x95: {  	v4 =	vand.u32 $0xFFFFFF80, v3  }
0x96: {  	v3 =	vand.u32 $0x7F, v3;
	[tilespmem:v59+s7+$0x0] =	vst.idx.msk $0xffff, v4  }
0x97: {  	[tilespmem:v60+s7+$0x0] =	vst.idx.msk $0xffff, v3  }
0x98: {  	v3 =	vld [tilespmem:$0x1E0];
	_ =	sdelay $0x4  }
0x99: {  	v4 =	vand.u32 $0xFFFFFF80, v3  }
0x9a: {  	v3 =	vand.u32 $0x7F, v3;
	[tilespmem:v61+s7+$0x0] =	vst.idx.msk $0xffff, v4  }
0x9b: {  	[tilespmem:v62+s7+$0x0] =	vst.idx.msk $0xffff, v3  }
0x9c: {  	v3 =	vld [tilespmem:$0x1F0];
	_ =	sdelay $0x4  }
0x9d: {  	v4 =	vand.u32 $0xFFFFFF80, v3  }
0x9e: {  	v3 =	vand.u32 $0x7F, v3;
	[tilespmem:v63+s7+$0x0] =	vst.idx.msk $0xffff, v4  }
0x9f: {  	[tilespmem:v2+s7+$0x0] =	vst.idx.msk $0xffff, v3  }
0xa0: {  	v3 =	vld [tilespmem:$0x200];
	_ =	sdelay $0x4  }
0xa1: {  	(v2sf) =	vpush v3, $0x0;
	_ =	sdelay $0xe  }
0xa2: {  	s1 =	spop (v2sf)  }
0xa3: {  	s1 =	sand.u32 $0xFFFFF80, s1  }
0xa4: {  	s1 =	sadd.s32 s0, s1  }
0xa5: {  	[tilespmem:s11], [sflag:$0x1] =	stream.strided.gather [hbm4b:s1+s9], $0x2000, s10, s9, $0x38;
	[tilespmem:$0x1A200] =	vst v63  }
0xa6: {  	v3 =	vld [tilespmem:$0x210];
	_ =	sdelay $0x4  }
0xa7: {  	(v2sf) =	vpush v3, $0x0;
	_ =	sdelay $0xe  }
0xa8: {  	s2 =	spop (v2sf)  }
0xa9: {  	s1 =	sand.u32 $0xFFFFF80, s2  }
0xaa: {  	s1 =	sadd.s32 s0, s1  }
0xab: {  	[tilespmem:s12], [sflag:$0x2] =	stream.strided.gather [hbm4b:s1+s9], $0x2000, s10, s9, $0x38;
	[tilespmem:$0x1A200] =	vst v63  }
0xac: {  	v3 =	vld [tilespmem:$0x220];
	_ =	sdelay $0x4  }
0xad: {  	(v2sf) =	vpush v3, $0x0;
	_ =	sdelay $0xe  }
0xae: {  	s2 =	spop (v2sf)  }
0xaf: {  	s1 =	sand.u32 $0xFFFFF80, s2  }
0xb0: {  	s1 =	sadd.s32 s0, s1  }
0xb1: {  	[tilespmem:s13], [sflag:$0x3] =	stream.strided.gather [hbm4b:s1+s9], $0x2000, s10, s9, $0x38;
	[tilespmem:$0x1A200] =	vst v63  }
0xb2: {  	v3 =	vld [tilespmem:$0x230];
	_ =	sdelay $0x4  }
0xb3: {  	(v2sf) =	vpush v3, $0x0;
	_ =	sdelay $0xe  }
0xb4: {  	s2 =	spop (v2sf)  }
0xb5: {  	s1 =	sand.u32 $0xFFFFF80, s2  }
0xb6: {  	s1 =	sadd.s32 s0, s1  }
0xb7: {  	[tilespmem:s14], [sflag:$0x4] =	stream.strided.gather [hbm4b:s1+s9], $0x2000, s10, s9, $0x38;
	[tilespmem:$0x1A200] =	vst v63  }
0xb8: {  	v3 =	vld [tilespmem:$0x240];
	_ =	sdelay $0x4  }
0xb9: {  	(v2sf) =	vpush v3, $0x0;
	_ =	sdelay $0xe  }
0xba: {  	s2 =	spop (v2sf)  }
0xbb: {  	s1 =	sand.u32 $0xFFFFF80, s2  }
0xbc: {  	s1 =	sadd.s32 s0, s1  }
0xbd: {  	[tilespmem:s15], [sflag:$0x5] =	stream.strided.gather [hbm4b:s1+s9], $0x2000, s10, s9, $0x38;
	[tilespmem:$0x1A200] =	vst v63  }
0xbe: {  	v3 =	vld [tilespmem:$0x250];
	_ =	sdelay $0x4  }
0xbf: {  	(v2sf) =	vpush v3, $0x0;
	_ =	sdelay $0xe  }
0xc0: {  	s2 =	spop (v2sf)  }
0xc1: {  	s1 =	sand.u32 $0xFFFFF80, s2  }
0xc2: {  	s1 =	sadd.s32 s0, s1  }
0xc3: {  	[tilespmem:s16], [sflag:$0x6] =	stream.strided.gather [hbm4b:s1+s9], $0x2000, s10, s9, $0x38;
	[tilespmem:$0x1A200] =	vst v63  }
0xc4: {  	v3 =	vld [tilespmem:$0x260];
	_ =	sdelay $0x4  }
0xc5: {  	(v2sf) =	vpush v3, $0x0;
	_ =	sdelay $0xe  }
0xc6: {  	s2 =	spop (v2sf)  }
0xc7: {  	s1 =	sand.u32 $0xFFFFF80, s2  }
0xc8: {  	s1 =	sadd.s32 s0, s1  }
0xc9: {  	[tilespmem:s17], [sflag:$0x7] =	stream.strided.gather [hbm4b:s1+s9], $0x2000, s10, s9, $0x38;
	[tilespmem:$0x1A200] =	vst v63  }
0xca: {  	v3 =	vld [tilespmem:$0x270];
	_ =	sdelay $0x4  }
0xcb: {  	(v2sf) =	vpush v3, $0x0;
	_ =	sdelay $0xe  }
0xcc: {  	s2 =	spop (v2sf)  }
0xcd: {  	s1 =	sand.u32 $0xFFFFF80, s2  }
0xce: {  	s30 =	simm.s32 $0x12300;
	s31 =	simm.s32 $0x0;
	s1 =	sadd.s32 s0, s1  }
0xcf: {  	[tilespmem:s18], [sflag:$0x8] =	stream.strided.gather [hbm4b:s1+s9], $0x2000, s10, s9, $0x38;
	[tilespmem:$0x1A200] =	vst v63  }
.LBB2_2:
0xd0: {  	_ =	swait.ge [sflag:s19], $0x2000  }
0xd1: {  	[sflag:s19] =	ssyncset.done $0x0  }
0xd2: {  	s1 =	sshra.s32 s31, $0x2;
	[sflag:s19] =	ssyncadd.s32 $0xFFFFE000  }
0xd3: {  	v3 =	vld [tilespmem:s1+$0x200];
	_ =	sdelay $0x4  }
0xd4: {  	v7 =	vbroadcast v3, $0x1;
	v3 =	vmul.u32 $0x80, v0;
	_ =	sdelay $0x1  }
0xd5: {  	v4 =	vadd.s32 v3, v7;
	_ =	sdelay $0x4  }
0xd6: {  	v5 =	vld.idx.msk [tilespmem:v4+s11+$0x0], $0xffff;
	v4 =	vor.u32 $0x800, v3  }
0xd7: {  	v6 =	vadd.s32 v4, v7;
	_ =	sdelay $0x3  }
0xd8: {  	[tilespmem:s30+$0xFFFFFF00] =	vst v5  }
0xd9: {  	v5 =	vor.u32 $0x1000, v3;
	v6 =	vld.idx.msk [tilespmem:v6+s11+$0x0], $0xffff  }
0xda: {  	v8 =	vadd.s32 v5, v7;
	_ =	sdelay $0x3  }
0xdb: {  	[tilespmem:s30+$0xFFFFFF10] =	vst v6  }
0xdc: {  	v6 =	vor.u32 $0x1800, v3;
	v8 =	vld.idx.msk [tilespmem:v8+s11+$0x0], $0xffff  }
0xdd: {  	v7 =	vadd.s32 v6, v7;
	_ =	sdelay $0x3  }
0xde: {  	[tilespmem:s30+$0xFFFFFF20] =	vst v8  }
0xdf: {  	v7 =	vld.idx.msk [tilespmem:v7+s11+$0x0], $0xffff;
	_ =	sdelay $0x4  }
0xe0: {  	[tilespmem:s30+$0xFFFFFF30] =	vst v7  }
0xe1: {  	v7 =	vld [tilespmem:s1+$0x280];
	_ =	sdelay $0x4  }
0xe2: {  	(v2sf) =	vpush v7, $0x0;
	_ =	sdelay $0xe  }
0xe3: {  	s2 =	spop (v2sf)  }
0xe4: {  	s2 =	sand.u32 $0xFFFFF80, s2  }
0xe5: {  	s2 =	sadd.s32 s0, s2  }
0xe6: {  	[tilespmem:s11], [sflag:$0x1] =	stream.strided.gather [hbm4b:s2+s9], $0x2000, s10, s9, $0x38;
	[tilespmem:$0x1A200] =	vst v63  }
0xe7: {  	_ =	swait.ge [sflag:s20], $0x2000  }
0xe8: {  	[sflag:s20] =	ssyncset.done $0x0  }
0xe9: {  	[sflag:s20] =	ssyncadd.s32 $0xFFFFE000  }
0xea: {  	v7 =	vld [tilespmem:s1+$0x210];
	_ =	sdelay $0x4  }
0xeb: {  	v7 =	vbroadcast v7, $0x1;
	_ =	sdelay $0x1  }
0xec: {  	v8 =	vadd.s32 v3, v7;
	_ =	sdelay $0x4  }
0xed: {  	v8 =	vld.idx.msk [tilespmem:v8+s12+$0x0], $0xffff  }
0xee: {  	v9 =	vadd.s32 v4, v7;
	_ =	sdelay $0x3  }
0xef: {  	[tilespmem:s30+$0xFFFFFF40] =	vst v8  }
0xf0: {  	v8 =	vld.idx.msk [tilespmem:v9+s12+$0x0], $0xffff  }
0xf1: {  	v9 =	vadd.s32 v5, v7;
	_ =	sdelay $0x3  }
0xf2: {  	[tilespmem:s30+$0xFFFFFF50] =	vst v8  }
0xf3: {  	v8 =	vld.idx.msk [tilespmem:v9+s12+$0x0], $0xffff  }
0xf4: {  	v7 =	vadd.s32 v6, v7;
	_ =	sdelay $0x3  }
0xf5: {  	[tilespmem:s30+$0xFFFFFF60] =	vst v8  }
0xf6: {  	v7 =	vld.idx.msk [tilespmem:v7+s12+$0x0], $0xffff;
	_ =	sdelay $0x4  }
0xf7: {  	[tilespmem:s30+$0xFFFFFF70] =	vst v7  }
0xf8: {  	v7 =	vld [tilespmem:s1+$0x290];
	_ =	sdelay $0x4  }
0xf9: {  	(v2sf) =	vpush v7, $0x0;
	_ =	sdelay $0xe  }
0xfa: {  	s2 =	spop (v2sf)  }
0xfb: {  	s2 =	sand.u32 $0xFFFFF80, s2  }
0xfc: {  	s2 =	sadd.s32 s0, s2  }
0xfd: {  	[tilespmem:s12], [sflag:$0x2] =	stream.strided.gather [hbm4b:s2+s9], $0x2000, s10, s9, $0x38;
	[tilespmem:$0x1A200] =	vst v63  }
0xfe: {  	_ =	swait.ge [sflag:s21], $0x2000  }
0xff: {  	[sflag:s21] =	ssyncset.done $0x0  }
0x100: {  	[sflag:s21] =	ssyncadd.s32 $0xFFFFE000  }
0x101: {  	v7 =	vld [tilespmem:s1+$0x220];
	_ =	sdelay $0x4  }
0x102: {  	v7 =	vbroadcast v7, $0x1;
	_ =	sdelay $0x1  }
0x103: {  	v8 =	vadd.s32 v3, v7;
	_ =	sdelay $0x4  }
0x104: {  	v8 =	vld.idx.msk [tilespmem:v8+s13+$0x0], $0xffff  }
0x105: {  	v9 =	vadd.s32 v4, v7;
	_ =	sdelay $0x3  }
0x106: {  	[tilespmem:s30+$0xFFFFFF80] =	vst v8  }
0x107: {  	v8 =	vld.idx.msk [tilespmem:v9+s13+$0x0], $0xffff  }
0x108: {  	v9 =	vadd.s32 v5, v7;
	_ =	sdelay $0x3  }
0x109: {  	[tilespmem:s30+$0xFFFFFF90] =	vst v8  }
0x10a: {  	v8 =	vld.idx.msk [tilespmem:v9+s13+$0x0], $0xffff  }
0x10b: {  	v7 =	vadd.s32 v6, v7;
	_ =	sdelay $0x3  }
0x10c: {  	[tilespmem:s30+$0xFFFFFFA0] =	vst v8  }
0x10d: {  	v7 =	vld.idx.msk [tilespmem:v7+s13+$0x0], $0xffff;
	_ =	sdelay $0x4  }
0x10e: {  	[tilespmem:s30+$0xFFFFFFB0] =	vst v7  }
0x10f: {  	v7 =	vld [tilespmem:s1+$0x2A0];
	_ =	sdelay $0x4  }
0x110: {  	(v2sf) =	vpush v7, $0x0;
	_ =	sdelay $0xe  }
0x111: {  	s2 =	spop (v2sf)  }
0x112: {  	s2 =	sand.u32 $0xFFFFF80, s2  }
0x113: {  	s2 =	sadd.s32 s0, s2  }
0x114: {  	[tilespmem:s13], [sflag:$0x3] =	stream.strided.gather [hbm4b:s2+s9], $0x2000, s10, s9, $0x38;
	[tilespmem:$0x1A200] =	vst v63  }
0x115: {  	_ =	swait.ge [sflag:s22], $0x2000  }
0x116: {  	[sflag:s22] =	ssyncset.done $0x0  }
0x117: {  	[sflag:s22] =	ssyncadd.s32 $0xFFFFE000  }
0x118: {  	v7 =	vld [tilespmem:s1+$0x230];
	_ =	sdelay $0x4  }
0x119: {  	v7 =	vbroadcast v7, $0x1;
	_ =	sdelay $0x1  }
0x11a: {  	v8 =	vadd.s32 v3, v7;
	_ =	sdelay $0x4  }
0x11b: {  	v8 =	vld.idx.msk [tilespmem:v8+s14+$0x0], $0xffff  }
0x11c: {  	v9 =	vadd.s32 v4, v7;
	_ =	sdelay $0x3  }
0x11d: {  	[tilespmem:s30+$0xFFFFFFC0] =	vst v8  }
0x11e: {  	v8 =	vld.idx.msk [tilespmem:v9+s14+$0x0], $0xffff  }
0x11f: {  	v9 =	vadd.s32 v5, v7;
	_ =	sdelay $0x3  }
0x120: {  	[tilespmem:s30+$0xFFFFFFD0] =	vst v8  }
0x121: {  	v8 =	vld.idx.msk [tilespmem:v9+s14+$0x0], $0xffff  }
0x122: {  	v7 =	vadd.s32 v6, v7;
	_ =	sdelay $0x3  }
0x123: {  	[tilespmem:s30+$0xFFFFFFE0] =	vst v8  }
0x124: {  	v7 =	vld.idx.msk [tilespmem:v7+s14+$0x0], $0xffff;
	_ =	sdelay $0x4  }
0x125: {  	[tilespmem:s30+$0xFFFFFFF0] =	vst v7  }
0x126: {  	v7 =	vld [tilespmem:s1+$0x2B0];
	_ =	sdelay $0x4  }
0x127: {  	(v2sf) =	vpush v7, $0x0;
	_ =	sdelay $0xe  }
0x128: {  	s2 =	spop (v2sf)  }
0x129: {  	s2 =	sand.u32 $0xFFFFF80, s2  }
0x12a: {  	s2 =	sadd.s32 s0, s2  }
0x12b: {  	[tilespmem:s14], [sflag:$0x4] =	stream.strided.gather [hbm4b:s2+s9], $0x2000, s10, s9, $0x38;
	[tilespmem:$0x1A200] =	vst v63  }
0x12c: {  	_ =	swait.ge [sflag:s23], $0x2000  }
0x12d: {  	[sflag:s23] =	ssyncset.done $0x0  }
0x12e: {  	[sflag:s23] =	ssyncadd.s32 $0xFFFFE000  }
0x12f: {  	v7 =	vld [tilespmem:s1+$0x240];
	_ =	sdelay $0x4  }
0x130: {  	v7 =	vbroadcast v7, $0x1;
	_ =	sdelay $0x1  }
0x131: {  	v8 =	vadd.s32 v3, v7;
	_ =	sdelay $0x4  }
0x132: {  	v8 =	vld.idx.msk [tilespmem:v8+s15+$0x0], $0xffff  }
0x133: {  	v9 =	vadd.s32 v4, v7;
	_ =	sdelay $0x3  }
0x134: {  	[tilespmem:s30+$0x0] =	vst v8  }
0x135: {  	v8 =	vld.idx.msk [tilespmem:v9+s15+$0x0], $0xffff  }
0x136: {  	v9 =	vadd.s32 v5, v7;
	_ =	sdelay $0x3  }
0x137: {  	[tilespmem:s30+$0x10] =	vst v8  }
0x138: {  	v8 =	vld.idx.msk [tilespmem:v9+s15+$0x0], $0xffff  }
0x139: {  	v7 =	vadd.s32 v6, v7;
	_ =	sdelay $0x3  }
0x13a: {  	[tilespmem:s30+$0x20] =	vst v8  }
0x13b: {  	v7 =	vld.idx.msk [tilespmem:v7+s15+$0x0], $0xffff;
	_ =	sdelay $0x4  }
0x13c: {  	[tilespmem:s30+$0x30] =	vst v7  }
0x13d: {  	v7 =	vld [tilespmem:s1+$0x2C0];
	_ =	sdelay $0x4  }
0x13e: {  	(v2sf) =	vpush v7, $0x0;
	_ =	sdelay $0xe  }
0x13f: {  	s2 =	spop (v2sf)  }
0x140: {  	s2 =	sand.u32 $0xFFFFF80, s2  }
0x141: {  	s2 =	sadd.s32 s0, s2  }
0x142: {  	[tilespmem:s15], [sflag:$0x5] =	stream.strided.gather [hbm4b:s2+s9], $0x2000, s10, s9, $0x38;
	[tilespmem:$0x1A200] =	vst v63  }
0x143: {  	_ =	swait.ge [sflag:s24], $0x2000  }
0x144: {  	[sflag:s24] =	ssyncset.done $0x0  }
0x145: {  	[sflag:s24] =	ssyncadd.s32 $0xFFFFE000  }
0x146: {  	v7 =	vld [tilespmem:s1+$0x250];
	_ =	sdelay $0x4  }
0x147: {  	v7 =	vbroadcast v7, $0x1;
	_ =	sdelay $0x1  }
0x148: {  	v8 =	vadd.s32 v3, v7;
	_ =	sdelay $0x4  }
0x149: {  	v8 =	vld.idx.msk [tilespmem:v8+s16+$0x0], $0xffff  }
0x14a: {  	v9 =	vadd.s32 v4, v7;
	_ =	sdelay $0x3  }
0x14b: {  	[tilespmem:s30+$0x40] =	vst v8  }
0x14c: {  	v8 =	vld.idx.msk [tilespmem:v9+s16+$0x0], $0xffff  }
0x14d: {  	v9 =	vadd.s32 v5, v7;
	_ =	sdelay $0x3  }
0x14e: {  	[tilespmem:s30+$0x50] =	vst v8  }
0x14f: {  	v8 =	vld.idx.msk [tilespmem:v9+s16+$0x0], $0xffff  }
0x150: {  	v7 =	vadd.s32 v6, v7;
	_ =	sdelay $0x3  }
0x151: {  	[tilespmem:s30+$0x60] =	vst v8  }
0x152: {  	v7 =	vld.idx.msk [tilespmem:v7+s16+$0x0], $0xffff;
	_ =	sdelay $0x4  }
0x153: {  	[tilespmem:s30+$0x70] =	vst v7  }
0x154: {  	v7 =	vld [tilespmem:s1+$0x2D0];
	_ =	sdelay $0x4  }
0x155: {  	(v2sf) =	vpush v7, $0x0;
	_ =	sdelay $0xe  }
0x156: {  	s2 =	spop (v2sf)  }
0x157: {  	s2 =	sand.u32 $0xFFFFF80, s2  }
0x158: {  	s2 =	sadd.s32 s0, s2  }
0x159: {  	[tilespmem:s16], [sflag:$0x6] =	stream.strided.gather [hbm4b:s2+s9], $0x2000, s10, s9, $0x38;
	[tilespmem:$0x1A200] =	vst v63  }
0x15a: {  	_ =	swait.ge [sflag:s25], $0x2000  }
0x15b: {  	[sflag:s25] =	ssyncset.done $0x0  }
0x15c: {  	[sflag:s25] =	ssyncadd.s32 $0xFFFFE000  }
0x15d: {  	v7 =	vld [tilespmem:s1+$0x260];
	_ =	sdelay $0x4  }
0x15e: {  	v7 =	vbroadcast v7, $0x1;
	_ =	sdelay $0x1  }
0x15f: {  	v8 =	vadd.s32 v3, v7;
	_ =	sdelay $0x4  }
0x160: {  	v8 =	vld.idx.msk [tilespmem:v8+s17+$0x0], $0xffff  }
0x161: {  	v9 =	vadd.s32 v4, v7;
	_ =	sdelay $0x3  }
0x162: {  	[tilespmem:s30+$0x80] =	vst v8  }
0x163: {  	v8 =	vld.idx.msk [tilespmem:v9+s17+$0x0], $0xffff  }
0x164: {  	v9 =	vadd.s32 v5, v7;
	_ =	sdelay $0x3  }
0x165: {  	[tilespmem:s30+$0x90] =	vst v8  }
0x166: {  	v8 =	vld.idx.msk [tilespmem:v9+s17+$0x0], $0xffff  }
0x167: {  	v7 =	vadd.s32 v6, v7;
	_ =	sdelay $0x3  }
0x168: {  	[tilespmem:s30+$0xA0] =	vst v8  }
0x169: {  	v7 =	vld.idx.msk [tilespmem:v7+s17+$0x0], $0xffff;
	_ =	sdelay $0x4  }
0x16a: {  	[tilespmem:s30+$0xB0] =	vst v7  }
0x16b: {  	v7 =	vld [tilespmem:s1+$0x2E0];
	_ =	sdelay $0x4  }
0x16c: {  	(v2sf) =	vpush v7, $0x0;
	_ =	sdelay $0xe  }
0x16d: {  	s2 =	spop (v2sf)  }
0x16e: {  	s2 =	sand.u32 $0xFFFFF80, s2  }
0x16f: {  	s2 =	sadd.s32 s0, s2  }
0x170: {  	[tilespmem:s17], [sflag:$0x7] =	stream.strided.gather [hbm4b:s2+s9], $0x2000, s10, s9, $0x38;
	[tilespmem:$0x1A200] =	vst v63  }
0x171: {  	_ =	swait.ge [sflag:s26], $0x2000  }
0x172: {  	[sflag:s26] =	ssyncset.done $0x0  }
0x173: {  	[sflag:s26] =	ssyncadd.s32 $0xFFFFE000  }
0x174: {  	v7 =	vld [tilespmem:s1+$0x270];
	_ =	sdelay $0x4  }
0x175: {  	v7 =	vbroadcast v7, $0x1;
	_ =	sdelay $0x1  }
0x176: {  	v8 =	vadd.s32 v3, v7;
	_ =	sdelay $0x4  }
0x177: {  	v8 =	vld.idx.msk [tilespmem:v8+s18+$0x0], $0xffff  }
0x178: {  	v9 =	vadd.s32 v4, v7;
	_ =	sdelay $0x3  }
0x179: {  	[tilespmem:s30+$0xC0] =	vst v8  }
0x17a: {  	v8 =	vld.idx.msk [tilespmem:v9+s18+$0x0], $0xffff  }
0x17b: {  	v9 =	vadd.s32 v5, v7;
	_ =	sdelay $0x3  }
0x17c: {  	[tilespmem:s30+$0xD0] =	vst v8  }
0x17d: {  	v8 =	vld.idx.msk [tilespmem:v9+s18+$0x0], $0xffff  }
0x17e: {  	v7 =	vadd.s32 v6, v7;
	_ =	sdelay $0x3  }
0x17f: {  	[tilespmem:s30+$0xE0] =	vst v8  }
0x180: {  	v7 =	vld.idx.msk [tilespmem:v7+s18+$0x0], $0xffff;
	_ =	sdelay $0x4  }
0x181: {  	[tilespmem:s30+$0xF0] =	vst v7  }
0x182: {  	v7 =	vld [tilespmem:s1+$0x2F0];
	_ =	sdelay $0x4  }
0x183: {  	(v2sf) =	vpush v7, $0x0;
	_ =	sdelay $0xc  }
0x184: {  	p0 =	sne.s32 s31, $0x7C00  }
.Ltmp0:
0x185: {  	_ = 	snop;
	(pc) =	sbr.rel @p0 .LBB2_2-.Ltmp0, $4  }
0x186: {  	s2 =	spop (v2sf)  }
0x187: {  	s1 =	sand.u32 $0xFFFFF80, s2  }
0x188: {  	s31 =	sadd.s32 $0x200, s31;
	s30 =	sadd.s32 $0x200, s30;
	s1 =	sadd.s32 s0, s1  }
0x189: {  	[tilespmem:s18], [sflag:$0x8] =	stream.strided.gather [hbm4b:s1+s9], $0x2000, s10, s9, $0x38;
	[tilespmem:$0x1A200] =	vst v63  }
0x18a: {  	_ =	swait.ge [sflag:s19], $0x2000  }
0x18b: {  	[sflag:s19] =	ssyncset.done $0x0  }
0x18c: {  	[sflag:s19] =	ssyncadd.s32 $0xFFFFE000  }
0x18d: {  	v7 =	vld [tilespmem:$0x2180];
	_ =	sdelay $0x4  }
0x18e: {  	v7 =	vbroadcast v7, $0x1;
	_ =	sdelay $0x1  }
0x18f: {  	v8 =	vadd.s32 v3, v7;
	_ =	sdelay $0x4  }
0x190: {  	v8 =	vld.idx.msk [tilespmem:v8+s11+$0x0], $0xffff  }
0x191: {  	v9 =	vadd.s32 v4, v7;
	_ =	sdelay $0x3  }
0x192: {  	[tilespmem:$0x1A000] =	vst v8  }
0x193: {  	v8 =	vld.idx.msk [tilespmem:v9+s11+$0x0], $0xffff  }
0x194: {  	v9 =	vadd.s32 v5, v7;
	_ =	sdelay $0x3  }
0x195: {  	[tilespmem:$0x1A010] =	vst v8  }
0x196: {  	v8 =	vld.idx.msk [tilespmem:v9+s11+$0x0], $0xffff  }
0x197: {  	v7 =	vadd.s32 v6, v7;
	_ =	sdelay $0x3  }
0x198: {  	[tilespmem:$0x1A020] =	vst v8  }
0x199: {  	v7 =	vld.idx.msk [tilespmem:v7+s11+$0x0], $0xffff;
	_ =	sdelay $0x4  }
0x19a: {  	[tilespmem:$0x1A030] =	vst v7  }
0x19b: {  	_ =	swait.ge [sflag:s20], $0x2000  }
0x19c: {  	[sflag:s20] =	ssyncset.done $0x0  }
0x19d: {  	[sflag:s20] =	ssyncadd.s32 $0xFFFFE000  }
0x19e: {  	v7 =	vld [tilespmem:$0x2190];
	_ =	sdelay $0x4  }
0x19f: {  	v7 =	vbroadcast v7, $0x1;
	_ =	sdelay $0x1  }
0x1a0: {  	v8 =	vadd.s32 v3, v7;
	_ =	sdelay $0x4  }
0x1a1: {  	v8 =	vld.idx.msk [tilespmem:v8+s12+$0x0], $0xffff  }
0x1a2: {  	v9 =	vadd.s32 v4, v7;
	_ =	sdelay $0x3  }
0x1a3: {  	[tilespmem:$0x1A040] =	vst v8  }
0x1a4: {  	v8 =	vld.idx.msk [tilespmem:v9+s12+$0x0], $0xffff  }
0x1a5: {  	v9 =	vadd.s32 v5, v7;
	_ =	sdelay $0x3  }
0x1a6: {  	[tilespmem:$0x1A050] =	vst v8  }
0x1a7: {  	v8 =	vld.idx.msk [tilespmem:v9+s12+$0x0], $0xffff  }
0x1a8: {  	v7 =	vadd.s32 v6, v7;
	_ =	sdelay $0x3  }
0x1a9: {  	[tilespmem:$0x1A060] =	vst v8  }
0x1aa: {  	v7 =	vld.idx.msk [tilespmem:v7+s12+$0x0], $0xffff;
	_ =	sdelay $0x4  }
0x1ab: {  	[tilespmem:$0x1A070] =	vst v7  }
0x1ac: {  	_ =	swait.ge [sflag:s21], $0x2000  }
0x1ad: {  	[sflag:s21] =	ssyncset.done $0x0  }
0x1ae: {  	[sflag:s21] =	ssyncadd.s32 $0xFFFFE000  }
0x1af: {  	v7 =	vld [tilespmem:$0x21A0];
	_ =	sdelay $0x4  }
0x1b0: {  	v7 =	vbroadcast v7, $0x1;
	_ =	sdelay $0x1  }
0x1b1: {  	v8 =	vadd.s32 v3, v7;
	_ =	sdelay $0x4  }
0x1b2: {  	v8 =	vld.idx.msk [tilespmem:v8+s13+$0x0], $0xffff  }
0x1b3: {  	v9 =	vadd.s32 v4, v7;
	_ =	sdelay $0x3  }
0x1b4: {  	[tilespmem:$0x1A080] =	vst v8  }
0x1b5: {  	v8 =	vld.idx.msk [tilespmem:v9+s13+$0x0], $0xffff  }
0x1b6: {  	v9 =	vadd.s32 v5, v7;
	_ =	sdelay $0x3  }
0x1b7: {  	[tilespmem:$0x1A090] =	vst v8  }
0x1b8: {  	v8 =	vld.idx.msk [tilespmem:v9+s13+$0x0], $0xffff  }
0x1b9: {  	v7 =	vadd.s32 v6, v7;
	_ =	sdelay $0x3  }
0x1ba: {  	[tilespmem:$0x1A0A0] =	vst v8  }
0x1bb: {  	v7 =	vld.idx.msk [tilespmem:v7+s13+$0x0], $0xffff;
	_ =	sdelay $0x4  }
0x1bc: {  	[tilespmem:$0x1A0B0] =	vst v7  }
0x1bd: {  	_ =	swait.ge [sflag:s22], $0x2000  }
0x1be: {  	[sflag:s22] =	ssyncset.done $0x0  }
0x1bf: {  	[sflag:s22] =	ssyncadd.s32 $0xFFFFE000  }
0x1c0: {  	v7 =	vld [tilespmem:$0x21B0];
	_ =	sdelay $0x4  }
0x1c1: {  	v7 =	vbroadcast v7, $0x1;
	_ =	sdelay $0x1  }
0x1c2: {  	v8 =	vadd.s32 v3, v7;
	_ =	sdelay $0x4  }
0x1c3: {  	v8 =	vld.idx.msk [tilespmem:v8+s14+$0x0], $0xffff  }
0x1c4: {  	v9 =	vadd.s32 v4, v7;
	_ =	sdelay $0x3  }
0x1c5: {  	[tilespmem:$0x1A0C0] =	vst v8  }
0x1c6: {  	v8 =	vld.idx.msk [tilespmem:v9+s14+$0x0], $0xffff  }
0x1c7: {  	v9 =	vadd.s32 v5, v7;
	_ =	sdelay $0x3  }
0x1c8: {  	[tilespmem:$0x1A0D0] =	vst v8  }
0x1c9: {  	v8 =	vld.idx.msk [tilespmem:v9+s14+$0x0], $0xffff  }
0x1ca: {  	v7 =	vadd.s32 v6, v7;
	_ =	sdelay $0x3  }
0x1cb: {  	[tilespmem:$0x1A0E0] =	vst v8  }
0x1cc: {  	v7 =	vld.idx.msk [tilespmem:v7+s14+$0x0], $0xffff;
	_ =	sdelay $0x4  }
0x1cd: {  	[tilespmem:$0x1A0F0] =	vst v7  }
0x1ce: {  	_ =	swait.ge [sflag:s23], $0x2000  }
0x1cf: {  	[sflag:s23] =	ssyncset.done $0x0  }
0x1d0: {  	[sflag:s23] =	ssyncadd.s32 $0xFFFFE000  }
0x1d1: {  	v7 =	vld [tilespmem:$0x21C0];
	_ =	sdelay $0x4  }
0x1d2: {  	v7 =	vbroadcast v7, $0x1;
	_ =	sdelay $0x1  }
0x1d3: {  	v8 =	vadd.s32 v3, v7;
	_ =	sdelay $0x4  }
0x1d4: {  	v8 =	vld.idx.msk [tilespmem:v8+s15+$0x0], $0xffff  }
0x1d5: {  	v9 =	vadd.s32 v4, v7;
	_ =	sdelay $0x3  }
0x1d6: {  	[tilespmem:$0x1A100] =	vst v8  }
0x1d7: {  	v8 =	vld.idx.msk [tilespmem:v9+s15+$0x0], $0xffff  }
0x1d8: {  	v9 =	vadd.s32 v5, v7;
	_ =	sdelay $0x3  }
0x1d9: {  	[tilespmem:$0x1A110] =	vst v8  }
0x1da: {  	v8 =	vld.idx.msk [tilespmem:v9+s15+$0x0], $0xffff  }
0x1db: {  	v7 =	vadd.s32 v6, v7;
	_ =	sdelay $0x3  }
0x1dc: {  	[tilespmem:$0x1A120] =	vst v8  }
0x1dd: {  	v7 =	vld.idx.msk [tilespmem:v7+s15+$0x0], $0xffff;
	_ =	sdelay $0x4  }
0x1de: {  	[tilespmem:$0x1A130] =	vst v7  }
0x1df: {  	_ =	swait.ge [sflag:s24], $0x2000  }
0x1e0: {  	[sflag:s24] =	ssyncset.done $0x0  }
0x1e1: {  	[sflag:s24] =	ssyncadd.s32 $0xFFFFE000  }
0x1e2: {  	v7 =	vld [tilespmem:$0x21D0];
	_ =	sdelay $0x4  }
0x1e3: {  	v7 =	vbroadcast v7, $0x1;
	_ =	sdelay $0x1  }
0x1e4: {  	v8 =	vadd.s32 v3, v7;
	_ =	sdelay $0x4  }
0x1e5: {  	v8 =	vld.idx.msk [tilespmem:v8+s16+$0x0], $0xffff  }
0x1e6: {  	v9 =	vadd.s32 v4, v7;
	_ =	sdelay $0x3  }
0x1e7: {  	[tilespmem:$0x1A140] =	vst v8  }
0x1e8: {  	v8 =	vld.idx.msk [tilespmem:v9+s16+$0x0], $0xffff  }
0x1e9: {  	v9 =	vadd.s32 v5, v7;
	_ =	sdelay $0x3  }
0x1ea: {  	[tilespmem:$0x1A150] =	vst v8  }
0x1eb: {  	v8 =	vld.idx.msk [tilespmem:v9+s16+$0x0], $0xffff  }
0x1ec: {  	v7 =	vadd.s32 v6, v7;
	_ =	sdelay $0x3  }
0x1ed: {  	[tilespmem:$0x1A160] =	vst v8  }
0x1ee: {  	v7 =	vld.idx.msk [tilespmem:v7+s16+$0x0], $0xffff;
	_ =	sdelay $0x4  }
0x1ef: {  	[tilespmem:$0x1A170] =	vst v7  }
0x1f0: {  	_ =	swait.ge [sflag:s25], $0x2000  }
0x1f1: {  	[sflag:s25] =	ssyncset.done $0x0  }
0x1f2: {  	[sflag:s25] =	ssyncadd.s32 $0xFFFFE000  }
0x1f3: {  	v7 =	vld [tilespmem:$0x21E0];
	_ =	sdelay $0x4  }
0x1f4: {  	v7 =	vbroadcast v7, $0x1;
	_ =	sdelay $0x1  }
0x1f5: {  	v8 =	vadd.s32 v3, v7;
	_ =	sdelay $0x4  }
0x1f6: {  	v8 =	vld.idx.msk [tilespmem:v8+s17+$0x0], $0xffff  }
0x1f7: {  	v9 =	vadd.s32 v4, v7;
	_ =	sdelay $0x3  }
0x1f8: {  	[tilespmem:$0x1A180] =	vst v8  }
0x1f9: {  	v8 =	vld.idx.msk [tilespmem:v9+s17+$0x0], $0xffff  }
0x1fa: {  	v9 =	vadd.s32 v5, v7;
	_ =	sdelay $0x3  }
0x1fb: {  	[tilespmem:$0x1A190] =	vst v8  }
0x1fc: {  	v8 =	vld.idx.msk [tilespmem:v9+s17+$0x0], $0xffff  }
0x1fd: {  	v7 =	vadd.s32 v6, v7;
	_ =	sdelay $0x3  }
0x1fe: {  	[tilespmem:$0x1A1A0] =	vst v8  }
0x1ff: {  	v7 =	vld.idx.msk [tilespmem:v7+s17+$0x0], $0xffff;
	_ =	sdelay $0x4  }
0x200: {  	[tilespmem:$0x1A1B0] =	vst v7  }
0x201: {  	_ =	swait.ge [sflag:s26], $0x2000  }
0x202: {  	[sflag:s26] =	ssyncset.done $0x0  }
0x203: {  	[sflag:s26] =	ssyncadd.s32 $0xFFFFE000  }
0x204: {  	v7 =	vld [tilespmem:$0x21F0];
	_ =	sdelay $0x4  }
0x205: {  	v7 =	vbroadcast v7, $0x1;
	_ =	sdelay $0x1  }
0x206: {  	v3 =	vadd.s32 v3, v7;
	_ =	sdelay $0x4  }
0x207: {  	v3 =	vld.idx.msk [tilespmem:v3+s18+$0x0], $0xffff  }
0x208: {  	v4 =	vadd.s32 v4, v7;
	_ =	sdelay $0x3  }
0x209: {  	[tilespmem:$0x1A1C0] =	vst v3  }
0x20a: {  	v3 =	vld.idx.msk [tilespmem:v4+s18+$0x0], $0xffff  }
0x20b: {  	v4 =	vadd.s32 v5, v7;
	_ =	sdelay $0x3  }
0x20c: {  	[tilespmem:$0x1A1D0] =	vst v3  }
0x20d: {  	v3 =	vld.idx.msk [tilespmem:v4+s18+$0x0], $0xffff  }
0x20e: {  	v4 =	vadd.s32 v6, v7;
	_ =	sdelay $0x3  }
0x20f: {  	[tilespmem:$0x1A1E0] =	vst v3  }
0x210: {  	v3 =	vld.idx.msk [tilespmem:v4+s18+$0x0], $0xffff;
	_ =	sdelay $0x2  }
0x211: {  	s29 =	sadd.s32 $0x1, s29  }
0x212: {  	p0 =	sne.s32 s29, s8  }
.Ltmp1:
0x213: {  	[tilespmem:$0x1A1F0] =	vst v3;
	(pc) =	sbr.rel @p0 .LBB2_1-.Ltmp1, $4  }
0x214: {  	[hbm4b:s5+s3] =	stream.linear.scatter [tilespmem:s28], [sflag:$0x9], $0x8000, $0x38;
	[tilespmem:$0x1A200] =	vst v63  }
0x215: {  	_ =	swait.ge [sflag:s6], $0x8000  }
0x216: {  	[sflag:s6] =	ssyncset.done $0x0  }
0x217: {  	[sflag:s6] =	ssyncadd.s32 $0xFFFF8000  }
0x218: {  	_ =	sfence.sel $0x180000  }
0x219: {  	[bflag:$0x0] =	sbarrier.arrive $0xFFFF  }
0x21a: {  	_ =	strace $0x90000047  }
0x21b: {  	s0 =	stileid.u32;
	[bflag:$0x2] =	sbarrier.arrive $0xFFFF  }
0x21c: {  	p0 =	sne.s32 s0, $0x0;
	s0 =	rddreg [dreg:$0x3]  }
0x21d: {  	s0 =	sadd.s32 @!p0 $0x100000, s0  }
0x21e: {  	[sflag:s0] =	ssyncadd.tile.s32 @!p0 $0x1;
	_ =	shalt  }
.Lfunc_end2:
_tile_overlayer_lowered:
.L_overlay_start_2:
0x21f: {  	(tag) =	ssettag $0x2  }
0x220: {  	s0 =	rddreg [dreg:$0x0];
	s2 =	stileid.u32  }
0x221: {  	s1 =	rddreg [dreg:$0x1];
	p0 =	sne.s32 s2, $0x0  }
0x222: {  	s3 =	rddreg [dreg:$0x2];
	[bflag:$0x3] =	sbarrier.arrive $0xFFFF;
	s2 =	simm.s32 @!p0 $0x1C09  }
0x223: {  	[timem:s3], [sflag:s2] =	dma.local @!p0 [hbm:s0], s1  }
0x224: {  	s0 =	simm.s32 @!p0 $0x9  }
0x225: {  	_ =	swait.ge @!p0 [sflag:s0], s1  }
0x226: {  	s1 =	ssub.s32 @!p0 $0x0, s1;
	[sflag:s0] =	ssyncset.done @!p0 $0x0  }
0x227: {  	[sflag:s0] =	ssyncadd.s32 @!p0 s1  }
0x228: {  	[bflag:$0x3] =	sbarrier.arrive $0xFFFF  }
0x229: {  	_ =	shalt  }

</sc_bundles>
